<compile_context>
chip_gen: v7x
topology: tpu7x:2x2x1
jax: 0.10.2.dev20260603
libtpu: 0.0.44.dev20260713+nightly
codegen_flags: <defaults>
</compile_context>

<pallas_src>
import functools

import jax
import jax.numpy as jnp
from jax import lax
from jax.experimental import pallas as pl
from jax.experimental.pallas import tpu as pltpu
from jax.experimental.pallas import tpu_sc as plsc

KNN = 3
NQ = 10000
NS = 10000
NQP = 10240
NSP = 10240
BQ = 512
BD = 512
ND = 128
ED = 16



def _knn_body(qb_ref, pt2_ref, q2_ref, p2_ref, idx_ref, nd_ref):
    qb = qb_ref[...]
    pt2 = pt2_ref[...]
    qp2 = jax.lax.dot_general(qb, pt2, (((1,), (0,)), ((), ())),
                              preferred_element_type=jnp.float32)
    d2 = (q2_ref[...] + p2_ref[...]) - qp2
    x = jnp.maximum(d2, 1e-12)
    col = jax.lax.broadcasted_iota(jnp.int32, (BQ, NSP), 1)
    idxs, nds = [], []
    for k in range(KNN):
        m = jnp.min(x, axis=1, keepdims=True)
        j = jnp.min(jnp.where(x == m, col, NSP), axis=1, keepdims=True)
        idxs.append(j)
        nds.append(jnp.sqrt(m))
        if k + 1 < KNN:
            x = jnp.where(col == j, jnp.float32(jnp.inf), x)
    idx_ref[...] = jnp.concatenate(idxs, axis=1)
    nd_ref[...] = jnp.concatenate(nds, axis=1)


def _knn(query_positions, positions):
    qb = jnp.pad(query_positions.astype(jnp.bfloat16),
                 ((0, NQP - NQ), (0, 5)))
    pt2 = jnp.pad(positions.astype(jnp.bfloat16) * 2,
                  ((0, NSP - NS), (0, 5))).T
    q2 = jnp.pad(jnp.sum(query_positions ** 2, axis=1),
                 (0, NQP - NQ)).reshape(NQP, 1)
    p2 = jnp.pad(jnp.sum(positions ** 2, axis=1),
                 (0, NSP - NS), constant_values=1e12).reshape(1, NSP)
    return pl.pallas_call(
        _knn_body,
        grid=(NQP // BQ,),
        in_specs=[
            pl.BlockSpec((BQ, 8), lambda i: (i, 0)),
            pl.BlockSpec((8, NSP), lambda i: (0, 0)),
            pl.BlockSpec((BQ, 1), lambda i: (i, 0)),
            pl.BlockSpec((1, NSP), lambda i: (0, 0)),
        ],
        out_specs=[
            pl.BlockSpec((BQ, KNN), lambda i: (i, 0)),
            pl.BlockSpec((BQ, KNN), lambda i: (i, 0)),
        ],
        out_shape=[
            jax.ShapeDtypeStruct((NQP, KNN), jnp.int32),
            jax.ShapeDtypeStruct((NQP, KNN), jnp.float32),
        ],
    )(qb, pt2, q2, p2)



_NW = 32
_BPW = NQP // _NW
_CHUNK = 80


@functools.partial(
    pl.kernel,
    mesh=plsc.VectorSubcoreMesh(core_axis_name="c", subcore_axis_name="s"),
    out_type=[jax.ShapeDtypeStruct((NQP, ND), jnp.float32)] * KNN,
    scratch_types=[
        pltpu.VMEM((KNN * _BPW,), jnp.int32),
        pltpu.VMEM((KNN * _BPW, ND), jnp.float32),
        pltpu.SemaphoreType.DMA,
        pltpu.SemaphoreType.DMA,
        pltpu.SemaphoreType.DMA,
        pltpu.SemaphoreType.DMA,
    ],
)
def _sc_gather(table_hbm, i0_hbm, i1_hbm, i2_hbm,
               o0_hbm, o1_hbm, o2_hbm, idx_v, rows_v, sem_i, s0, s1, s2):
    wid = lax.axis_index("s") * 2 + lax.axis_index("c")
    base = wid * _BPW
    sems = (s0, s1, s2)
    icopies = [
        pltpu.async_copy(idx_hbm.at[pl.ds(base, _BPW)],
                         idx_v.at[pl.ds(k * _BPW, _BPW)], sem_i)
        for k, idx_hbm in enumerate((i0_hbm, i1_hbm, i2_hbm))
    ]
    for c in icopies:
        c.wait()
    copies = [
        [pltpu.async_copy(
            table_hbm.at[idx_v.at[pl.ds(k * _BPW + j * _CHUNK, _CHUNK)]],
            rows_v.at[pl.ds(k * _BPW + j * _CHUNK, _CHUNK)], sems[k])
         for j in range(_BPW // _CHUNK)]
        for k in range(KNN)
    ]
    for k, out_hbm in enumerate((o0_hbm, o1_hbm, o2_hbm)):
        for c in copies[k]:
            c.wait()
        pltpu.sync_copy(rows_v.at[pl.ds(k * _BPW, _BPW)],
                        out_hbm.at[pl.ds(base, _BPW)])



_SQRT_HALF = 0.7071067811865476


def _gelu(x):
    return 0.5 * x * (1.0 + jax.lax.erf(x * _SQRT_HALF))


def _bdot(a, b):
    return jax.lax.dot_general(a.astype(jnp.bfloat16), b,
                               (((1,), (0,)), ((), ())),
                               preferred_element_type=jnp.float32)


def _pre_body(g0_ref, g1_ref, g2_ref, ndb_ref, w1s_ref, b1_ref, w2_ref,
              b2_ref, pn_ref, e0_ref, e1_ref, e2_ref):
    s = (g0_ref[...] + g1_ref[...]) + g2_ref[...]
    pn_ref[...] = s / 3.0
    ndb = ndb_ref[...].astype(jnp.float32)
    w1s = w1s_ref[...]
    for k, e_ref in enumerate((e0_ref, e1_ref, e2_ref)):
        h = _gelu(ndb[:, k:k + 1] * w1s + b1_ref[...])
        e_ref[...] = _bdot(h, w2_ref[...]) + b2_ref[...]


def _layer_core(pn, sfs, es,
                eW1a, eW1b, eW1c, eb1, eW2, eb2, nW1a, nW1b, nb1, nW2, nb2):
    rcon = _bdot(pn, eW1b)
    nes = []
    for sf, e in zip(sfs, es):
        xk = _bdot(sf, eW1a) + rcon + _bdot(e, eW1c) + eb1
        nes.append(_bdot(_gelu(xk), eW2) + eb2)
    agg = (nes[0] + nes[1]) + nes[2]
    nx = _bdot(pn, nW1a) + _bdot(agg, nW1b) + nb1
    nn = _bdot(_gelu(nx), nW2) + nb2
    return pn + nn, nes


def _layer_body(pn_ref, s0_ref, s1_ref, s2_ref, e0_ref, e1_ref, e2_ref,
                eW1a_ref, eW1b_ref, eW1c_ref, eb1_ref, eW2_ref, eb2_ref,
                nW1a_ref, nW1b_ref, nb1_ref, nW2_ref, nb2_ref,
                pno_ref, eo0_ref, eo1_ref, eo2_ref):
    es = (e0_ref[...], e1_ref[...], e2_ref[...])
    pno, nes = _layer_core(
        pn_ref[...], (s0_ref[...], s1_ref[...], s2_ref[...]), es,
        eW1a_ref[...], eW1b_ref[...], eW1c_ref[...], eb1_ref[...],
        eW2_ref[...], eb2_ref[...], nW1a_ref[...], nW1b_ref[...],
        nb1_ref[...], nW2_ref[...], nb2_ref[...])
    pno_ref[...] = pno
    for e, ne, eo_ref in zip(es, nes, (eo0_ref, eo1_ref, eo2_ref)):
        eo_ref[...] = e + ne


def _layer_out_body(pn_ref, s0_ref, s1_ref, s2_ref, e0_ref, e1_ref, e2_ref,
                    eW1a_ref, eW1b_ref, eW1c_ref, eb1_ref, eW2_ref, eb2_ref,
                    nW1a_ref, nW1b_ref, nb1_ref, nW2_ref, nb2_ref,
                    oW1_ref, ob1_ref, oW2_ref, ob2_ref, oW3_ref, ob3_ref,
                    o_ref):
    pno, _ = _layer_core(
        pn_ref[...], (s0_ref[...], s1_ref[...], s2_ref[...]),
        (e0_ref[...], e1_ref[...], e2_ref[...]),
        eW1a_ref[...], eW1b_ref[...], eW1c_ref[...], eb1_ref[...],
        eW2_ref[...], eb2_ref[...], nW1a_ref[...], nW1b_ref[...],
        nb1_ref[...], nW2_ref[...], nb2_ref[...])
    h = _gelu(_bdot(pno, oW1_ref[...]) + ob1_ref[...])
    h = _gelu(_bdot(h, oW2_ref[...]) + ob2_ref[...])
    o_ref[...] = _bdot(h, oW3_ref[...]) + ob3_ref[...]


def _full(shape):
    nd = len(shape)
    return pl.BlockSpec(shape, lambda i: (0,) * nd)


def _row(cols):
    return pl.BlockSpec((BD, cols), lambda i: (i, 0))


_GRID = (NQP // BD,)


def _pre(gs, ndb, wts):
    return pl.pallas_call(
        _pre_body,
        grid=_GRID,
        in_specs=[_row(ND)] * 3 + [pl.BlockSpec((BD, KNN), lambda i: (i, 0))]
                 + [_full(w.shape) for w in wts],
        out_specs=[_row(ND), _row(ED), _row(ED), _row(ED)],
        out_shape=[jax.ShapeDtypeStruct((NQP, ND), jnp.float32)]
                  + [jax.ShapeDtypeStruct((NQP, ED), jnp.float32)] * 3,
    )(*gs, ndb, *wts)


def _layer(pn, sfs, es, wts):
    return pl.pallas_call(
        _layer_body,
        grid=_GRID,
        in_specs=[_row(ND)] * 4 + [_row(ED)] * 3
                 + [_full(w.shape) for w in wts],
        out_specs=[_row(ND), _row(ED), _row(ED), _row(ED)],
        out_shape=[jax.ShapeDtypeStruct((NQP, ND), jnp.float32)]
                  + [jax.ShapeDtypeStruct((NQP, ED), jnp.float32)] * 3,
    )(pn, *sfs, *es, *wts)


def _layer_out(pn, sfs, es, wts, owts):
    return pl.pallas_call(
        _layer_out_body,
        grid=_GRID,
        in_specs=[_row(ND)] * 4 + [_row(ED)] * 3
                 + [_full(w.shape) for w in wts]
                 + [_full(w.shape) for w in owts],
        out_specs=pl.BlockSpec((BD, 3), lambda i: (i, 0)),
        out_shape=jax.ShapeDtypeStruct((NQP, 3), jnp.float32),
    )(pn, *sfs, *es, *wts, *owts)


def _layer_wts(lp, bf):
    eW1, eW2 = lp["eW"]
    eb1, eb2 = lp["eb"]
    nW1, nW2 = lp["nW"]
    nb1, nb2 = lp["nb"]
    return (eW1[:ND].astype(bf), eW1[ND:2 * ND].astype(bf),
            eW1[2 * ND:].astype(bf), eb1.reshape(1, ND),
            eW2.astype(bf), eb2.reshape(1, ED),
            nW1[:ND].astype(bf), nW1[ND:].astype(bf), nb1.reshape(1, ND),
            nW2.astype(bf), nb2.reshape(1, ND))


def kernel(nodes, positions, query_positions, params):
    bf = jnp.bfloat16
    f32 = jnp.float32
    idx, nd = _knn(query_positions, positions)
    senders = tuple(idx[:, k] for k in range(KNN))

    encW1, encW2 = params["enc_W"]
    encb1, encb2 = params["enc_b"]
    w1s = jnp.sum(encW1.astype(bf).astype(f32), axis=0).reshape(1, ND)
    ndb = nd.astype(bf)
    pre_wts = (w1s, encb1.reshape(1, ND), encW2.astype(bf),
               encb2.reshape(1, ED))

    gs = _sc_gather(nodes, *senders)
    pn, e0, e1, e2 = _pre(gs, ndb, pre_wts)

    lps = params["layers"]
    sfs = _sc_gather(pn, *senders)
    pn, e0, e1, e2 = _layer(pn, sfs, (e0, e1, e2), _layer_wts(lps[0], bf))

    oW1, oW2, oW3 = params["out_W"]
    ob1, ob2, ob3 = params["out_b"]
    owts = (oW1.astype(bf), ob1.reshape(1, ND),
            oW2.astype(bf), ob2.reshape(1, ND),
            oW3.astype(bf), ob3.reshape(1, 3))
    sfs = _sc_gather(pn, *senders)
    out = _layer_out(pn, sfs, (e0, e1, e2), _layer_wts(lps[1], bf), owts)
    return out[:NQ]

# --- scband reference (transcript-rebuilt; emitter-appended) ---
"""Pipeline reference for scband-probe-decoder-16320875725328 (READ-ONLY COPY).

The authoritative reference and input builder live on the scoring server;
editing this copy changes nothing except your own understanding.
"""

import jax, jax.numpy as jnp
import numpy as np

NODE_DIM = 128
EDGE_DIM = 16
OUT_DIM = 3
HIDDEN = 128
K = 3
N_LAYERS = 2
N_SRC = 10000
N_QRY = 10000
POS_DIM = 3


def _lin_init(key, fan_in, fan_out):
    k1, k2 = jax.random.split(key)
    bound = 1.0 / np.sqrt(fan_in)
    W = jax.random.uniform(k1, (fan_in, fan_out), jnp.float32, -bound, bound)
    b = jax.random.uniform(k2, (fan_out,), jnp.float32, -bound, bound)
    return W, b


def _mlp_params(key, dims):
    Ws, bs = [], []
    for i in range(len(dims) - 1):
        key, sub = jax.random.split(key)
        W, b = _lin_init(sub, dims[i], dims[i + 1])
        Ws.append(W)
        bs.append(b)
    return Ws, bs


def setup_inputs(seed: int = 0) -> dict:
    key = jax.random.key(seed)
    ks = jax.random.split(key, 8)
    nodes = jax.random.normal(ks[0], (N_SRC, NODE_DIM), jnp.float32)
    positions = jax.random.uniform(ks[1], (N_SRC, POS_DIM), jnp.float32)
    query_positions = jax.random.uniform(ks[2], (N_QRY, POS_DIM), jnp.float32)
    params = {}
    eW, eb = _mlp_params(ks[3], [K, HIDDEN, EDGE_DIM])
    params["enc_W"], params["enc_b"] = eW, eb
    layers = []
    for i in range(N_LAYERS):
        kk = jax.random.fold_in(ks[4], i)
        k1, k2 = jax.random.split(kk)
        emW, emb = _mlp_params(k1, [2 * NODE_DIM + EDGE_DIM, HIDDEN, EDGE_DIM])
        nmW, nmb = _mlp_params(k2, [NODE_DIM + EDGE_DIM, HIDDEN, NODE_DIM])
        layers.append({"eW": emW, "eb": emb, "nW": nmW, "nb": nmb})
    params["layers"] = layers
    oW, ob = _mlp_params(ks[5], [NODE_DIM, HIDDEN, HIDDEN, OUT_DIM])
    params["out_W"], params["out_b"] = oW, ob
    return {"nodes": nodes, "positions": positions, "query_positions": query_positions, "params": params}


def _mlp_apply(x, Ws, bs):
    n = len(Ws)
    for i in range(n):
        x = x @ Ws[i] + bs[i]
        if i < n - 1:
            x = jax.nn.gelu(x, approximate=False)
    return x


def reference(nodes, positions, query_positions, params):
    nq = query_positions.shape[0]
    # cdist (Euclidean)
    d2 = (jnp.sum(query_positions ** 2, axis=1)[:, None]
          + jnp.sum(positions ** 2, axis=1)[None, :]
          - 2.0 * (query_positions @ positions.T))
    dist = jnp.sqrt(jnp.maximum(d2, 1e-12))
    # k nearest (smallest distances)
    _, nearest_idx = jax.lax.top_k(-dist, K)
    receivers = jnp.repeat(jnp.arange(nq), K)
    senders = nearest_idx.reshape(-1)
    nearest_d = jnp.take_along_axis(dist, nearest_idx, axis=1)  # [nq, K]
    # rbf encoding: each edge row is its own distance repeated K times
    edge_feats = jnp.broadcast_to(nearest_d.reshape(-1, 1), (nq * K, K))
    edges = _mlp_apply(edge_feats, params["enc_W"], params["enc_b"])
    # initialize probe nodes by mean-aggregating source features of k-NN
    probe_nodes = jnp.zeros((nq, nodes.shape[1]), nodes.dtype).at[receivers].add(nodes[senders])
    counts = jnp.zeros((nq,), jnp.float32).at[receivers].add(jnp.ones((nq * K,), jnp.float32))
    probe_nodes = probe_nodes / (counts[:, None] + 1e-8)
    pn = probe_nodes
    for lp in params["layers"]:
        # NOTE: faithful to original: senders index into probe-graph nodes
        sf = pn[senders]
        rf = pn[receivers]
        ein = jnp.concatenate([sf, rf, edges], axis=-1)
        new_edges = _mlp_apply(ein, lp["eW"], lp["eb"])
        agg = jnp.zeros((pn.shape[0], new_edges.shape[1]), pn.dtype).at[receivers].add(new_edges)
        nin = jnp.concatenate([pn, agg], axis=-1)
        new_nodes = _mlp_apply(nin, lp["nW"], lp["nb"])
        pn = pn + new_nodes
        edges = edges + new_edges
    return _mlp_apply(pn, params["out_W"], params["out_b"])

if __name__ == "__main__":
    import jax
    _d = setup_inputs()
    print(jax.jit(kernel)(*tuple(_d.values())))

</pallas_src>

<mosaic_0001>
#map = affine_map<(d0, d1) -> (0, 0)>
#map1 = affine_map<(d0, d1) -> (0)>
module attributes {stable_mosaic.version = 14 : i64} {
  func.func @_sc_gather(%arg0: i32, %arg1: i32, %arg2: memref<10240x128xf32, #tpu.memory_space<hbm>>, %arg3: memref<10240xi32, #tpu.memory_space<hbm>>, %arg4: memref<10240xi32, #tpu.memory_space<hbm>>, %arg5: memref<10240xi32, #tpu.memory_space<hbm>>, %arg6: memref<10240x128xf32, #tpu.memory_space<hbm>>, %arg7: memref<10240x128xf32, #tpu.memory_space<hbm>>, %arg8: memref<10240x128xf32, #tpu.memory_space<hbm>>, %arg9: memref<960xi32, #tpu.memory_space<vmem>>, %arg10: memref<960x128xf32, #tpu.memory_space<vmem>>, %arg11: memref<!tpu.dma_semaphore, #tpu.memory_space<semaphore_mem>>, %arg12: memref<!tpu.dma_semaphore, #tpu.memory_space<semaphore_mem>>, %arg13: memref<!tpu.dma_semaphore, #tpu.memory_space<semaphore_mem>>, %arg14: memref<!tpu.dma_semaphore, #tpu.memory_space<semaphore_mem>>) attributes {dimension_semantics = [#tpu.dimension_semantics<core_parallel>, #tpu.dimension_semantics<subcore_parallel>], iteration_bounds = array<i64: 2, 16>, scalar_prefetch = 0 : i64, scratch_operands = 6 : i64, tpu.core_type = #tpu.core_type<sc_vector_subcore>, window_params = [{transform_indices = #map}, {transform_indices = #map1}, {transform_indices = #map1}, {transform_indices = #map1}, {transform_indices = #map}, {transform_indices = #map}, {transform_indices = #map}]} {
    %mul3A = arith.constant 2 : i32
    %mul3A_0 = arith.muli %arg1, %mul3A : i32
    %add3A = arith.addi %mul3A_0, %arg0 : i32
    %mul3A_1 = arith.constant 320 : i32
    %mul3A_2 = arith.muli %add3A, %mul3A_1 : i32
    %dma_start3A = arith.constant 0 : i32
    %dma_start3A_3 = tpu.memref_slice %arg9[%dma_start3A] : memref<960xi32, #tpu.memory_space<vmem>> -> memref<320xi32, #tpu.memory_space<vmem>>
    %dma_start3A_4 = tpu.memref_slice %arg3[%mul3A_2] : memref<10240xi32, #tpu.memory_space<hbm>> -> memref<320xi32, #tpu.memory_space<hbm>>
    %dma_start3A_5 = arith.constant 0 : i32
    %dma_start3A_6 = tpu.memref_slice %arg9[%dma_start3A_5] : memref<960xi32, #tpu.memory_space<vmem>> -> memref<320xi32, #tpu.memory_space<vmem>>
    %dma_start3A_7 = tpu.memref_slice %arg3[%mul3A_2] : memref<10240xi32, #tpu.memory_space<hbm>> -> memref<320xi32, #tpu.memory_space<hbm>>
    tpu.enqueue_dma source(%dma_start3A_7 : memref<320xi32, #tpu.memory_space<hbm>>) target(%dma_start3A_6 : memref<320xi32, #tpu.memory_space<vmem>>) target_semaphore(%arg11 : memref<!tpu.dma_semaphore, #tpu.memory_space<semaphore_mem>>)
    %dma_start3A_8 = arith.constant 320 : i32
    %dma_start3A_9 = tpu.memref_slice %arg9[%dma_start3A_8] : memref<960xi32, #tpu.memory_space<vmem>> -> memref<320xi32, #tpu.memory_space<vmem>>
    %dma_start3A_10 = tpu.memref_slice %arg4[%mul3A_2] : memref<10240xi32, #tpu.memory_space<hbm>> -> memref<320xi32, #tpu.memory_space<hbm>>
    %dma_start3A_11 = arith.constant 320 : i32
    %dma_start3A_12 = tpu.memref_slice %arg9[%dma_start3A_11] : memref<960xi32, #tpu.memory_space<vmem>> -> memref<320xi32, #tpu.memory_space<vmem>>
    %dma_start3A_13 = tpu.memref_slice %arg4[%mul3A_2] : memref<10240xi32, #tpu.memory_space<hbm>> -> memref<320xi32, #tpu.memory_space<hbm>>
    tpu.enqueue_dma source(%dma_start3A_13 : memref<320xi32, #tpu.memory_space<hbm>>) target(%dma_start3A_12 : memref<320xi32, #tpu.memory_space<vmem>>) target_semaphore(%arg11 : memref<!tpu.dma_semaphore, #tpu.memory_space<semaphore_mem>>)
    %dma_start3A_14 = arith.constant 640 : i32
    %dma_start3A_15 = tpu.memref_slice %arg9[%dma_start3A_14] : memref<960xi32, #tpu.memory_space<vmem>> -> memref<320xi32, #tpu.memory_space<vmem>>
    %dma_start3A_16 = tpu.memref_slice %arg5[%mul3A_2] : memref<10240xi32, #tpu.memory_space<hbm>> -> memref<320xi32, #tpu.memory_space<hbm>>
    %dma_start3A_17 = arith.constant 640 : i32
    %dma_start3A_18 = tpu.memref_slice %arg9[%dma_start3A_17] : memref<960xi32, #tpu.memory_space<vmem>> -> memref<320xi32, #tpu.memory_space<vmem>>
    %dma_start3A_19 = tpu.memref_slice %arg5[%mul3A_2] : memref<10240xi32, #tpu.memory_space<hbm>> -> memref<320xi32, #tpu.memory_space<hbm>>
    tpu.enqueue_dma source(%dma_start3A_19 : memref<320xi32, #tpu.memory_space<hbm>>) target(%dma_start3A_18 : memref<320xi32, #tpu.memory_space<vmem>>) target_semaphore(%arg11 : memref<!tpu.dma_semaphore, #tpu.memory_space<semaphore_mem>>)
    %dma_wait3A = arith.constant 0 : i32
    %dma_wait3A_20 = tpu.memref_slice %arg9[%dma_wait3A] : memref<960xi32, #tpu.memory_space<vmem>> -> memref<320xi32, #tpu.memory_space<vmem>>
    %dma_wait3A_21 = tpu.memref_slice %arg3[%mul3A_2] : memref<10240xi32, #tpu.memory_space<hbm>> -> memref<320xi32, #tpu.memory_space<hbm>>
    %dma_wait3A_22 = arith.constant 0 : i32
    %dma_wait3A_23 = tpu.memref_slice %arg9[%dma_wait3A_22] : memref<960xi32, #tpu.memory_space<vmem>> -> memref<320xi32, #tpu.memory_space<vmem>>
    %dma_wait3A_24 = tpu.memref_slice %arg3[%mul3A_2] : memref<10240xi32, #tpu.memory_space<hbm>> -> memref<320xi32, #tpu.memory_space<hbm>>
    tpu.wait_dma2 semaphore(%arg11 : memref<!tpu.dma_semaphore, #tpu.memory_space<semaphore_mem>>) src(%dma_wait3A_24 : memref<320xi32, #tpu.memory_space<hbm>>) dst(%dma_wait3A_23 : memref<320xi32, #tpu.memory_space<vmem>>)
    %dma_wait3A_25 = arith.constant 320 : i32
    %dma_wait3A_26 = tpu.memref_slice %arg9[%dma_wait3A_25] : memref<960xi32, #tpu.memory_space<vmem>> -> memref<320xi32, #tpu.memory_space<vmem>>
    %dma_wait3A_27 = tpu.memref_slice %arg4[%mul3A_2] : memref<10240xi32, #tpu.memory_space<hbm>> -> memref<320xi32, #tpu.memory_space<hbm>>
    %dma_wait3A_28 = arith.constant 320 : i32
    %dma_wait3A_29 = tpu.memref_slice %arg9[%dma_wait3A_28] : memref<960xi32, #tpu.memory_space<vmem>> -> memref<320xi32, #tpu.memory_space<vmem>>
    %dma_wait3A_30 = tpu.memref_slice %arg4[%mul3A_2] : memref<10240xi32, #tpu.memory_space<hbm>> -> memref<320xi32, #tpu.memory_space<hbm>>
    tpu.wait_dma2 semaphore(%arg11 : memref<!tpu.dma_semaphore, #tpu.memory_space<semaphore_mem>>) src(%dma_wait3A_30 : memref<320xi32, #tpu.memory_space<hbm>>) dst(%dma_wait3A_29 : memref<320xi32, #tpu.memory_space<vmem>>)
    %dma_wait3A_31 = arith.constant 640 : i32
    %dma_wait3A_32 = tpu.memref_slice %arg9[%dma_wait3A_31] : memref<960xi32, #tpu.memory_space<vmem>> -> memref<320xi32, #tpu.memory_space<vmem>>
    %dma_wait3A_33 = tpu.memref_slice %arg5[%mul3A_2] : memref<10240xi32, #tpu.memory_space<hbm>> -> memref<320xi32, #tpu.memory_space<hbm>>
    %dma_wait3A_34 = arith.constant 640 : i32
    %dma_wait3A_35 = tpu.memref_slice %arg9[%dma_wait3A_34] : memref<960xi32, #tpu.memory_space<vmem>> -> memref<320xi32, #tpu.memory_space<vmem>>
    %dma_wait3A_36 = tpu.memref_slice %arg5[%mul3A_2] : memref<10240xi32, #tpu.memory_space<hbm>> -> memref<320xi32, #tpu.memory_space<hbm>>
    tpu.wait_dma2 semaphore(%arg11 : memref<!tpu.dma_semaphore, #tpu.memory_space<semaphore_mem>>) src(%dma_wait3A_36 : memref<320xi32, #tpu.memory_space<hbm>>) dst(%dma_wait3A_35 : memref<320xi32, #tpu.memory_space<vmem>>)
    %dma_start3A_37 = arith.constant 0 : i32
    %dma_start3A_38 = arith.constant 0 : i32
    %dma_start3A_39 = tpu.memref_slice %arg10[%dma_start3A_37, %dma_start3A_38] : memref<960x128xf32, #tpu.memory_space<vmem>> -> memref<80x128xf32, #tpu.memory_space<vmem>>
    %dma_start3A_40 = arith.constant 0 : i32
    %dma_start3A_41 = tpu.memref_slice %arg9[%dma_start3A_40] : memref<960xi32, #tpu.memory_space<vmem>> -> memref<80xi32, #tpu.memory_space<vmem>>
    %dma_start3A_42 = arith.constant 0 : i32
    %dma_start3A_43 = arith.constant 0 : i32
    %dma_start3A_44 = tpu.memref_slice %arg2[%dma_start3A_42, %dma_start3A_43] : memref<10240x128xf32, #tpu.memory_space<hbm>> -> memref<10240x128xf32, #tpu.memory_space<hbm>>
    tpu.enqueue_indirect_dma source(%dma_start3A_44 : memref<10240x128xf32, #tpu.memory_space<hbm>>) target(%dma_start3A_39 : memref<80x128xf32, #tpu.memory_space<vmem>>) offsets(%dma_start3A_41 : memref<80xi32, #tpu.memory_space<vmem>>) semaphore(%arg12 : memref<!tpu.dma_semaphore, #tpu.memory_space<semaphore_mem>>)
    %dma_start3A_45 = arith.constant 80 : i32
    %dma_start3A_46 = arith.constant 0 : i32
    %dma_start3A_47 = tpu.memref_slice %arg10[%dma_start3A_45, %dma_start3A_46] : memref<960x128xf32, #tpu.memory_space<vmem>> -> memref<80x128xf32, #tpu.memory_space<vmem>>
    %dma_start3A_48 = arith.constant 80 : i32
    %dma_start3A_49 = tpu.memref_slice %arg9[%dma_start3A_48] : memref<960xi32, #tpu.memory_space<vmem>> -> memref<80xi32, #tpu.memory_space<vmem>>
    %dma_start3A_50 = arith.constant 0 : i32
    %dma_start3A_51 = arith.constant 0 : i32
    %dma_start3A_52 = tpu.memref_slice %arg2[%dma_start3A_50, %dma_start3A_51] : memref<10240x128xf32, #tpu.memory_space<hbm>> -> memref<10240x128xf32, #tpu.memory_space<hbm>>
    tpu.enqueue_indirect_dma source(%dma_start3A_52 : memref<10240x128xf32, #tpu.memory_space<hbm>>) target(%dma_start3A_47 : memref<80x128xf32, #tpu.memory_space<vmem>>) offsets(%dma_start3A_49 : memref<80xi32, #tpu.memory_space<vmem>>) semaphore(%arg12 : memref<!tpu.dma_semaphore, #tpu.memory_space<semaphore_mem>>)
    %dma_start3A_53 = arith.constant 160 : i32
    %dma_start3A_54 = arith.constant 0 : i32
    %dma_start3A_55 = tpu.memref_slice %arg10[%dma_start3A_53, %dma_start3A_54] : memref<960x128xf32, #tpu.memory_space<vmem>> -> memref<80x128xf32, #tpu.memory_space<vmem>>
    %dma_start3A_56 = arith.constant 160 : i32
    %dma_start3A_57 = tpu.memref_slice %arg9[%dma_start3A_56] : memref<960xi32, #tpu.memory_space<vmem>> -> memref<80xi32, #tpu.memory_space<vmem>>
    %dma_start3A_58 = arith.constant 0 : i32
    %dma_start3A_59 = arith.constant 0 : i32
    %dma_start3A_60 = tpu.memref_slice %arg2[%dma_start3A_58, %dma_start3A_59] : memref<10240x128xf32, #tpu.memory_space<hbm>> -> memref<10240x128xf32, #tpu.memory_space<hbm>>
    tpu.enqueue_indirect_dma source(%dma_start3A_60 : memref<10240x128xf32, #tpu.memory_space<hbm>>) target(%dma_start3A_55 : memref<80x128xf32, #tpu.memory_space<vmem>>) offsets(%dma_start3A_57 : memref<80xi32, #tpu.memory_space<vmem>>) semaphore(%arg12 : memref<!tpu.dma_semaphore, #tpu.memory_space<semaphore_mem>>)
    %dma_start3A_61 = arith.constant 240 : i32
    %dma_start3A_62 = arith.constant 0 : i32
    %dma_start3A_63 = tpu.memref_slice %arg10[%dma_start3A_61, %dma_start3A_62] : memref<960x128xf32, #tpu.memory_space<vmem>> -> memref<80x128xf32, #tpu.memory_space<vmem>>
    %dma_start3A_64 = arith.constant 240 : i32
    %dma_start3A_65 = tpu.memref_slice %arg9[%dma_start3A_64] : memref<960xi32, #tpu.memory_space<vmem>> -> memref<80xi32, #tpu.memory_space<vmem>>
    %dma_start3A_66 = arith.constant 0 : i32
    %dma_start3A_67 = arith.constant 0 : i32
    %dma_start3A_68 = tpu.memref_slice %arg2[%dma_start3A_66, %dma_start3A_67] : memref<10240x128xf32, #tpu.memory_space<hbm>> -> memref<10240x128xf32, #tpu.memory_space<hbm>>
    tpu.enqueue_indirect_dma source(%dma_start3A_68 : memref<10240x128xf32, #tpu.memory_space<hbm>>) target(%dma_start3A_63 : memref<80x128xf32, #tpu.memory_space<vmem>>) offsets(%dma_start3A_65 : memref<80xi32, #tpu.memory_space<vmem>>) semaphore(%arg12 : memref<!tpu.dma_semaphore, #tpu.memory_space<semaphore_mem>>)
    %dma_start3A_69 = arith.constant 320 : i32
    %dma_start3A_70 = arith.constant 0 : i32
    %dma_start3A_71 = tpu.memref_slice %arg10[%dma_start3A_69, %dma_start3A_70] : memref<960x128xf32, #tpu.memory_space<vmem>> -> memref<80x128xf32, #tpu.memory_space<vmem>>
    %dma_start3A_72 = arith.constant 320 : i32
    %dma_start3A_73 = tpu.memref_slice %arg9[%dma_start3A_72] : memref<960xi32, #tpu.memory_space<vmem>> -> memref<80xi32, #tpu.memory_space<vmem>>
    %dma_start3A_74 = arith.constant 0 : i32
    %dma_start3A_75 = arith.constant 0 : i32
    %dma_start3A_76 = tpu.memref_slice %arg2[%dma_start3A_74, %dma_start3A_75] : memref<10240x128xf32, #tpu.memory_space<hbm>> -> memref<10240x128xf32, #tpu.memory_space<hbm>>
    tpu.enqueue_indirect_dma source(%dma_start3A_76 : memref<10240x128xf32, #tpu.memory_space<hbm>>) target(%dma_start3A_71 : memref<80x128xf32, #tpu.memory_space<vmem>>) offsets(%dma_start3A_73 : memref<80xi32, #tpu.memory_space<vmem>>) semaphore(%arg13 : memref<!tpu.dma_semaphore, #tpu.memory_space<semaphore_mem>>)
    %dma_start3A_77 = arith.constant 400 : i32
    %dma_start3A_78 = arith.constant 0 : i32
    %dma_start3A_79 = tpu.memref_slice %arg10[%dma_start3A_77, %dma_start3A_78] : memref<960x128xf32, #tpu.memory_space<vmem>> -> memref<80x128xf32, #tpu.memory_space<vmem>>
    %dma_start3A_80 = arith.constant 400 : i32
    %dma_start3A_81 = tpu.memref_slice %arg9[%dma_start3A_80] : memref<960xi32, #tpu.memory_space<vmem>> -> memref<80xi32, #tpu.memory_space<vmem>>
    %dma_start3A_82 = arith.constant 0 : i32
    %dma_start3A_83 = arith.constant 0 : i32
    %dma_start3A_84 = tpu.memref_slice %arg2[%dma_start3A_82, %dma_start3A_83] : memref<10240x128xf32, #tpu.memory_space<hbm>> -> memref<10240x128xf32, #tpu.memory_space<hbm>>
    tpu.enqueue_indirect_dma source(%dma_start3A_84 : memref<10240x128xf32, #tpu.memory_space<hbm>>) target(%dma_start3A_79 : memref<80x128xf32, #tpu.memory_space<vmem>>) offsets(%dma_start3A_81 : memref<80xi32, #tpu.memory_space<vmem>>) semaphore(%arg13 : memref<!tpu.dma_semaphore, #tpu.memory_space<semaphore_mem>>)
    %dma_start3A_85 = arith.constant 480 : i32
    %dma_start3A_86 = arith.constant 0 : i32
    %dma_start3A_87 = tpu.memref_slice %arg10[%dma_start3A_85, %dma_start3A_86] : memref<960x128xf32, #tpu.memory_space<vmem>> -> memref<80x128xf32, #tpu.memory_space<vmem>>
    %dma_start3A_88 = arith.constant 480 : i32
    %dma_start3A_89 = tpu.memref_slice %arg9[%dma_start3A_88] : memref<960xi32, #tpu.memory_space<vmem>> -> memref<80xi32, #tpu.memory_space<vmem>>
    %dma_start3A_90 = arith.constant 0 : i32
    %dma_start3A_91 = arith.constant 0 : i32
    %dma_start3A_92 = tpu.memref_slice %arg2[%dma_start3A_90, %dma_start3A_91] : memref<10240x128xf32, #tpu.memory_space<hbm>> -> memref<10240x128xf32, #tpu.memory_space<hbm>>
    tpu.enqueue_indirect_dma source(%dma_start3A_92 : memref<10240x128xf32, #tpu.memory_space<hbm>>) target(%dma_start3A_87 : memref<80x128xf32, #tpu.memory_space<vmem>>) offsets(%dma_start3A_89 : memref<80xi32, #tpu.memory_space<vmem>>) semaphore(%arg13 : memref<!tpu.dma_semaphore, #tpu.memory_space<semaphore_mem>>)
    %dma_start3A_93 = arith.constant 560 : i32
    %dma_start3A_94 = arith.constant 0 : i32
    %dma_start3A_95 = tpu.memref_slice %arg10[%dma_start3A_93, %dma_start3A_94] : memref<960x128xf32, #tpu.memory_space<vmem>> -> memref<80x128xf32, #tpu.memory_space<vmem>>
    %dma_start3A_96 = arith.constant 560 : i32
    %dma_start3A_97 = tpu.memref_slice %arg9[%dma_start3A_96] : memref<960xi32, #tpu.memory_space<vmem>> -> memref<80xi32, #tpu.memory_space<vmem>>
    %dma_start3A_98 = arith.constant 0 : i32
    %dma_start3A_99 = arith.constant 0 : i32
    %dma_start3A_100 = tpu.memref_slice %arg2[%dma_start3A_98, %dma_start3A_99] : memref<10240x128xf32, #tpu.memory_space<hbm>> -> memref<10240x128xf32, #tpu.memory_space<hbm>>
    tpu.enqueue_indirect_dma source(%dma_start3A_100 : memref<10240x128xf32, #tpu.memory_space<hbm>>) target(%dma_start3A_95 : memref<80x128xf32, #tpu.memory_space<vmem>>) offsets(%dma_start3A_97 : memref<80xi32, #tpu.memory_space<vmem>>) semaphore(%arg13 : memref<!tpu.dma_semaphore, #tpu.memory_space<semaphore_mem>>)
    %dma_start3A_101 = arith.constant 640 : i32
    %dma_start3A_102 = arith.constant 0 : i32
    %dma_start3A_103 = tpu.memref_slice %arg10[%dma_start3A_101, %dma_start3A_102] : memref<960x128xf32, #tpu.memory_space<vmem>> -> memref<80x128xf32, #tpu.memory_space<vmem>>
    %dma_start3A_104 = arith.constant 640 : i32
    %dma_start3A_105 = tpu.memref_slice %arg9[%dma_start3A_104] : memref<960xi32, #tpu.memory_space<vmem>> -> memref<80xi32, #tpu.memory_space<vmem>>
    %dma_start3A_106 = arith.constant 0 : i32
    %dma_start3A_107 = arith.constant 0 : i32
    %dma_start3A_108 = tpu.memref_slice %arg2[%dma_start3A_106, %dma_start3A_107] : memref<10240x128xf32, #tpu.memory_space<hbm>> -> memref<10240x128xf32, #tpu.memory_space<hbm>>
    tpu.enqueue_indirect_dma source(%dma_start3A_108 : memref<10240x128xf32, #tpu.memory_space<hbm>>) target(%dma_start3A_103 : memref<80x128xf32, #tpu.memory_space<vmem>>) offsets(%dma_start3A_105 : memref<80xi32, #tpu.memory_space<vmem>>) semaphore(%arg14 : memref<!tpu.dma_semaphore, #tpu.memory_space<semaphore_mem>>)
    %dma_start3A_109 = arith.constant 720 : i32
    %dma_start3A_110 = arith.constant 0 : i32
    %dma_start3A_111 = tpu.memref_slice %arg10[%dma_start3A_109, %dma_start3A_110] : memref<960x128xf32, #tpu.memory_space<vmem>> -> memref<80x128xf32, #tpu.memory_space<vmem>>
    %dma_start3A_112 = arith.constant 720 : i32
    %dma_start3A_113 = tpu.memref_slice %arg9[%dma_start3A_112] : memref<960xi32, #tpu.memory_space<vmem>> -> memref<80xi32, #tpu.memory_space<vmem>>
    %dma_start3A_114 = arith.constant 0 : i32
    %dma_start3A_115 = arith.constant 0 : i32
    %dma_start3A_116 = tpu.memref_slice %arg2[%dma_start3A_114, %dma_start3A_115] : memref<10240x128xf32, #tpu.memory_space<hbm>> -> memref<10240x128xf32, #tpu.memory_space<hbm>>
    tpu.enqueue_indirect_dma source(%dma_start3A_116 : memref<10240x128xf32, #tpu.memory_space<hbm>>) target(%dma_start3A_111 : memref<80x128xf32, #tpu.memory_space<vmem>>) offsets(%dma_start3A_113 : memref<80xi32, #tpu.memory_space<vmem>>) semaphore(%arg14 : memref<!tpu.dma_semaphore, #tpu.memory_space<semaphore_mem>>)
    %dma_start3A_117 = arith.constant 800 : i32
    %dma_start3A_118 = arith.constant 0 : i32
    %dma_start3A_119 = tpu.memref_slice %arg10[%dma_start3A_117, %dma_start3A_118] : memref<960x128xf32, #tpu.memory_space<vmem>> -> memref<80x128xf32, #tpu.memory_space<vmem>>
    %dma_start3A_120 = arith.constant 800 : i32
    %dma_start3A_121 = tpu.memref_slice %arg9[%dma_start3A_120] : memref<960xi32, #tpu.memory_space<vmem>> -> memref<80xi32, #tpu.memory_space<vmem>>
    %dma_start3A_122 = arith.constant 0 : i32
    %dma_start3A_123 = arith.constant 0 : i32
    %dma_start3A_124 = tpu.memref_slice %arg2[%dma_start3A_122, %dma_start3A_123] : memref<10240x128xf32, #tpu.memory_space<hbm>> -> memref<10240x128xf32, #tpu.memory_space<hbm>>
    tpu.enqueue_indirect_dma source(%dma_start3A_124 : memref<10240x128xf32, #tpu.memory_space<hbm>>) target(%dma_start3A_119 : memref<80x128xf32, #tpu.memory_space<vmem>>) offsets(%dma_start3A_121 : memref<80xi32, #tpu.memory_space<vmem>>) semaphore(%arg14 : memref<!tpu.dma_semaphore, #tpu.memory_space<semaphore_mem>>)
    %dma_start3A_125 = arith.constant 880 : i32
    %dma_start3A_126 = arith.constant 0 : i32
    %dma_start3A_127 = tpu.memref_slice %arg10[%dma_start3A_125, %dma_start3A_126] : memref<960x128xf32, #tpu.memory_space<vmem>> -> memref<80x128xf32, #tpu.memory_space<vmem>>
    %dma_start3A_128 = arith.constant 880 : i32
    %dma_start3A_129 = tpu.memref_slice %arg9[%dma_start3A_128] : memref<960xi32, #tpu.memory_space<vmem>> -> memref<80xi32, #tpu.memory_space<vmem>>
    %dma_start3A_130 = arith.constant 0 : i32
    %dma_start3A_131 = arith.constant 0 : i32
    %dma_start3A_132 = tpu.memref_slice %arg2[%dma_start3A_130, %dma_start3A_131] : memref<10240x128xf32, #tpu.memory_space<hbm>> -> memref<10240x128xf32, #tpu.memory_space<hbm>>
    tpu.enqueue_indirect_dma source(%dma_start3A_132 : memref<10240x128xf32, #tpu.memory_space<hbm>>) target(%dma_start3A_127 : memref<80x128xf32, #tpu.memory_space<vmem>>) offsets(%dma_start3A_129 : memref<80xi32, #tpu.memory_space<vmem>>) semaphore(%arg14 : memref<!tpu.dma_semaphore, #tpu.memory_space<semaphore_mem>>)
    %dma_wait3A_133 = arith.constant 0 : i32
    %dma_wait3A_134 = arith.constant 0 : i32
    %dma_wait3A_135 = tpu.memref_slice %arg10[%dma_wait3A_133, %dma_wait3A_134] : memref<960x128xf32, #tpu.memory_space<vmem>> -> memref<80x128xf32, #tpu.memory_space<vmem>>
    %dma_wait3A_136 = arith.constant 0 : i32
    %dma_wait3A_137 = tpu.memref_slice %arg9[%dma_wait3A_136] : memref<960xi32, #tpu.memory_space<vmem>> -> memref<80xi32, #tpu.memory_space<vmem>>
    %dma_wait3A_138 = arith.constant 0 : i32
    %dma_wait3A_139 = arith.constant 0 : i32
    %dma_wait3A_140 = tpu.memref_slice %arg2[%dma_wait3A_138, %dma_wait3A_139] : memref<10240x128xf32, #tpu.memory_space<hbm>> -> memref<10240x128xf32, #tpu.memory_space<hbm>>
    tpu.wait_indirect_dma semaphore(%arg12 : memref<!tpu.dma_semaphore, #tpu.memory_space<semaphore_mem>>) src(%dma_wait3A_140 : memref<10240x128xf32, #tpu.memory_space<hbm>>) dst(%dma_wait3A_135 : memref<80x128xf32, #tpu.memory_space<vmem>>)
    %dma_wait3A_141 = arith.constant 80 : i32
    %dma_wait3A_142 = arith.constant 0 : i32
    %dma_wait3A_143 = tpu.memref_slice %arg10[%dma_wait3A_141, %dma_wait3A_142] : memref<960x128xf32, #tpu.memory_space<vmem>> -> memref<80x128xf32, #tpu.memory_space<vmem>>
    %dma_wait3A_144 = arith.constant 80 : i32
    %dma_wait3A_145 = tpu.memref_slice %arg9[%dma_wait3A_144] : memref<960xi32, #tpu.memory_space<vmem>> -> memref<80xi32, #tpu.memory_space<vmem>>
    %dma_wait3A_146 = arith.constant 0 : i32
    %dma_wait3A_147 = arith.constant 0 : i32
    %dma_wait3A_148 = tpu.memref_slice %arg2[%dma_wait3A_146, %dma_wait3A_147] : memref<10240x128xf32, #tpu.memory_space<hbm>> -> memref<10240x128xf32, #tpu.memory_space<hbm>>
    tpu.wait_indirect_dma semaphore(%arg12 : memref<!tpu.dma_semaphore, #tpu.memory_space<semaphore_mem>>) src(%dma_wait3A_148 : memref<10240x128xf32, #tpu.memory_space<hbm>>) dst(%dma_wait3A_143 : memref<80x128xf32, #tpu.memory_space<vmem>>)
    %dma_wait3A_149 = arith.constant 160 : i32
    %dma_wait3A_150 = arith.constant 0 : i32
    %dma_wait3A_151 = tpu.memref_slice %arg10[%dma_wait3A_149, %dma_wait3A_150] : memref<960x128xf32, #tpu.memory_space<vmem>> -> memref<80x128xf32, #tpu.memory_space<vmem>>
    %dma_wait3A_152 = arith.constant 160 : i32
    %dma_wait3A_153 = tpu.memref_slice %arg9[%dma_wait3A_152] : memref<960xi32, #tpu.memory_space<vmem>> -> memref<80xi32, #tpu.memory_space<vmem>>
    %dma_wait3A_154 = arith.constant 0 : i32
    %dma_wait3A_155 = arith.constant 0 : i32
    %dma_wait3A_156 = tpu.memref_slice %arg2[%dma_wait3A_154, %dma_wait3A_155] : memref<10240x128xf32, #tpu.memory_space<hbm>> -> memref<10240x128xf32, #tpu.memory_space<hbm>>
    tpu.wait_indirect_dma semaphore(%arg12 : memref<!tpu.dma_semaphore, #tpu.memory_space<semaphore_mem>>) src(%dma_wait3A_156 : memref<10240x128xf32, #tpu.memory_space<hbm>>) dst(%dma_wait3A_151 : memref<80x128xf32, #tpu.memory_space<vmem>>)
    %dma_wait3A_157 = arith.constant 240 : i32
    %dma_wait3A_158 = arith.constant 0 : i32
    %dma_wait3A_159 = tpu.memref_slice %arg10[%dma_wait3A_157, %dma_wait3A_158] : memref<960x128xf32, #tpu.memory_space<vmem>> -> memref<80x128xf32, #tpu.memory_space<vmem>>
    %dma_wait3A_160 = arith.constant 240 : i32
    %dma_wait3A_161 = tpu.memref_slice %arg9[%dma_wait3A_160] : memref<960xi32, #tpu.memory_space<vmem>> -> memref<80xi32, #tpu.memory_space<vmem>>
    %dma_wait3A_162 = arith.constant 0 : i32
    %dma_wait3A_163 = arith.constant 0 : i32
    %dma_wait3A_164 = tpu.memref_slice %arg2[%dma_wait3A_162, %dma_wait3A_163] : memref<10240x128xf32, #tpu.memory_space<hbm>> -> memref<10240x128xf32, #tpu.memory_space<hbm>>
    tpu.wait_indirect_dma semaphore(%arg12 : memref<!tpu.dma_semaphore, #tpu.memory_space<semaphore_mem>>) src(%dma_wait3A_164 : memref<10240x128xf32, #tpu.memory_space<hbm>>) dst(%dma_wait3A_159 : memref<80x128xf32, #tpu.memory_space<vmem>>)
    "tpu.region"() ({
      %run_scoped3A = tpu.sem_alloc : memref<!tpu.dma_semaphore, #tpu.memory_space<semaphore_mem>>
      %dma_start3A_229 = arith.constant 0 : i32
      %dma_start3A_230 = arith.constant 0 : i32
      %dma_start3A_231 = tpu.memref_slice %arg10[%dma_start3A_229, %dma_start3A_230] : memref<960x128xf32, #tpu.memory_space<vmem>> -> memref<320x128xf32, #tpu.memory_space<vmem>>
      %dma_start3A_232 = arith.constant 0 : i32
      %dma_start3A_233 = tpu.memref_slice %arg6[%mul3A_2, %dma_start3A_232] : memref<10240x128xf32, #tpu.memory_space<hbm>> -> memref<320x128xf32, #tpu.memory_space<hbm>>
      %dma_start3A_234 = arith.constant 0 : i32
      %dma_start3A_235 = tpu.memref_slice %arg6[%mul3A_2, %dma_start3A_234] : memref<10240x128xf32, #tpu.memory_space<hbm>> -> memref<320x128xf32, #tpu.memory_space<hbm>>
      %dma_start3A_236 = arith.constant 0 : i32
      %dma_start3A_237 = arith.constant 0 : i32
      %dma_start3A_238 = tpu.memref_slice %arg10[%dma_start3A_236, %dma_start3A_237] : memref<960x128xf32, #tpu.memory_space<vmem>> -> memref<320x128xf32, #tpu.memory_space<vmem>>
      tpu.enqueue_dma source(%dma_start3A_238 : memref<320x128xf32, #tpu.memory_space<vmem>>) target(%dma_start3A_235 : memref<320x128xf32, #tpu.memory_space<hbm>>) target_semaphore(%run_scoped3A : memref<!tpu.dma_semaphore, #tpu.memory_space<semaphore_mem>>)
      %dma_wait3A_239 = arith.constant 0 : i32
      %dma_wait3A_240 = arith.constant 0 : i32
      %dma_wait3A_241 = tpu.memref_slice %arg10[%dma_wait3A_239, %dma_wait3A_240] : memref<960x128xf32, #tpu.memory_space<vmem>> -> memref<320x128xf32, #tpu.memory_space<vmem>>
      %dma_wait3A_242 = arith.constant 0 : i32
      %dma_wait3A_243 = tpu.memref_slice %arg6[%mul3A_2, %dma_wait3A_242] : memref<10240x128xf32, #tpu.memory_space<hbm>> -> memref<320x128xf32, #tpu.memory_space<hbm>>
      %dma_wait3A_244 = arith.constant 0 : i32
      %dma_wait3A_245 = tpu.memref_slice %arg6[%mul3A_2, %dma_wait3A_244] : memref<10240x128xf32, #tpu.memory_space<hbm>> -> memref<320x128xf32, #tpu.memory_space<hbm>>
      %dma_wait3A_246 = arith.constant 0 : i32
      %dma_wait3A_247 = arith.constant 0 : i32
      %dma_wait3A_248 = tpu.memref_slice %arg10[%dma_wait3A_246, %dma_wait3A_247] : memref<960x128xf32, #tpu.memory_space<vmem>> -> memref<320x128xf32, #tpu.memory_space<vmem>>
      tpu.wait_dma2 semaphore(%run_scoped3A : memref<!tpu.dma_semaphore, #tpu.memory_space<semaphore_mem>>) src(%dma_wait3A_248 : memref<320x128xf32, #tpu.memory_space<vmem>>) dst(%dma_wait3A_245 : memref<320x128xf32, #tpu.memory_space<hbm>>)
      tpu.yield
    }) : () -> ()
    %dma_wait3A_165 = arith.constant 320 : i32
    %dma_wait3A_166 = arith.constant 0 : i32
    %dma_wait3A_167 = tpu.memref_slice %arg10[%dma_wait3A_165, %dma_wait3A_166] : memref<960x128xf32, #tpu.memory_space<vmem>> -> memref<80x128xf32, #tpu.memory_space<vmem>>
    %dma_wait3A_168 = arith.constant 320 : i32
    %dma_wait3A_169 = tpu.memref_slice %arg9[%dma_wait3A_168] : memref<960xi32, #tpu.memory_space<vmem>> -> memref<80xi32, #tpu.memory_space<vmem>>
    %dma_wait3A_170 = arith.constant 0 : i32
    %dma_wait3A_171 = arith.constant 0 : i32
    %dma_wait3A_172 = tpu.memref_slice %arg2[%dma_wait3A_170, %dma_wait3A_171] : memref<10240x128xf32, #tpu.memory_space<hbm>> -> memref<10240x128xf32, #tpu.memory_space<hbm>>
    tpu.wait_indirect_dma semaphore(%arg13 : memref<!tpu.dma_semaphore, #tpu.memory_space<semaphore_mem>>) src(%dma_wait3A_172 : memref<10240x128xf32, #tpu.memory_space<hbm>>) dst(%dma_wait3A_167 : memref<80x128xf32, #tpu.memory_space<vmem>>)
    %dma_wait3A_173 = arith.constant 400 : i32
    %dma_wait3A_174 = arith.constant 0 : i32
    %dma_wait3A_175 = tpu.memref_slice %arg10[%dma_wait3A_173, %dma_wait3A_174] : memref<960x128xf32, #tpu.memory_space<vmem>> -> memref<80x128xf32, #tpu.memory_space<vmem>>
    %dma_wait3A_176 = arith.constant 400 : i32
    %dma_wait3A_177 = tpu.memref_slice %arg9[%dma_wait3A_176] : memref<960xi32, #tpu.memory_space<vmem>> -> memref<80xi32, #tpu.memory_space<vmem>>
    %dma_wait3A_178 = arith.constant 0 : i32
    %dma_wait3A_179 = arith.constant 0 : i32
    %dma_wait3A_180 = tpu.memref_slice %arg2[%dma_wait3A_178, %dma_wait3A_179] : memref<10240x128xf32, #tpu.memory_space<hbm>> -> memref<10240x128xf32, #tpu.memory_space<hbm>>
    tpu.wait_indirect_dma semaphore(%arg13 : memref<!tpu.dma_semaphore, #tpu.memory_space<semaphore_mem>>) src(%dma_wait3A_180 : memref<10240x128xf32, #tpu.memory_space<hbm>>) dst(%dma_wait3A_175 : memref<80x128xf32, #tpu.memory_space<vmem>>)
    %dma_wait3A_181 = arith.constant 480 : i32
    %dma_wait3A_182 = arith.constant 0 : i32
    %dma_wait3A_183 = tpu.memref_slice %arg10[%dma_wait3A_181, %dma_wait3A_182] : memref<960x128xf32, #tpu.memory_space<vmem>> -> memref<80x128xf32, #tpu.memory_space<vmem>>
    %dma_wait3A_184 = arith.constant 480 : i32
    %dma_wait3A_185 = tpu.memref_slice %arg9[%dma_wait3A_184] : memref<960xi32, #tpu.memory_space<vmem>> -> memref<80xi32, #tpu.memory_space<vmem>>
    %dma_wait3A_186 = arith.constant 0 : i32
    %dma_wait3A_187 = arith.constant 0 : i32
    %dma_wait3A_188 = tpu.memref_slice %arg2[%dma_wait3A_186, %dma_wait3A_187] : memref<10240x128xf32, #tpu.memory_space<hbm>> -> memref<10240x128xf32, #tpu.memory_space<hbm>>
    tpu.wait_indirect_dma semaphore(%arg13 : memref<!tpu.dma_semaphore, #tpu.memory_space<semaphore_mem>>) src(%dma_wait3A_188 : memref<10240x128xf32, #tpu.memory_space<hbm>>) dst(%dma_wait3A_183 : memref<80x128xf32, #tpu.memory_space<vmem>>)
    %dma_wait3A_189 = arith.constant 560 : i32
    %dma_wait3A_190 = arith.constant 0 : i32
    %dma_wait3A_191 = tpu.memref_slice %arg10[%dma_wait3A_189, %dma_wait3A_190] : memref<960x128xf32, #tpu.memory_space<vmem>> -> memref<80x128xf32, #tpu.memory_space<vmem>>
    %dma_wait3A_192 = arith.constant 560 : i32
    %dma_wait3A_193 = tpu.memref_slice %arg9[%dma_wait3A_192] : memref<960xi32, #tpu.memory_space<vmem>> -> memref<80xi32, #tpu.memory_space<vmem>>
    %dma_wait3A_194 = arith.constant 0 : i32
    %dma_wait3A_195 = arith.constant 0 : i32
    %dma_wait3A_196 = tpu.memref_slice %arg2[%dma_wait3A_194, %dma_wait3A_195] : memref<10240x128xf32, #tpu.memory_space<hbm>> -> memref<10240x128xf32, #tpu.memory_space<hbm>>
    tpu.wait_indirect_dma semaphore(%arg13 : memref<!tpu.dma_semaphore, #tpu.memory_space<semaphore_mem>>) src(%dma_wait3A_196 : memref<10240x128xf32, #tpu.memory_space<hbm>>) dst(%dma_wait3A_191 : memref<80x128xf32, #tpu.memory_space<vmem>>)
    "tpu.region"() ({
      %run_scoped3A = tpu.sem_alloc : memref<!tpu.dma_semaphore, #tpu.memory_space<semaphore_mem>>
      %dma_start3A_229 = arith.constant 320 : i32
      %dma_start3A_230 = arith.constant 0 : i32
      %dma_start3A_231 = tpu.memref_slice %arg10[%dma_start3A_229, %dma_start3A_230] : memref<960x128xf32, #tpu.memory_space<vmem>> -> memref<320x128xf32, #tpu.memory_space<vmem>>
      %dma_start3A_232 = arith.constant 0 : i32
      %dma_start3A_233 = tpu.memref_slice %arg7[%mul3A_2, %dma_start3A_232] : memref<10240x128xf32, #tpu.memory_space<hbm>> -> memref<320x128xf32, #tpu.memory_space<hbm>>
      %dma_start3A_234 = arith.constant 0 : i32
      %dma_start3A_235 = tpu.memref_slice %arg7[%mul3A_2, %dma_start3A_234] : memref<10240x128xf32, #tpu.memory_space<hbm>> -> memref<320x128xf32, #tpu.memory_space<hbm>>
      %dma_start3A_236 = arith.constant 320 : i32
      %dma_start3A_237 = arith.constant 0 : i32
      %dma_start3A_238 = tpu.memref_slice %arg10[%dma_start3A_236, %dma_start3A_237] : memref<960x128xf32, #tpu.memory_space<vmem>> -> memref<320x128xf32, #tpu.memory_space<vmem>>
      tpu.enqueue_dma source(%dma_start3A_238 : memref<320x128xf32, #tpu.memory_space<vmem>>) target(%dma_start3A_235 : memref<320x128xf32, #tpu.memory_space<hbm>>) target_semaphore(%run_scoped3A : memref<!tpu.dma_semaphore, #tpu.memory_space<semaphore_mem>>)
      %dma_wait3A_239 = arith.constant 320 : i32
      %dma_wait3A_240 = arith.constant 0 : i32
      %dma_wait3A_241 = tpu.memref_slice %arg10[%dma_wait3A_239, %dma_wait3A_240] : memref<960x128xf32, #tpu.memory_space<vmem>> -> memref<320x128xf32, #tpu.memory_space<vmem>>
      %dma_wait3A_242 = arith.constant 0 : i32
      %dma_wait3A_243 = tpu.memref_slice %arg7[%mul3A_2, %dma_wait3A_242] : memref<10240x128xf32, #tpu.memory_space<hbm>> -> memref<320x128xf32, #tpu.memory_space<hbm>>
      %dma_wait3A_244 = arith.constant 0 : i32
      %dma_wait3A_245 = tpu.memref_slice %arg7[%mul3A_2, %dma_wait3A_244] : memref<10240x128xf32, #tpu.memory_space<hbm>> -> memref<320x128xf32, #tpu.memory_space<hbm>>
      %dma_wait3A_246 = arith.constant 320 : i32
      %dma_wait3A_247 = arith.constant 0 : i32
      %dma_wait3A_248 = tpu.memref_slice %arg10[%dma_wait3A_246, %dma_wait3A_247] : memref<960x128xf32, #tpu.memory_space<vmem>> -> memref<320x128xf32, #tpu.memory_space<vmem>>
      tpu.wait_dma2 semaphore(%run_scoped3A : memref<!tpu.dma_semaphore, #tpu.memory_space<semaphore_mem>>) src(%dma_wait3A_248 : memref<320x128xf32, #tpu.memory_space<vmem>>) dst(%dma_wait3A_245 : memref<320x128xf32, #tpu.memory_space<hbm>>)
      tpu.yield
    }) : () -> ()
    %dma_wait3A_197 = arith.constant 640 : i32
    %dma_wait3A_198 = arith.constant 0 : i32
    %dma_wait3A_199 = tpu.memref_slice %arg10[%dma_wait3A_197, %dma_wait3A_198] : memref<960x128xf32, #tpu.memory_space<vmem>> -> memref<80x128xf32, #tpu.memory_space<vmem>>
    %dma_wait3A_200 = arith.constant 640 : i32
    %dma_wait3A_201 = tpu.memref_slice %arg9[%dma_wait3A_200] : memref<960xi32, #tpu.memory_space<vmem>> -> memref<80xi32, #tpu.memory_space<vmem>>
    %dma_wait3A_202 = arith.constant 0 : i32
    %dma_wait3A_203 = arith.constant 0 : i32
    %dma_wait3A_204 = tpu.memref_slice %arg2[%dma_wait3A_202, %dma_wait3A_203] : memref<10240x128xf32, #tpu.memory_space<hbm>> -> memref<10240x128xf32, #tpu.memory_space<hbm>>
    tpu.wait_indirect_dma semaphore(%arg14 : memref<!tpu.dma_semaphore, #tpu.memory_space<semaphore_mem>>) src(%dma_wait3A_204 : memref<10240x128xf32, #tpu.memory_space<hbm>>) dst(%dma_wait3A_199 : memref<80x128xf32, #tpu.memory_space<vmem>>)
    %dma_wait3A_205 = arith.constant 720 : i32
    %dma_wait3A_206 = arith.constant 0 : i32
    %dma_wait3A_207 = tpu.memref_slice %arg10[%dma_wait3A_205, %dma_wait3A_206] : memref<960x128xf32, #tpu.memory_space<vmem>> -> memref<80x128xf32, #tpu.memory_space<vmem>>
    %dma_wait3A_208 = arith.constant 720 : i32
    %dma_wait3A_209 = tpu.memref_slice %arg9[%dma_wait3A_208] : memref<960xi32, #tpu.memory_space<vmem>> -> memref<80xi32, #tpu.memory_space<vmem>>
    %dma_wait3A_210 = arith.constant 0 : i32
    %dma_wait3A_211 = arith.constant 0 : i32
    %dma_wait3A_212 = tpu.memref_slice %arg2[%dma_wait3A_210, %dma_wait3A_211] : memref<10240x128xf32, #tpu.memory_space<hbm>> -> memref<10240x128xf32, #tpu.memory_space<hbm>>
    tpu.wait_indirect_dma semaphore(%arg14 : memref<!tpu.dma_semaphore, #tpu.memory_space<semaphore_mem>>) src(%dma_wait3A_212 : memref<10240x128xf32, #tpu.memory_space<hbm>>) dst(%dma_wait3A_207 : memref<80x128xf32, #tpu.memory_space<vmem>>)
    %dma_wait3A_213 = arith.constant 800 : i32
    %dma_wait3A_214 = arith.constant 0 : i32
    %dma_wait3A_215 = tpu.memref_slice %arg10[%dma_wait3A_213, %dma_wait3A_214] : memref<960x128xf32, #tpu.memory_space<vmem>> -> memref<80x128xf32, #tpu.memory_space<vmem>>
    %dma_wait3A_216 = arith.constant 800 : i32
    %dma_wait3A_217 = tpu.memref_slice %arg9[%dma_wait3A_216] : memref<960xi32, #tpu.memory_space<vmem>> -> memref<80xi32, #tpu.memory_space<vmem>>
    %dma_wait3A_218 = arith.constant 0 : i32
    %dma_wait3A_219 = arith.constant 0 : i32
    %dma_wait3A_220 = tpu.memref_slice %arg2[%dma_wait3A_218, %dma_wait3A_219] : memref<10240x128xf32, #tpu.memory_space<hbm>> -> memref<10240x128xf32, #tpu.memory_space<hbm>>
    tpu.wait_indirect_dma semaphore(%arg14 : memref<!tpu.dma_semaphore, #tpu.memory_space<semaphore_mem>>) src(%dma_wait3A_220 : memref<10240x128xf32, #tpu.memory_space<hbm>>) dst(%dma_wait3A_215 : memref<80x128xf32, #tpu.memory_space<vmem>>)
    %dma_wait3A_221 = arith.constant 880 : i32
    %dma_wait3A_222 = arith.constant 0 : i32
    %dma_wait3A_223 = tpu.memref_slice %arg10[%dma_wait3A_221, %dma_wait3A_222] : memref<960x128xf32, #tpu.memory_space<vmem>> -> memref<80x128xf32, #tpu.memory_space<vmem>>
    %dma_wait3A_224 = arith.constant 880 : i32
    %dma_wait3A_225 = tpu.memref_slice %arg9[%dma_wait3A_224] : memref<960xi32, #tpu.memory_space<vmem>> -> memref<80xi32, #tpu.memory_space<vmem>>
    %dma_wait3A_226 = arith.constant 0 : i32
    %dma_wait3A_227 = arith.constant 0 : i32
    %dma_wait3A_228 = tpu.memref_slice %arg2[%dma_wait3A_226, %dma_wait3A_227] : memref<10240x128xf32, #tpu.memory_space<hbm>> -> memref<10240x128xf32, #tpu.memory_space<hbm>>
    tpu.wait_indirect_dma semaphore(%arg14 : memref<!tpu.dma_semaphore, #tpu.memory_space<semaphore_mem>>) src(%dma_wait3A_228 : memref<10240x128xf32, #tpu.memory_space<hbm>>) dst(%dma_wait3A_223 : memref<80x128xf32, #tpu.memory_space<vmem>>)
    "tpu.region"() ({
      %run_scoped3A = tpu.sem_alloc : memref<!tpu.dma_semaphore, #tpu.memory_space<semaphore_mem>>
      %dma_start3A_229 = arith.constant 640 : i32
      %dma_start3A_230 = arith.constant 0 : i32
      %dma_start3A_231 = tpu.memref_slice %arg10[%dma_start3A_229, %dma_start3A_230] : memref<960x128xf32, #tpu.memory_space<vmem>> -> memref<320x128xf32, #tpu.memory_space<vmem>>
      %dma_start3A_232 = arith.constant 0 : i32
      %dma_start3A_233 = tpu.memref_slice %arg8[%mul3A_2, %dma_start3A_232] : memref<10240x128xf32, #tpu.memory_space<hbm>> -> memref<320x128xf32, #tpu.memory_space<hbm>>
      %dma_start3A_234 = arith.constant 0 : i32
      %dma_start3A_235 = tpu.memref_slice %arg8[%mul3A_2, %dma_start3A_234] : memref<10240x128xf32, #tpu.memory_space<hbm>> -> memref<320x128xf32, #tpu.memory_space<hbm>>
      %dma_start3A_236 = arith.constant 640 : i32
      %dma_start3A_237 = arith.constant 0 : i32
      %dma_start3A_238 = tpu.memref_slice %arg10[%dma_start3A_236, %dma_start3A_237] : memref<960x128xf32, #tpu.memory_space<vmem>> -> memref<320x128xf32, #tpu.memory_space<vmem>>
      tpu.enqueue_dma source(%dma_start3A_238 : memref<320x128xf32, #tpu.memory_space<vmem>>) target(%dma_start3A_235 : memref<320x128xf32, #tpu.memory_space<hbm>>) target_semaphore(%run_scoped3A : memref<!tpu.dma_semaphore, #tpu.memory_space<semaphore_mem>>)
      %dma_wait3A_239 = arith.constant 640 : i32
      %dma_wait3A_240 = arith.constant 0 : i32
      %dma_wait3A_241 = tpu.memref_slice %arg10[%dma_wait3A_239, %dma_wait3A_240] : memref<960x128xf32, #tpu.memory_space<vmem>> -> memref<320x128xf32, #tpu.memory_space<vmem>>
      %dma_wait3A_242 = arith.constant 0 : i32
      %dma_wait3A_243 = tpu.memref_slice %arg8[%mul3A_2, %dma_wait3A_242] : memref<10240x128xf32, #tpu.memory_space<hbm>> -> memref<320x128xf32, #tpu.memory_space<hbm>>
      %dma_wait3A_244 = arith.constant 0 : i32
      %dma_wait3A_245 = tpu.memref_slice %arg8[%mul3A_2, %dma_wait3A_244] : memref<10240x128xf32, #tpu.memory_space<hbm>> -> memref<320x128xf32, #tpu.memory_space<hbm>>
      %dma_wait3A_246 = arith.constant 640 : i32
      %dma_wait3A_247 = arith.constant 0 : i32
      %dma_wait3A_248 = tpu.memref_slice %arg10[%dma_wait3A_246, %dma_wait3A_247] : memref<960x128xf32, #tpu.memory_space<vmem>> -> memref<320x128xf32, #tpu.memory_space<vmem>>
      tpu.wait_dma2 semaphore(%run_scoped3A : memref<!tpu.dma_semaphore, #tpu.memory_space<semaphore_mem>>) src(%dma_wait3A_248 : memref<320x128xf32, #tpu.memory_space<vmem>>) dst(%dma_wait3A_245 : memref<320x128xf32, #tpu.memory_space<hbm>>)
      tpu.yield
    }) : () -> ()
    return
  }
}

#map = affine_map<(d0, d1) -> (0, 0)>
#map1 = affine_map<(d0, d1) -> (0)>
module attributes {stable_mosaic.version = 14 : i64} {
  func.func @_sc_gather(%arg0: i32, %arg1: i32, %arg2: memref<10000x128xf32, #tpu.memory_space<hbm>>, %arg3: memref<10240xi32, #tpu.memory_space<hbm>>, %arg4: memref<10240xi32, #tpu.memory_space<hbm>>, %arg5: memref<10240xi32, #tpu.memory_space<hbm>>, %arg6: memref<10240x128xf32, #tpu.memory_space<hbm>>, %arg7: memref<10240x128xf32, #tpu.memory_space<hbm>>, %arg8: memref<10240x128xf32, #tpu.memory_space<hbm>>, %arg9: memref<960xi32, #tpu.memory_space<vmem>>, %arg10: memref<960x128xf32, #tpu.memory_space<vmem>>, %arg11: memref<!tpu.dma_semaphore, #tpu.memory_space<semaphore_mem>>, %arg12: memref<!tpu.dma_semaphore, #tpu.memory_space<semaphore_mem>>, %arg13: memref<!tpu.dma_semaphore, #tpu.memory_space<semaphore_mem>>, %arg14: memref<!tpu.dma_semaphore, #tpu.memory_space<semaphore_mem>>) attributes {dimension_semantics = [#tpu.dimension_semantics<core_parallel>, #tpu.dimension_semantics<subcore_parallel>], iteration_bounds = array<i64: 2, 16>, scalar_prefetch = 0 : i64, scratch_operands = 6 : i64, tpu.core_type = #tpu.core_type<sc_vector_subcore>, window_params = [{transform_indices = #map}, {transform_indices = #map1}, {transform_indices = #map1}, {transform_indices = #map1}, {transform_indices = #map}, {transform_indices = #map}, {transform_indices = #map}]} {
    %mul3A = arith.constant 2 : i32
    %mul3A_0 = arith.muli %arg1, %mul3A : i32
    %add3A = arith.addi %mul3A_0, %arg0 : i32
    %mul3A_1 = arith.constant 320 : i32
    %mul3A_2 = arith.muli %add3A, %mul3A_1 : i32
    %dma_start3A = arith.constant 0 : i32
    %dma_start3A_3 = tpu.memref_slice %arg9[%dma_start3A] : memref<960xi32, #tpu.memory_space<vmem>> -> memref<320xi32, #tpu.memory_space<vmem>>
    %dma_start3A_4 = tpu.memref_slice %arg3[%mul3A_2] : memref<10240xi32, #tpu.memory_space<hbm>> -> memref<320xi32, #tpu.memory_space<hbm>>
    %dma_start3A_5 = arith.constant 0 : i32
    %dma_start3A_6 = tpu.memref_slice %arg9[%dma_start3A_5] : memref<960xi32, #tpu.memory_space<vmem>> -> memref<320xi32, #tpu.memory_space<vmem>>
    %dma_start3A_7 = tpu.memref_slice %arg3[%mul3A_2] : memref<10240xi32, #tpu.memory_space<hbm>> -> memref<320xi32, #tpu.memory_space<hbm>>
    tpu.enqueue_dma source(%dma_start3A_7 : memref<320xi32, #tpu.memory_space<hbm>>) target(%dma_start3A_6 : memref<320xi32, #tpu.memory_space<vmem>>) target_semaphore(%arg11 : memref<!tpu.dma_semaphore, #tpu.memory_space<semaphore_mem>>)
    %dma_start3A_8 = arith.constant 320 : i32
    %dma_start3A_9 = tpu.memref_slice %arg9[%dma_start3A_8] : memref<960xi32, #tpu.memory_space<vmem>> -> memref<320xi32, #tpu.memory_space<vmem>>
    %dma_start3A_10 = tpu.memref_slice %arg4[%mul3A_2] : memref<10240xi32, #tpu.memory_space<hbm>> -> memref<320xi32, #tpu.memory_space<hbm>>
    %dma_start3A_11 = arith.constant 320 : i32
    %dma_start3A_12 = tpu.memref_slice %arg9[%dma_start3A_11] : memref<960xi32, #tpu.memory_space<vmem>> -> memref<320xi32, #tpu.memory_space<vmem>>
    %dma_start3A_13 = tpu.memref_slice %arg4[%mul3A_2] : memref<10240xi32, #tpu.memory_space<hbm>> -> memref<320xi32, #tpu.memory_space<hbm>>
    tpu.enqueue_dma source(%dma_start3A_13 : memref<320xi32, #tpu.memory_space<hbm>>) target(%dma_start3A_12 : memref<320xi32, #tpu.memory_space<vmem>>) target_semaphore(%arg11 : memref<!tpu.dma_semaphore, #tpu.memory_space<semaphore_mem>>)
    %dma_start3A_14 = arith.constant 640 : i32
    %dma_start3A_15 = tpu.memref_slice %arg9[%dma_start3A_14] : memref<960xi32, #tpu.memory_space<vmem>> -> memref<320xi32, #tpu.memory_space<vmem>>
    %dma_start3A_16 = tpu.memref_slice %arg5[%mul3A_2] : memref<10240xi32, #tpu.memory_space<hbm>> -> memref<320xi32, #tpu.memory_space<hbm>>
    %dma_start3A_17 = arith.constant 640 : i32
    %dma_start3A_18 = tpu.memref_slice %arg9[%dma_start3A_17] : memref<960xi32, #tpu.memory_space<vmem>> -> memref<320xi32, #tpu.memory_space<vmem>>
    %dma_start3A_19 = tpu.memref_slice %arg5[%mul3A_2] : memref<10240xi32, #tpu.memory_space<hbm>> -> memref<320xi32, #tpu.memory_space<hbm>>
    tpu.enqueue_dma source(%dma_start3A_19 : memref<320xi32, #tpu.memory_space<hbm>>) target(%dma_start3A_18 : memref<320xi32, #tpu.memory_space<vmem>>) target_semaphore(%arg11 : memref<!tpu.dma_semaphore, #tpu.memory_space<semaphore_mem>>)
    %dma_wait3A = arith.constant 0 : i32
    %dma_wait3A_20 = tpu.memref_slice %arg9[%dma_wait3A] : memref<960xi32, #tpu.memory_space<vmem>> -> memref<320xi32, #tpu.memory_space<vmem>>
    %dma_wait3A_21 = tpu.memref_slice %arg3[%mul3A_2] : memref<10240xi32, #tpu.memory_space<hbm>> -> memref<320xi32, #tpu.memory_space<hbm>>
    %dma_wait3A_22 = arith.constant 0 : i32
    %dma_wait3A_23 = tpu.memref_slice %arg9[%dma_wait3A_22] : memref<960xi32, #tpu.memory_space<vmem>> -> memref<320xi32, #tpu.memory_space<vmem>>
    %dma_wait3A_24 = tpu.memref_slice %arg3[%mul3A_2] : memref<10240xi32, #tpu.memory_space<hbm>> -> memref<320xi32, #tpu.memory_space<hbm>>
    tpu.wait_dma2 semaphore(%arg11 : memref<!tpu.dma_semaphore, #tpu.memory_space<semaphore_mem>>) src(%dma_wait3A_24 : memref<320xi32, #tpu.memory_space<hbm>>) dst(%dma_wait3A_23 : memref<320xi32, #tpu.memory_space<vmem>>)
    %dma_wait3A_25 = arith.constant 320 : i32
    %dma_wait3A_26 = tpu.memref_slice %arg9[%dma_wait3A_25] : memref<960xi32, #tpu.memory_space<vmem>> -> memref<320xi32, #tpu.memory_space<vmem>>
    %dma_wait3A_27 = tpu.memref_slice %arg4[%mul3A_2] : memref<10240xi32, #tpu.memory_space<hbm>> -> memref<320xi32, #tpu.memory_space<hbm>>
    %dma_wait3A_28 = arith.constant 320 : i32
    %dma_wait3A_29 = tpu.memref_slice %arg9[%dma_wait3A_28] : memref<960xi32, #tpu.memory_space<vmem>> -> memref<320xi32, #tpu.memory_space<vmem>>
    %dma_wait3A_30 = tpu.memref_slice %arg4[%mul3A_2] : memref<10240xi32, #tpu.memory_space<hbm>> -> memref<320xi32, #tpu.memory_space<hbm>>
    tpu.wait_dma2 semaphore(%arg11 : memref<!tpu.dma_semaphore, #tpu.memory_space<semaphore_mem>>) src(%dma_wait3A_30 : memref<320xi32, #tpu.memory_space<hbm>>) dst(%dma_wait3A_29 : memref<320xi32, #tpu.memory_space<vmem>>)
    %dma_wait3A_31 = arith.constant 640 : i32
    %dma_wait3A_32 = tpu.memref_slice %arg9[%dma_wait3A_31] : memref<960xi32, #tpu.memory_space<vmem>> -> memref<320xi32, #tpu.memory_space<vmem>>
    %dma_wait3A_33 = tpu.memref_slice %arg5[%mul3A_2] : memref<10240xi32, #tpu.memory_space<hbm>> -> memref<320xi32, #tpu.memory_space<hbm>>
    %dma_wait3A_34 = arith.constant 640 : i32
    %dma_wait3A_35 = tpu.memref_slice %arg9[%dma_wait3A_34] : memref<960xi32, #tpu.memory_space<vmem>> -> memref<320xi32, #tpu.memory_space<vmem>>
    %dma_wait3A_36 = tpu.memref_slice %arg5[%mul3A_2] : memref<10240xi32, #tpu.memory_space<hbm>> -> memref<320xi32, #tpu.memory_space<hbm>>
    tpu.wait_dma2 semaphore(%arg11 : memref<!tpu.dma_semaphore, #tpu.memory_space<semaphore_mem>>) src(%dma_wait3A_36 : memref<320xi32, #tpu.memory_space<hbm>>) dst(%dma_wait3A_35 : memref<320xi32, #tpu.memory_space<vmem>>)
    %dma_start3A_37 = arith.constant 0 : i32
    %dma_start3A_38 = arith.constant 0 : i32
    %dma_start3A_39 = tpu.memref_slice %arg10[%dma_start3A_37, %dma_start3A_38] : memref<960x128xf32, #tpu.memory_space<vmem>> -> memref<80x128xf32, #tpu.memory_space<vmem>>
    %dma_start3A_40 = arith.constant 0 : i32
    %dma_start3A_41 = tpu.memref_slice %arg9[%dma_start3A_40] : memref<960xi32, #tpu.memory_space<vmem>> -> memref<80xi32, #tpu.memory_space<vmem>>
    %dma_start3A_42 = arith.constant 0 : i32
    %dma_start3A_43 = arith.constant 0 : i32
    %dma_start3A_44 = tpu.memref_slice %arg2[%dma_start3A_42, %dma_start3A_43] : memref<10000x128xf32, #tpu.memory_space<hbm>> -> memref<10000x128xf32, #tpu.memory_space<hbm>>
    tpu.enqueue_indirect_dma source(%dma_start3A_44 : memref<10000x128xf32, #tpu.memory_space<hbm>>) target(%dma_start3A_39 : memref<80x128xf32, #tpu.memory_space<vmem>>) offsets(%dma_start3A_41 : memref<80xi32, #tpu.memory_space<vmem>>) semaphore(%arg12 : memref<!tpu.dma_semaphore, #tpu.memory_space<semaphore_mem>>)
    %dma_start3A_45 = arith.constant 80 : i32
    %dma_start3A_46 = arith.constant 0 : i32
    %dma_start3A_47 = tpu.memref_slice %arg10[%dma_start3A_45, %dma_start3A_46] : memref<960x128xf32, #tpu.memory_space<vmem>> -> memref<80x128xf32, #tpu.memory_space<vmem>>
    %dma_start3A_48 = arith.constant 80 : i32
    %dma_start3A_49 = tpu.memref_slice %arg9[%dma_start3A_48] : memref<960xi32, #tpu.memory_space<vmem>> -> memref<80xi32, #tpu.memory_space<vmem>>
    %dma_start3A_50 = arith.constant 0 : i32
    %dma_start3A_51 = arith.constant 0 : i32
    %dma_start3A_52 = tpu.memref_slice %arg2[%dma_start3A_50, %dma_start3A_51] : memref<10000x128xf32, #tpu.memory_space<hbm>> -> memref<10000x128xf32, #tpu.memory_space<hbm>>
    tpu.enqueue_indirect_dma source(%dma_start3A_52 : memref<10000x128xf32, #tpu.memory_space<hbm>>) target(%dma_start3A_47 : memref<80x128xf32, #tpu.memory_space<vmem>>) offsets(%dma_start3A_49 : memref<80xi32, #tpu.memory_space<vmem>>) semaphore(%arg12 : memref<!tpu.dma_semaphore, #tpu.memory_space<semaphore_mem>>)
    %dma_start3A_53 = arith.constant 160 : i32
    %dma_start3A_54 = arith.constant 0 : i32
    %dma_start3A_55 = tpu.memref_slice %arg10[%dma_start3A_53, %dma_start3A_54] : memref<960x128xf32, #tpu.memory_space<vmem>> -> memref<80x128xf32, #tpu.memory_space<vmem>>
    %dma_start3A_56 = arith.constant 160 : i32
    %dma_start3A_57 = tpu.memref_slice %arg9[%dma_start3A_56] : memref<960xi32, #tpu.memory_space<vmem>> -> memref<80xi32, #tpu.memory_space<vmem>>
    %dma_start3A_58 = arith.constant 0 : i32
    %dma_start3A_59 = arith.constant 0 : i32
    %dma_start3A_60 = tpu.memref_slice %arg2[%dma_start3A_58, %dma_start3A_59] : memref<10000x128xf32, #tpu.memory_space<hbm>> -> memref<10000x128xf32, #tpu.memory_space<hbm>>
    tpu.enqueue_indirect_dma source(%dma_start3A_60 : memref<10000x128xf32, #tpu.memory_space<hbm>>) target(%dma_start3A_55 : memref<80x128xf32, #tpu.memory_space<vmem>>) offsets(%dma_start3A_57 : memref<80xi32, #tpu.memory_space<vmem>>) semaphore(%arg12 : memref<!tpu.dma_semaphore, #tpu.memory_space<semaphore_mem>>)
    %dma_start3A_61 = arith.constant 240 : i32
    %dma_start3A_62 = arith.constant 0 : i32
    %dma_start3A_63 = tpu.memref_slice %arg10[%dma_start3A_61, %dma_start3A_62] : memref<960x128xf32, #tpu.memory_space<vmem>> -> memref<80x128xf32, #tpu.memory_space<vmem>>
    %dma_start3A_64 = arith.constant 240 : i32
    %dma_start3A_65 = tpu.memref_slice %arg9[%dma_start3A_64] : memref<960xi32, #tpu.memory_space<vmem>> -> memref<80xi32, #tpu.memory_space<vmem>>
    %dma_start3A_66 = arith.constant 0 : i32
    %dma_start3A_67 = arith.constant 0 : i32
    %dma_start3A_68 = tpu.memref_slice %arg2[%dma_start3A_66, %dma_start3A_67] : memref<10000x128xf32, #tpu.memory_space<hbm>> -> memref<10000x128xf32, #tpu.memory_space<hbm>>
    tpu.enqueue_indirect_dma source(%dma_start3A_68 : memref<10000x128xf32, #tpu.memory_space<hbm>>) target(%dma_start3A_63 : memref<80x128xf32, #tpu.memory_space<vmem>>) offsets(%dma_start3A_65 : memref<80xi32, #tpu.memory_space<vmem>>) semaphore(%arg12 : memref<!tpu.dma_semaphore, #tpu.memory_space<semaphore_mem>>)
    %dma_start3A_69 = arith.constant 320 : i32
    %dma_start3A_70 = arith.constant 0 : i32
    %dma_start3A_71 = tpu.memref_slice %arg10[%dma_start3A_69, %dma_start3A_70] : memref<960x128xf32, #tpu.memory_space<vmem>> -> memref<80x128xf32, #tpu.memory_space<vmem>>
    %dma_start3A_72 = arith.constant 320 : i32
    %dma_start3A_73 = tpu.memref_slice %arg9[%dma_start3A_72] : memref<960xi32, #tpu.memory_space<vmem>> -> memref<80xi32, #tpu.memory_space<vmem>>
    %dma_start3A_74 = arith.constant 0 : i32
    %dma_start3A_75 = arith.constant 0 : i32
    %dma_start3A_76 = tpu.memref_slice %arg2[%dma_start3A_74, %dma_start3A_75] : memref<10000x128xf32, #tpu.memory_space<hbm>> -> memref<10000x128xf32, #tpu.memory_space<hbm>>
    tpu.enqueue_indirect_dma source(%dma_start3A_76 : memref<10000x128xf32, #tpu.memory_space<hbm>>) target(%dma_start3A_71 : memref<80x128xf32, #tpu.memory_space<vmem>>) offsets(%dma_start3A_73 : memref<80xi32, #tpu.memory_space<vmem>>) semaphore(%arg13 : memref<!tpu.dma_semaphore, #tpu.memory_space<semaphore_mem>>)
    %dma_start3A_77 = arith.constant 400 : i32
    %dma_start3A_78 = arith.constant 0 : i32
    %dma_start3A_79 = tpu.memref_slice %arg10[%dma_start3A_77, %dma_start3A_78] : memref<960x128xf32, #tpu.memory_space<vmem>> -> memref<80x128xf32, #tpu.memory_space<vmem>>
    %dma_start3A_80 = arith.constant 400 : i32
    %dma_start3A_81 = tpu.memref_slice %arg9[%dma_start3A_80] : memref<960xi32, #tpu.memory_space<vmem>> -> memref<80xi32, #tpu.memory_space<vmem>>
    %dma_start3A_82 = arith.constant 0 : i32
    %dma_start3A_83 = arith.constant 0 : i32
    %dma_start3A_84 = tpu.memref_slice %arg2[%dma_start3A_82, %dma_start3A_83] : memref<10000x128xf32, #tpu.memory_space<hbm>> -> memref<10000x128xf32, #tpu.memory_space<hbm>>
    tpu.enqueue_indirect_dma source(%dma_start3A_84 : memref<10000x128xf32, #tpu.memory_space<hbm>>) target(%dma_start3A_79 : memref<80x128xf32, #tpu.memory_space<vmem>>) offsets(%dma_start3A_81 : memref<80xi32, #tpu.memory_space<vmem>>) semaphore(%arg13 : memref<!tpu.dma_semaphore, #tpu.memory_space<semaphore_mem>>)
    %dma_start3A_85 = arith.constant 480 : i32
    %dma_start3A_86 = arith.constant 0 : i32
    %dma_start3A_87 = tpu.memref_slice %arg10[%dma_start3A_85, %dma_start3A_86] : memref<960x128xf32, #tpu.memory_space<vmem>> -> memref<80x128xf32, #tpu.memory_space<vmem>>
    %dma_start3A_88 = arith.constant 480 : i32
    %dma_start3A_89 = tpu.memref_slice %arg9[%dma_start3A_88] : memref<960xi32, #tpu.memory_space<vmem>> -> memref<80xi32, #tpu.memory_space<vmem>>
    %dma_start3A_90 = arith.constant 0 : i32
    %dma_start3A_91 = arith.constant 0 : i32
    %dma_start3A_92 = tpu.memref_slice %arg2[%dma_start3A_90, %dma_start3A_91] : memref<10000x128xf32, #tpu.memory_space<hbm>> -> memref<10000x128xf32, #tpu.memory_space<hbm>>
    tpu.enqueue_indirect_dma source(%dma_start3A_92 : memref<10000x128xf32, #tpu.memory_space<hbm>>) target(%dma_start3A_87 : memref<80x128xf32, #tpu.memory_space<vmem>>) offsets(%dma_start3A_89 : memref<80xi32, #tpu.memory_space<vmem>>) semaphore(%arg13 : memref<!tpu.dma_semaphore, #tpu.memory_space<semaphore_mem>>)
    %dma_start3A_93 = arith.constant 560 : i32
    %dma_start3A_94 = arith.constant 0 : i32
    %dma_start3A_95 = tpu.memref_slice %arg10[%dma_start3A_93, %dma_start3A_94] : memref<960x128xf32, #tpu.memory_space<vmem>> -> memref<80x128xf32, #tpu.memory_space<vmem>>
    %dma_start3A_96 = arith.constant 560 : i32
    %dma_start3A_97 = tpu.memref_slice %arg9[%dma_start3A_96] : memref<960xi32, #tpu.memory_space<vmem>> -> memref<80xi32, #tpu.memory_space<vmem>>
    %dma_start3A_98 = arith.constant 0 : i32
    %dma_start3A_99 = arith.constant 0 : i32
    %dma_start3A_100 = tpu.memref_slice %arg2[%dma_start3A_98, %dma_start3A_99] : memref<10000x128xf32, #tpu.memory_space<hbm>> -> memref<10000x128xf32, #tpu.memory_space<hbm>>
    tpu.enqueue_indirect_dma source(%dma_start3A_100 : memref<10000x128xf32, #tpu.memory_space<hbm>>) target(%dma_start3A_95 : memref<80x128xf32, #tpu.memory_space<vmem>>) offsets(%dma_start3A_97 : memref<80xi32, #tpu.memory_space<vmem>>) semaphore(%arg13 : memref<!tpu.dma_semaphore, #tpu.memory_space<semaphore_mem>>)
    %dma_start3A_101 = arith.constant 640 : i32
    %dma_start3A_102 = arith.constant 0 : i32
    %dma_start3A_103 = tpu.memref_slice %arg10[%dma_start3A_101, %dma_start3A_102] : memref<960x128xf32, #tpu.memory_space<vmem>> -> memref<80x128xf32, #tpu.memory_space<vmem>>
    %dma_start3A_104 = arith.constant 640 : i32
    %dma_start3A_105 = tpu.memref_slice %arg9[%dma_start3A_104] : memref<960xi32, #tpu.memory_space<vmem>> -> memref<80xi32, #tpu.memory_space<vmem>>
    %dma_start3A_106 = arith.constant 0 : i32
    %dma_start3A_107 = arith.constant 0 : i32
    %dma_start3A_108 = tpu.memref_slice %arg2[%dma_start3A_106, %dma_start3A_107] : memref<10000x128xf32, #tpu.memory_space<hbm>> -> memref<10000x128xf32, #tpu.memory_space<hbm>>
    tpu.enqueue_indirect_dma source(%dma_start3A_108 : memref<10000x128xf32, #tpu.memory_space<hbm>>) target(%dma_start3A_103 : memref<80x128xf32, #tpu.memory_space<vmem>>) offsets(%dma_start3A_105 : memref<80xi32, #tpu.memory_space<vmem>>) semaphore(%arg14 : memref<!tpu.dma_semaphore, #tpu.memory_space<semaphore_mem>>)
    %dma_start3A_109 = arith.constant 720 : i32
    %dma_start3A_110 = arith.constant 0 : i32
    %dma_start3A_111 = tpu.memref_slice %arg10[%dma_start3A_109, %dma_start3A_110] : memref<960x128xf32, #tpu.memory_space<vmem>> -> memref<80x128xf32, #tpu.memory_space<vmem>>
    %dma_start3A_112 = arith.constant 720 : i32
    %dma_start3A_113 = tpu.memref_slice %arg9[%dma_start3A_112] : memref<960xi32, #tpu.memory_space<vmem>> -> memref<80xi32, #tpu.memory_space<vmem>>
    %dma_start3A_114 = arith.constant 0 : i32
    %dma_start3A_115 = arith.constant 0 : i32
    %dma_start3A_116 = tpu.memref_slice %arg2[%dma_start3A_114, %dma_start3A_115] : memref<10000x128xf32, #tpu.memory_space<hbm>> -> memref<10000x128xf32, #tpu.memory_space<hbm>>
    tpu.enqueue_indirect_dma source(%dma_start3A_116 : memref<10000x128xf32, #tpu.memory_space<hbm>>) target(%dma_start3A_111 : memref<80x128xf32, #tpu.memory_space<vmem>>) offsets(%dma_start3A_113 : memref<80xi32, #tpu.memory_space<vmem>>) semaphore(%arg14 : memref<!tpu.dma_semaphore, #tpu.memory_space<semaphore_mem>>)
    %dma_start3A_117 = arith.constant 800 : i32
    %dma_start3A_118 = arith.constant 0 : i32
    %dma_start3A_119 = tpu.memref_slice %arg10[%dma_start3A_117, %dma_start3A_118] : memref<960x128xf32, #tpu.memory_space<vmem>> -> memref<80x128xf32, #tpu.memory_space<vmem>>
    %dma_start3A_120 = arith.constant 800 : i32
    %dma_start3A_121 = tpu.memref_slice %arg9[%dma_start3A_120] : memref<960xi32, #tpu.memory_space<vmem>> -> memref<80xi32, #tpu.memory_space<vmem>>
    %dma_start3A_122 = arith.constant 0 : i32
    %dma_start3A_123 = arith.constant 0 : i32
    %dma_start3A_124 = tpu.memref_slice %arg2[%dma_start3A_122, %dma_start3A_123] : memref<10000x128xf32, #tpu.memory_space<hbm>> -> memref<10000x128xf32, #tpu.memory_space<hbm>>
    tpu.enqueue_indirect_dma source(%dma_start3A_124 : memref<10000x128xf32, #tpu.memory_space<hbm>>) target(%dma_start3A_119 : memref<80x128xf32, #tpu.memory_space<vmem>>) offsets(%dma_start3A_121 : memref<80xi32, #tpu.memory_space<vmem>>) semaphore(%arg14 : memref<!tpu.dma_semaphore, #tpu.memory_space<semaphore_mem>>)
    %dma_start3A_125 = arith.constant 880 : i32
    %dma_start3A_126 = arith.constant 0 : i32
    %dma_start3A_127 = tpu.memref_slice %arg10[%dma_start3A_125, %dma_start3A_126] : memref<960x128xf32, #tpu.memory_space<vmem>> -> memref<80x128xf32, #tpu.memory_space<vmem>>
    %dma_start3A_128 = arith.constant 880 : i32
    %dma_start3A_129 = tpu.memref_slice %arg9[%dma_start3A_128] : memref<960xi32, #tpu.memory_space<vmem>> -> memref<80xi32, #tpu.memory_space<vmem>>
    %dma_start3A_130 = arith.constant 0 : i32
    %dma_start3A_131 = arith.constant 0 : i32
    %dma_start3A_132 = tpu.memref_slice %arg2[%dma_start3A_130, %dma_start3A_131] : memref<10000x128xf32, #tpu.memory_space<hbm>> -> memref<10000x128xf32, #tpu.memory_space<hbm>>
    tpu.enqueue_indirect_dma source(%dma_start3A_132 : memref<10000x128xf32, #tpu.memory_space<hbm>>) target(%dma_start3A_127 : memref<80x128xf32, #tpu.memory_space<vmem>>) offsets(%dma_start3A_129 : memref<80xi32, #tpu.memory_space<vmem>>) semaphore(%arg14 : memref<!tpu.dma_semaphore, #tpu.memory_space<semaphore_mem>>)
    %dma_wait3A_133 = arith.constant 0 : i32
    %dma_wait3A_134 = arith.constant 0 : i32
    %dma_wait3A_135 = tpu.memref_slice %arg10[%dma_wait3A_133, %dma_wait3A_134] : memref<960x128xf32, #tpu.memory_space<vmem>> -> memref<80x128xf32, #tpu.memory_space<vmem>>
    %dma_wait3A_136 = arith.constant 0 : i32
    %dma_wait3A_137 = tpu.memref_slice %arg9[%dma_wait3A_136] : memref<960xi32, #tpu.memory_space<vmem>> -> memref<80xi32, #tpu.memory_space<vmem>>
    %dma_wait3A_138 = arith.constant 0 : i32
    %dma_wait3A_139 = arith.constant 0 : i32
    %dma_wait3A_140 = tpu.memref_slice %arg2[%dma_wait3A_138, %dma_wait3A_139] : memref<10000x128xf32, #tpu.memory_space<hbm>> -> memref<10000x128xf32, #tpu.memory_space<hbm>>
    tpu.wait_indirect_dma semaphore(%arg12 : memref<!tpu.dma_semaphore, #tpu.memory_space<semaphore_mem>>) src(%dma_wait3A_140 : memref<10000x128xf32, #tpu.memory_space<hbm>>) dst(%dma_wait3A_135 : memref<80x128xf32, #tpu.memory_space<vmem>>)
    %dma_wait3A_141 = arith.constant 80 : i32
    %dma_wait3A_142 = arith.constant 0 : i32
    %dma_wait3A_143 = tpu.memref_slice %arg10[%dma_wait3A_141, %dma_wait3A_142] : memref<960x128xf32, #tpu.memory_space<vmem>> -> memref<80x128xf32, #tpu.memory_space<vmem>>
    %dma_wait3A_144 = arith.constant 80 : i32
    %dma_wait3A_145 = tpu.memref_slice %arg9[%dma_wait3A_144] : memref<960xi32, #tpu.memory_space<vmem>> -> memref<80xi32, #tpu.memory_space<vmem>>
    %dma_wait3A_146 = arith.constant 0 : i32
    %dma_wait3A_147 = arith.constant 0 : i32
    %dma_wait3A_148 = tpu.memref_slice %arg2[%dma_wait3A_146, %dma_wait3A_147] : memref<10000x128xf32, #tpu.memory_space<hbm>> -> memref<10000x128xf32, #tpu.memory_space<hbm>>
    tpu.wait_indirect_dma semaphore(%arg12 : memref<!tpu.dma_semaphore, #tpu.memory_space<semaphore_mem>>) src(%dma_wait3A_148 : memref<10000x128xf32, #tpu.memory_space<hbm>>) dst(%dma_wait3A_143 : memref<80x128xf32, #tpu.memory_space<vmem>>)
    %dma_wait3A_149 = arith.constant 160 : i32
    %dma_wait3A_150 = arith.constant 0 : i32
    %dma_wait3A_151 = tpu.memref_slice %arg10[%dma_wait3A_149, %dma_wait3A_150] : memref<960x128xf32, #tpu.memory_space<vmem>> -> memref<80x128xf32, #tpu.memory_space<vmem>>
    %dma_wait3A_152 = arith.constant 160 : i32
    %dma_wait3A_153 = tpu.memref_slice %arg9[%dma_wait3A_152] : memref<960xi32, #tpu.memory_space<vmem>> -> memref<80xi32, #tpu.memory_space<vmem>>
    %dma_wait3A_154 = arith.constant 0 : i32
    %dma_wait3A_155 = arith.constant 0 : i32
    %dma_wait3A_156 = tpu.memref_slice %arg2[%dma_wait3A_154, %dma_wait3A_155] : memref<10000x128xf32, #tpu.memory_space<hbm>> -> memref<10000x128xf32, #tpu.memory_space<hbm>>
    tpu.wait_indirect_dma semaphore(%arg12 : memref<!tpu.dma_semaphore, #tpu.memory_space<semaphore_mem>>) src(%dma_wait3A_156 : memref<10000x128xf32, #tpu.memory_space<hbm>>) dst(%dma_wait3A_151 : memref<80x128xf32, #tpu.memory_space<vmem>>)
    %dma_wait3A_157 = arith.constant 240 : i32
    %dma_wait3A_158 = arith.constant 0 : i32
    %dma_wait3A_159 = tpu.memref_slice %arg10[%dma_wait3A_157, %dma_wait3A_158] : memref<960x128xf32, #tpu.memory_space<vmem>> -> memref<80x128xf32, #tpu.memory_space<vmem>>
    %dma_wait3A_160 = arith.constant 240 : i32
    %dma_wait3A_161 = tpu.memref_slice %arg9[%dma_wait3A_160] : memref<960xi32, #tpu.memory_space<vmem>> -> memref<80xi32, #tpu.memory_space<vmem>>
    %dma_wait3A_162 = arith.constant 0 : i32
    %dma_wait3A_163 = arith.constant 0 : i32
    %dma_wait3A_164 = tpu.memref_slice %arg2[%dma_wait3A_162, %dma_wait3A_163] : memref<10000x128xf32, #tpu.memory_space<hbm>> -> memref<10000x128xf32, #tpu.memory_space<hbm>>
    tpu.wait_indirect_dma semaphore(%arg12 : memref<!tpu.dma_semaphore, #tpu.memory_space<semaphore_mem>>) src(%dma_wait3A_164 : memref<10000x128xf32, #tpu.memory_space<hbm>>) dst(%dma_wait3A_159 : memref<80x128xf32, #tpu.memory_space<vmem>>)
    "tpu.region"() ({
      %run_scoped3A = tpu.sem_alloc : memref<!tpu.dma_semaphore, #tpu.memory_space<semaphore_mem>>
      %dma_start3A_229 = arith.constant 0 : i32
      %dma_start3A_230 = arith.constant 0 : i32
      %dma_start3A_231 = tpu.memref_slice %arg10[%dma_start3A_229, %dma_start3A_230] : memref<960x128xf32, #tpu.memory_space<vmem>> -> memref<320x128xf32, #tpu.memory_space<vmem>>
      %dma_start3A_232 = arith.constant 0 : i32
      %dma_start3A_233 = tpu.memref_slice %arg6[%mul3A_2, %dma_start3A_232] : memref<10240x128xf32, #tpu.memory_space<hbm>> -> memref<320x128xf32, #tpu.memory_space<hbm>>
      %dma_start3A_234 = arith.constant 0 : i32
      %dma_start3A_235 = tpu.memref_slice %arg6[%mul3A_2, %dma_start3A_234] : memref<10240x128xf32, #tpu.memory_space<hbm>> -> memref<320x128xf32, #tpu.memory_space<hbm>>
      %dma_start3A_236 = arith.constant 0 : i32
      %dma_start3A_237 = arith.constant 0 : i32
      %dma_start3A_238 = tpu.memref_slice %arg10[%dma_start3A_236, %dma_start3A_237] : memref<960x128xf32, #tpu.memory_space<vmem>> -> memref<320x128xf32, #tpu.memory_space<vmem>>
      tpu.enqueue_dma source(%dma_start3A_238 : memref<320x128xf32, #tpu.memory_space<vmem>>) target(%dma_start3A_235 : memref<320x128xf32, #tpu.memory_space<hbm>>) target_semaphore(%run_scoped3A : memref<!tpu.dma_semaphore, #tpu.memory_space<semaphore_mem>>)
      %dma_wait3A_239 = arith.constant 0 : i32
      %dma_wait3A_240 = arith.constant 0 : i32
      %dma_wait3A_241 = tpu.memref_slice %arg10[%dma_wait3A_239, %dma_wait3A_240] : memref<960x128xf32, #tpu.memory_space<vmem>> -> memref<320x128xf32, #tpu.memory_space<vmem>>
      %dma_wait3A_242 = arith.constant 0 : i32
      %dma_wait3A_243 = tpu.memref_slice %arg6[%mul3A_2, %dma_wait3A_242] : memref<10240x128xf32, #tpu.memory_space<hbm>> -> memref<320x128xf32, #tpu.memory_space<hbm>>
      %dma_wait3A_244 = arith.constant 0 : i32
      %dma_wait3A_245 = tpu.memref_slice %arg6[%mul3A_2, %dma_wait3A_244] : memref<10240x128xf32, #tpu.memory_space<hbm>> -> memref<320x128xf32, #tpu.memory_space<hbm>>
      %dma_wait3A_246 = arith.constant 0 : i32
      %dma_wait3A_247 = arith.constant 0 : i32
      %dma_wait3A_248 = tpu.memref_slice %arg10[%dma_wait3A_246, %dma_wait3A_247] : memref<960x128xf32, #tpu.memory_space<vmem>> -> memref<320x128xf32, #tpu.memory_space<vmem>>
      tpu.wait_dma2 semaphore(%run_scoped3A : memref<!tpu.dma_semaphore, #tpu.memory_space<semaphore_mem>>) src(%dma_wait3A_248 : memref<320x128xf32, #tpu.memory_space<vmem>>) dst(%dma_wait3A_245 : memref<320x128xf32, #tpu.memory_space<hbm>>)
      tpu.yield
    }) : () -> ()
    %dma_wait3A_165 = arith.constant 320 : i32
    %dma_wait3A_166 = arith.constant 0 : i32
    %dma_wait3A_167 = tpu.memref_slice %arg10[%dma_wait3A_165, %dma_wait3A_166] : memref<960x128xf32, #tpu.memory_space<vmem>> -> memref<80x128xf32, #tpu.memory_space<vmem>>
    %dma_wait3A_168 = arith.constant 320 : i32
    %dma_wait3A_169 = tpu.memref_slice %arg9[%dma_wait3A_168] : memref<960xi32, #tpu.memory_space<vmem>> -> memref<80xi32, #tpu.memory_space<vmem>>
    %dma_wait3A_170 = arith.constant 0 : i32
    %dma_wait3A_171 = arith.constant 0 : i32
    %dma_wait3A_172 = tpu.memref_slice %arg2[%dma_wait3A_170, %dma_wait3A_171] : memref<10000x128xf32, #tpu.memory_space<hbm>> -> memref<10000x128xf32, #tpu.memory_space<hbm>>
    tpu.wait_indirect_dma semaphore(%arg13 : memref<!tpu.dma_semaphore, #tpu.memory_space<semaphore_mem>>) src(%dma_wait3A_172 : memref<10000x128xf32, #tpu.memory_space<hbm>>) dst(%dma_wait3A_167 : memref<80x128xf32, #tpu.memory_space<vmem>>)
    %dma_wait3A_173 = arith.constant 400 : i32
    %dma_wait3A_174 = arith.constant 0 : i32
    %dma_wait3A_175 = tpu.memref_slice %arg10[%dma_wait3A_173, %dma_wait3A_174] : memref<960x128xf32, #tpu.memory_space<vmem>> -> memref<80x128xf32, #tpu.memory_space<vmem>>
    %dma_wait3A_176 = arith.constant 400 : i32
    %dma_wait3A_177 = tpu.memref_slice %arg9[%dma_wait3A_176] : memref<960xi32, #tpu.memory_space<vmem>> -> memref<80xi32, #tpu.memory_space<vmem>>
    %dma_wait3A_178 = arith.constant 0 : i32
    %dma_wait3A_179 = arith.constant 0 : i32
    %dma_wait3A_180 = tpu.memref_slice %arg2[%dma_wait3A_178, %dma_wait3A_179] : memref<10000x128xf32, #tpu.memory_space<hbm>> -> memref<10000x128xf32, #tpu.memory_space<hbm>>
    tpu.wait_indirect_dma semaphore(%arg13 : memref<!tpu.dma_semaphore, #tpu.memory_space<semaphore_mem>>) src(%dma_wait3A_180 : memref<10000x128xf32, #tpu.memory_space<hbm>>) dst(%dma_wait3A_175 : memref<80x128xf32, #tpu.memory_space<vmem>>)
    %dma_wait3A_181 = arith.constant 480 : i32
    %dma_wait3A_182 = arith.constant 0 : i32
    %dma_wait3A_183 = tpu.memref_slice %arg10[%dma_wait3A_181, %dma_wait3A_182] : memref<960x128xf32, #tpu.memory_space<vmem>> -> memref<80x128xf32, #tpu.memory_space<vmem>>
    %dma_wait3A_184 = arith.constant 480 : i32
    %dma_wait3A_185 = tpu.memref_slice %arg9[%dma_wait3A_184] : memref<960xi32, #tpu.memory_space<vmem>> -> memref<80xi32, #tpu.memory_space<vmem>>
    %dma_wait3A_186 = arith.constant 0 : i32
    %dma_wait3A_187 = arith.constant 0 : i32
    %dma_wait3A_188 = tpu.memref_slice %arg2[%dma_wait3A_186, %dma_wait3A_187] : memref<10000x128xf32, #tpu.memory_space<hbm>> -> memref<10000x128xf32, #tpu.memory_space<hbm>>
    tpu.wait_indirect_dma semaphore(%arg13 : memref<!tpu.dma_semaphore, #tpu.memory_space<semaphore_mem>>) src(%dma_wait3A_188 : memref<10000x128xf32, #tpu.memory_space<hbm>>) dst(%dma_wait3A_183 : memref<80x128xf32, #tpu.memory_space<vmem>>)
    %dma_wait3A_189 = arith.constant 560 : i32
    %dma_wait3A_190 = arith.constant 0 : i32
    %dma_wait3A_191 = tpu.memref_slice %arg10[%dma_wait3A_189, %dma_wait3A_190] : memref<960x128xf32, #tpu.memory_space<vmem>> -> memref<80x128xf32, #tpu.memory_space<vmem>>
    %dma_wait3A_192 = arith.constant 560 : i32
    %dma_wait3A_193 = tpu.memref_slice %arg9[%dma_wait3A_192] : memref<960xi32, #tpu.memory_space<vmem>> -> memref<80xi32, #tpu.memory_space<vmem>>
    %dma_wait3A_194 = arith.constant 0 : i32
    %dma_wait3A_195 = arith.constant 0 : i32
    %dma_wait3A_196 = tpu.memref_slice %arg2[%dma_wait3A_194, %dma_wait3A_195] : memref<10000x128xf32, #tpu.memory_space<hbm>> -> memref<10000x128xf32, #tpu.memory_space<hbm>>
    tpu.wait_indirect_dma semaphore(%arg13 : memref<!tpu.dma_semaphore, #tpu.memory_space<semaphore_mem>>) src(%dma_wait3A_196 : memref<10000x128xf32, #tpu.memory_space<hbm>>) dst(%dma_wait3A_191 : memref<80x128xf32, #tpu.memory_space<vmem>>)
    "tpu.region"() ({
      %run_scoped3A = tpu.sem_alloc : memref<!tpu.dma_semaphore, #tpu.memory_space<semaphore_mem>>
      %dma_start3A_229 = arith.constant 320 : i32
      %dma_start3A_230 = arith.constant 0 : i32
      %dma_start3A_231 = tpu.memref_slice %arg10[%dma_start3A_229, %dma_start3A_230] : memref<960x128xf32, #tpu.memory_space<vmem>> -> memref<320x128xf32, #tpu.memory_space<vmem>>
      %dma_start3A_232 = arith.constant 0 : i32
      %dma_start3A_233 = tpu.memref_slice %arg7[%mul3A_2, %dma_start3A_232] : memref<10240x128xf32, #tpu.memory_space<hbm>> -> memref<320x128xf32, #tpu.memory_space<hbm>>
      %dma_start3A_234 = arith.constant 0 : i32
      %dma_start3A_235 = tpu.memref_slice %arg7[%mul3A_2, %dma_start3A_234] : memref<10240x128xf32, #tpu.memory_space<hbm>> -> memref<320x128xf32, #tpu.memory_space<hbm>>
      %dma_start3A_236 = arith.constant 320 : i32
      %dma_start3A_237 = arith.constant 0 : i32
      %dma_start3A_238 = tpu.memref_slice %arg10[%dma_start3A_236, %dma_start3A_237] : memref<960x128xf32, #tpu.memory_space<vmem>> -> memref<320x128xf32, #tpu.memory_space<vmem>>
      tpu.enqueue_dma source(%dma_start3A_238 : memref<320x128xf32, #tpu.memory_space<vmem>>) target(%dma_start3A_235 : memref<320x128xf32, #tpu.memory_space<hbm>>) target_semaphore(%run_scoped3A : memref<!tpu.dma_semaphore, #tpu.memory_space<semaphore_mem>>)
      %dma_wait3A_239 = arith.constant 320 : i32
      %dma_wait3A_240 = arith.constant 0 : i32
      %dma_wait3A_241 = tpu.memref_slice %arg10[%dma_wait3A_239, %dma_wait3A_240] : memref<960x128xf32, #tpu.memory_space<vmem>> -> memref<320x128xf32, #tpu.memory_space<vmem>>
      %dma_wait3A_242 = arith.constant 0 : i32
      %dma_wait3A_243 = tpu.memref_slice %arg7[%mul3A_2, %dma_wait3A_242] : memref<10240x128xf32, #tpu.memory_space<hbm>> -> memref<320x128xf32, #tpu.memory_space<hbm>>
      %dma_wait3A_244 = arith.constant 0 : i32
      %dma_wait3A_245 = tpu.memref_slice %arg7[%mul3A_2, %dma_wait3A_244] : memref<10240x128xf32, #tpu.memory_space<hbm>> -> memref<320x128xf32, #tpu.memory_space<hbm>>
      %dma_wait3A_246 = arith.constant 320 : i32
      %dma_wait3A_247 = arith.constant 0 : i32
      %dma_wait3A_248 = tpu.memref_slice %arg10[%dma_wait3A_246, %dma_wait3A_247] : memref<960x128xf32, #tpu.memory_space<vmem>> -> memref<320x128xf32, #tpu.memory_space<vmem>>
      tpu.wait_dma2 semaphore(%run_scoped3A : memref<!tpu.dma_semaphore, #tpu.memory_space<semaphore_mem>>) src(%dma_wait3A_248 : memref<320x128xf32, #tpu.memory_space<vmem>>) dst(%dma_wait3A_245 : memref<320x128xf32, #tpu.memory_space<hbm>>)
      tpu.yield
    }) : () -> ()
    %dma_wait3A_197 = arith.constant 640 : i32
    %dma_wait3A_198 = arith.constant 0 : i32
    %dma_wait3A_199 = tpu.memref_slice %arg10[%dma_wait3A_197, %dma_wait3A_198] : memref<960x128xf32, #tpu.memory_space<vmem>> -> memref<80x128xf32, #tpu.memory_space<vmem>>
    %dma_wait3A_200 = arith.constant 640 : i32
    %dma_wait3A_201 = tpu.memref_slice %arg9[%dma_wait3A_200] : memref<960xi32, #tpu.memory_space<vmem>> -> memref<80xi32, #tpu.memory_space<vmem>>
    %dma_wait3A_202 = arith.constant 0 : i32
    %dma_wait3A_203 = arith.constant 0 : i32
    %dma_wait3A_204 = tpu.memref_slice %arg2[%dma_wait3A_202, %dma_wait3A_203] : memref<10000x128xf32, #tpu.memory_space<hbm>> -> memref<10000x128xf32, #tpu.memory_space<hbm>>
    tpu.wait_indirect_dma semaphore(%arg14 : memref<!tpu.dma_semaphore, #tpu.memory_space<semaphore_mem>>) src(%dma_wait3A_204 : memref<10000x128xf32, #tpu.memory_space<hbm>>) dst(%dma_wait3A_199 : memref<80x128xf32, #tpu.memory_space<vmem>>)
    %dma_wait3A_205 = arith.constant 720 : i32
    %dma_wait3A_206 = arith.constant 0 : i32
    %dma_wait3A_207 = tpu.memref_slice %arg10[%dma_wait3A_205, %dma_wait3A_206] : memref<960x128xf32, #tpu.memory_space<vmem>> -> memref<80x128xf32, #tpu.memory_space<vmem>>
    %dma_wait3A_208 = arith.constant 720 : i32
    %dma_wait3A_209 = tpu.memref_slice %arg9[%dma_wait3A_208] : memref<960xi32, #tpu.memory_space<vmem>> -> memref<80xi32, #tpu.memory_space<vmem>>
    %dma_wait3A_210 = arith.constant 0 : i32
    %dma_wait3A_211 = arith.constant 0 : i32
    %dma_wait3A_212 = tpu.memref_slice %arg2[%dma_wait3A_210, %dma_wait3A_211] : memref<10000x128xf32, #tpu.memory_space<hbm>> -> memref<10000x128xf32, #tpu.memory_space<hbm>>
    tpu.wait_indirect_dma semaphore(%arg14 : memref<!tpu.dma_semaphore, #tpu.memory_space<semaphore_mem>>) src(%dma_wait3A_212 : memref<10000x128xf32, #tpu.memory_space<hbm>>) dst(%dma_wait3A_207 : memref<80x128xf32, #tpu.memory_space<vmem>>)
    %dma_wait3A_213 = arith.constant 800 : i32
    %dma_wait3A_214 = arith.constant 0 : i32
    %dma_wait3A_215 = tpu.memref_slice %arg10[%dma_wait3A_213, %dma_wait3A_214] : memref<960x128xf32, #tpu.memory_space<vmem>> -> memref<80x128xf32, #tpu.memory_space<vmem>>
    %dma_wait3A_216 = arith.constant 800 : i32
    %dma_wait3A_217 = tpu.memref_slice %arg9[%dma_wait3A_216] : memref<960xi32, #tpu.memory_space<vmem>> -> memref<80xi32, #tpu.memory_space<vmem>>
    %dma_wait3A_218 = arith.constant 0 : i32
    %dma_wait3A_219 = arith.constant 0 : i32
    %dma_wait3A_220 = tpu.memref_slice %arg2[%dma_wait3A_218, %dma_wait3A_219] : memref<10000x128xf32, #tpu.memory_space<hbm>> -> memref<10000x128xf32, #tpu.memory_space<hbm>>
    tpu.wait_indirect_dma semaphore(%arg14 : memref<!tpu.dma_semaphore, #tpu.memory_space<semaphore_mem>>) src(%dma_wait3A_220 : memref<10000x128xf32, #tpu.memory_space<hbm>>) dst(%dma_wait3A_215 : memref<80x128xf32, #tpu.memory_space<vmem>>)
    %dma_wait3A_221 = arith.constant 880 : i32
    %dma_wait3A_222 = arith.constant 0 : i32
    %dma_wait3A_223 = tpu.memref_slice %arg10[%dma_wait3A_221, %dma_wait3A_222] : memref<960x128xf32, #tpu.memory_space<vmem>> -> memref<80x128xf32, #tpu.memory_space<vmem>>
    %dma_wait3A_224 = arith.constant 880 : i32
    %dma_wait3A_225 = tpu.memref_slice %arg9[%dma_wait3A_224] : memref<960xi32, #tpu.memory_space<vmem>> -> memref<80xi32, #tpu.memory_space<vmem>>
    %dma_wait3A_226 = arith.constant 0 : i32
    %dma_wait3A_227 = arith.constant 0 : i32
    %dma_wait3A_228 = tpu.memref_slice %arg2[%dma_wait3A_226, %dma_wait3A_227] : memref<10000x128xf32, #tpu.memory_space<hbm>> -> memref<10000x128xf32, #tpu.memory_space<hbm>>
    tpu.wait_indirect_dma semaphore(%arg14 : memref<!tpu.dma_semaphore, #tpu.memory_space<semaphore_mem>>) src(%dma_wait3A_228 : memref<10000x128xf32, #tpu.memory_space<hbm>>) dst(%dma_wait3A_223 : memref<80x128xf32, #tpu.memory_space<vmem>>)
    "tpu.region"() ({
      %run_scoped3A = tpu.sem_alloc : memref<!tpu.dma_semaphore, #tpu.memory_space<semaphore_mem>>
      %dma_start3A_229 = arith.constant 640 : i32
      %dma_start3A_230 = arith.constant 0 : i32
      %dma_start3A_231 = tpu.memref_slice %arg10[%dma_start3A_229, %dma_start3A_230] : memref<960x128xf32, #tpu.memory_space<vmem>> -> memref<320x128xf32, #tpu.memory_space<vmem>>
      %dma_start3A_232 = arith.constant 0 : i32
      %dma_start3A_233 = tpu.memref_slice %arg8[%mul3A_2, %dma_start3A_232] : memref<10240x128xf32, #tpu.memory_space<hbm>> -> memref<320x128xf32, #tpu.memory_space<hbm>>
      %dma_start3A_234 = arith.constant 0 : i32
      %dma_start3A_235 = tpu.memref_slice %arg8[%mul3A_2, %dma_start3A_234] : memref<10240x128xf32, #tpu.memory_space<hbm>> -> memref<320x128xf32, #tpu.memory_space<hbm>>
      %dma_start3A_236 = arith.constant 640 : i32
      %dma_start3A_237 = arith.constant 0 : i32
      %dma_start3A_238 = tpu.memref_slice %arg10[%dma_start3A_236, %dma_start3A_237] : memref<960x128xf32, #tpu.memory_space<vmem>> -> memref<320x128xf32, #tpu.memory_space<vmem>>
      tpu.enqueue_dma source(%dma_start3A_238 : memref<320x128xf32, #tpu.memory_space<vmem>>) target(%dma_start3A_235 : memref<320x128xf32, #tpu.memory_space<hbm>>) target_semaphore(%run_scoped3A : memref<!tpu.dma_semaphore, #tpu.memory_space<semaphore_mem>>)
      %dma_wait3A_239 = arith.constant 640 : i32
      %dma_wait3A_240 = arith.constant 0 : i32
      %dma_wait3A_241 = tpu.memref_slice %arg10[%dma_wait3A_239, %dma_wait3A_240] : memref<960x128xf32, #tpu.memory_space<vmem>> -> memref<320x128xf32, #tpu.memory_space<vmem>>
      %dma_wait3A_242 = arith.constant 0 : i32
      %dma_wait3A_243 = tpu.memref_slice %arg8[%mul3A_2, %dma_wait3A_242] : memref<10240x128xf32, #tpu.memory_space<hbm>> -> memref<320x128xf32, #tpu.memory_space<hbm>>
      %dma_wait3A_244 = arith.constant 0 : i32
      %dma_wait3A_245 = tpu.memref_slice %arg8[%mul3A_2, %dma_wait3A_244] : memref<10240x128xf32, #tpu.memory_space<hbm>> -> memref<320x128xf32, #tpu.memory_space<hbm>>
      %dma_wait3A_246 = arith.constant 640 : i32
      %dma_wait3A_247 = arith.constant 0 : i32
      %dma_wait3A_248 = tpu.memref_slice %arg10[%dma_wait3A_246, %dma_wait3A_247] : memref<960x128xf32, #tpu.memory_space<vmem>> -> memref<320x128xf32, #tpu.memory_space<vmem>>
      tpu.wait_dma2 semaphore(%run_scoped3A : memref<!tpu.dma_semaphore, #tpu.memory_space<semaphore_mem>>) src(%dma_wait3A_248 : memref<320x128xf32, #tpu.memory_space<vmem>>) dst(%dma_wait3A_245 : memref<320x128xf32, #tpu.memory_space<hbm>>)
      tpu.yield
    }) : () -> ()
    return
  }
}

#map = affine_map<(d0, d1) -> (0, 0)>
#map1 = affine_map<(d0, d1) -> (0)>
module attributes {stable_mosaic.version = 14 : i64} {
  func.func @_sc_gather(%arg0: i32, %arg1: i32, %arg2: memref<10240x128xf32, #tpu.memory_space<hbm>>, %arg3: memref<10240xi32, #tpu.memory_space<hbm>>, %arg4: memref<10240xi32, #tpu.memory_space<hbm>>, %arg5: memref<10240xi32, #tpu.memory_space<hbm>>, %arg6: memref<10240x128xf32, #tpu.memory_space<hbm>>, %arg7: memref<10240x128xf32, #tpu.memory_space<hbm>>, %arg8: memref<10240x128xf32, #tpu.memory_space<hbm>>, %arg9: memref<960xi32, #tpu.memory_space<vmem>>, %arg10: memref<960x128xf32, #tpu.memory_space<vmem>>, %arg11: memref<!tpu.dma_semaphore, #tpu.memory_space<semaphore_mem>>, %arg12: memref<!tpu.dma_semaphore, #tpu.memory_space<semaphore_mem>>, %arg13: memref<!tpu.dma_semaphore, #tpu.memory_space<semaphore_mem>>, %arg14: memref<!tpu.dma_semaphore, #tpu.memory_space<semaphore_mem>>) attributes {dimension_semantics = [#tpu.dimension_semantics<core_parallel>, #tpu.dimension_semantics<subcore_parallel>], iteration_bounds = array<i64: 2, 16>, scalar_prefetch = 0 : i64, scratch_operands = 6 : i64, tpu.core_type = #tpu.core_type<sc_vector_subcore>, window_params = [{transform_indices = #map}, {transform_indices = #map1}, {transform_indices = #map1}, {transform_indices = #map1}, {transform_indices = #map}, {transform_indices = #map}, {transform_indices = #map}]} {
    %mul3A = arith.constant 2 : i32
    %mul3A_0 = arith.muli %arg1, %mul3A : i32
    %add3A = arith.addi %mul3A_0, %arg0 : i32
    %mul3A_1 = arith.constant 320 : i32
    %mul3A_2 = arith.muli %add3A, %mul3A_1 : i32
    %dma_start3A = arith.constant 0 : i32
    %dma_start3A_3 = tpu.memref_slice %arg9[%dma_start3A] : memref<960xi32, #tpu.memory_space<vmem>> -> memref<320xi32, #tpu.memory_space<vmem>>
    %dma_start3A_4 = tpu.memref_slice %arg3[%mul3A_2] : memref<10240xi32, #tpu.memory_space<hbm>> -> memref<320xi32, #tpu.memory_space<hbm>>
    %dma_start3A_5 = arith.constant 0 : i32
    %dma_start3A_6 = tpu.memref_slice %arg9[%dma_start3A_5] : memref<960xi32, #tpu.memory_space<vmem>> -> memref<320xi32, #tpu.memory_space<vmem>>
    %dma_start3A_7 = tpu.memref_slice %arg3[%mul3A_2] : memref<10240xi32, #tpu.memory_space<hbm>> -> memref<320xi32, #tpu.memory_space<hbm>>
    tpu.enqueue_dma source(%dma_start3A_7 : memref<320xi32, #tpu.memory_space<hbm>>) target(%dma_start3A_6 : memref<320xi32, #tpu.memory_space<vmem>>) target_semaphore(%arg11 : memref<!tpu.dma_semaphore, #tpu.memory_space<semaphore_mem>>)
    %dma_start3A_8 = arith.constant 320 : i32
    %dma_start3A_9 = tpu.memref_slice %arg9[%dma_start3A_8] : memref<960xi32, #tpu.memory_space<vmem>> -> memref<320xi32, #tpu.memory_space<vmem>>
    %dma_start3A_10 = tpu.memref_slice %arg4[%mul3A_2] : memref<10240xi32, #tpu.memory_space<hbm>> -> memref<320xi32, #tpu.memory_space<hbm>>
    %dma_start3A_11 = arith.constant 320 : i32
    %dma_start3A_12 = tpu.memref_slice %arg9[%dma_start3A_11] : memref<960xi32, #tpu.memory_space<vmem>> -> memref<320xi32, #tpu.memory_space<vmem>>
    %dma_start3A_13 = tpu.memref_slice %arg4[%mul3A_2] : memref<10240xi32, #tpu.memory_space<hbm>> -> memref<320xi32, #tpu.memory_space<hbm>>
    tpu.enqueue_dma source(%dma_start3A_13 : memref<320xi32, #tpu.memory_space<hbm>>) target(%dma_start3A_12 : memref<320xi32, #tpu.memory_space<vmem>>) target_semaphore(%arg11 : memref<!tpu.dma_semaphore, #tpu.memory_space<semaphore_mem>>)
    %dma_start3A_14 = arith.constant 640 : i32
    %dma_start3A_15 = tpu.memref_slice %arg9[%dma_start3A_14] : memref<960xi32, #tpu.memory_space<vmem>> -> memref<320xi32, #tpu.memory_space<vmem>>
    %dma_start3A_16 = tpu.memref_slice %arg5[%mul3A_2] : memref<10240xi32, #tpu.memory_space<hbm>> -> memref<320xi32, #tpu.memory_space<hbm>>
    %dma_start3A_17 = arith.constant 640 : i32
    %dma_start3A_18 = tpu.memref_slice %arg9[%dma_start3A_17] : memref<960xi32, #tpu.memory_space<vmem>> -> memref<320xi32, #tpu.memory_space<vmem>>
    %dma_start3A_19 = tpu.memref_slice %arg5[%mul3A_2] : memref<10240xi32, #tpu.memory_space<hbm>> -> memref<320xi32, #tpu.memory_space<hbm>>
    tpu.enqueue_dma source(%dma_start3A_19 : memref<320xi32, #tpu.memory_space<hbm>>) target(%dma_start3A_18 : memref<320xi32, #tpu.memory_space<vmem>>) target_semaphore(%arg11 : memref<!tpu.dma_semaphore, #tpu.memory_space<semaphore_mem>>)
    %dma_wait3A = arith.constant 0 : i32
    %dma_wait3A_20 = tpu.memref_slice %arg9[%dma_wait3A] : memref<960xi32, #tpu.memory_space<vmem>> -> memref<320xi32, #tpu.memory_space<vmem>>
    %dma_wait3A_21 = tpu.memref_slice %arg3[%mul3A_2] : memref<10240xi32, #tpu.memory_space<hbm>> -> memref<320xi32, #tpu.memory_space<hbm>>
    %dma_wait3A_22 = arith.constant 0 : i32
    %dma_wait3A_23 = tpu.memref_slice %arg9[%dma_wait3A_22] : memref<960xi32, #tpu.memory_space<vmem>> -> memref<320xi32, #tpu.memory_space<vmem>>
    %dma_wait3A_24 = tpu.memref_slice %arg3[%mul3A_2] : memref<10240xi32, #tpu.memory_space<hbm>> -> memref<320xi32, #tpu.memory_space<hbm>>
    tpu.wait_dma2 semaphore(%arg11 : memref<!tpu.dma_semaphore, #tpu.memory_space<semaphore_mem>>) src(%dma_wait3A_24 : memref<320xi32, #tpu.memory_space<hbm>>) dst(%dma_wait3A_23 : memref<320xi32, #tpu.memory_space<vmem>>)
    %dma_wait3A_25 = arith.constant 320 : i32
    %dma_wait3A_26 = tpu.memref_slice %arg9[%dma_wait3A_25] : memref<960xi32, #tpu.memory_space<vmem>> -> memref<320xi32, #tpu.memory_space<vmem>>
    %dma_wait3A_27 = tpu.memref_slice %arg4[%mul3A_2] : memref<10240xi32, #tpu.memory_space<hbm>> -> memref<320xi32, #tpu.memory_space<hbm>>
    %dma_wait3A_28 = arith.constant 320 : i32
    %dma_wait3A_29 = tpu.memref_slice %arg9[%dma_wait3A_28] : memref<960xi32, #tpu.memory_space<vmem>> -> memref<320xi32, #tpu.memory_space<vmem>>
    %dma_wait3A_30 = tpu.memref_slice %arg4[%mul3A_2] : memref<10240xi32, #tpu.memory_space<hbm>> -> memref<320xi32, #tpu.memory_space<hbm>>
    tpu.wait_dma2 semaphore(%arg11 : memref<!tpu.dma_semaphore, #tpu.memory_space<semaphore_mem>>) src(%dma_wait3A_30 : memref<320xi32, #tpu.memory_space<hbm>>) dst(%dma_wait3A_29 : memref<320xi32, #tpu.memory_space<vmem>>)
    %dma_wait3A_31 = arith.constant 640 : i32
    %dma_wait3A_32 = tpu.memref_slice %arg9[%dma_wait3A_31] : memref<960xi32, #tpu.memory_space<vmem>> -> memref<320xi32, #tpu.memory_space<vmem>>
    %dma_wait3A_33 = tpu.memref_slice %arg5[%mul3A_2] : memref<10240xi32, #tpu.memory_space<hbm>> -> memref<320xi32, #tpu.memory_space<hbm>>
    %dma_wait3A_34 = arith.constant 640 : i32
    %dma_wait3A_35 = tpu.memref_slice %arg9[%dma_wait3A_34] : memref<960xi32, #tpu.memory_space<vmem>> -> memref<320xi32, #tpu.memory_space<vmem>>
    %dma_wait3A_36 = tpu.memref_slice %arg5[%mul3A_2] : memref<10240xi32, #tpu.memory_space<hbm>> -> memref<320xi32, #tpu.memory_space<hbm>>
    tpu.wait_dma2 semaphore(%arg11 : memref<!tpu.dma_semaphore, #tpu.memory_space<semaphore_mem>>) src(%dma_wait3A_36 : memref<320xi32, #tpu.memory_space<hbm>>) dst(%dma_wait3A_35 : memref<320xi32, #tpu.memory_space<vmem>>)
    %dma_start3A_37 = arith.constant 0 : i32
    %dma_start3A_38 = arith.constant 0 : i32
    %dma_start3A_39 = tpu.memref_slice %arg10[%dma_start3A_37, %dma_start3A_38] : memref<960x128xf32, #tpu.memory_space<vmem>> -> memref<80x128xf32, #tpu.memory_space<vmem>>
    %dma_start3A_40 = arith.constant 0 : i32
    %dma_start3A_41 = tpu.memref_slice %arg9[%dma_start3A_40] : memref<960xi32, #tpu.memory_space<vmem>> -> memref<80xi32, #tpu.memory_space<vmem>>
    %dma_start3A_42 = arith.constant 0 : i32
    %dma_start3A_43 = arith.constant 0 : i32
    %dma_start3A_44 = tpu.memref_slice %arg2[%dma_start3A_42, %dma_start3A_43] : memref<10240x128xf32, #tpu.memory_space<hbm>> -> memref<10240x128xf32, #tpu.memory_space<hbm>>
    tpu.enqueue_indirect_dma source(%dma_start3A_44 : memref<10240x128xf32, #tpu.memory_space<hbm>>) target(%dma_start3A_39 : memref<80x128xf32, #tpu.memory_space<vmem>>) offsets(%dma_start3A_41 : memref<80xi32, #tpu.memory_space<vmem>>) semaphore(%arg12 : memref<!tpu.dma_semaphore, #tpu.memory_space<semaphore_mem>>)
    %dma_start3A_45 = arith.constant 80 : i32
    %dma_start3A_46 = arith.constant 0 : i32
    %dma_start3A_47 = tpu.memref_slice %arg10[%dma_start3A_45, %dma_start3A_46] : memref<960x128xf32, #tpu.memory_space<vmem>> -> memref<80x128xf32, #tpu.memory_space<vmem>>
    %dma_start3A_48 = arith.constant 80 : i32
    %dma_start3A_49 = tpu.memref_slice %arg9[%dma_start3A_48] : memref<960xi32, #tpu.memory_space<vmem>> -> memref<80xi32, #tpu.memory_space<vmem>>
    %dma_start3A_50 = arith.constant 0 : i32
    %dma_start3A_51 = arith.constant 0 : i32
    %dma_start3A_52 = tpu.memref_slice %arg2[%dma_start3A_50, %dma_start3A_51] : memref<10240x128xf32, #tpu.memory_space<hbm>> -> memref<10240x128xf32, #tpu.memory_space<hbm>>
    tpu.enqueue_indirect_dma source(%dma_start3A_52 : memref<10240x128xf32, #tpu.memory_space<hbm>>) target(%dma_start3A_47 : memref<80x128xf32, #tpu.memory_space<vmem>>) offsets(%dma_start3A_49 : memref<80xi32, #tpu.memory_space<vmem>>) semaphore(%arg12 : memref<!tpu.dma_semaphore, #tpu.memory_space<semaphore_mem>>)
    %dma_start3A_53 = arith.constant 160 : i32
    %dma_start3A_54 = arith.constant 0 : i32
    %dma_start3A_55 = tpu.memref_slice %arg10[%dma_start3A_53, %dma_start3A_54] : memref<960x128xf32, #tpu.memory_space<vmem>> -> memref<80x128xf32, #tpu.memory_space<vmem>>
    %dma_start3A_56 = arith.constant 160 : i32
    %dma_start3A_57 = tpu.memref_slice %arg9[%dma_start3A_56] : memref<960xi32, #tpu.memory_space<vmem>> -> memref<80xi32, #tpu.memory_space<vmem>>
    %dma_start3A_58 = arith.constant 0 : i32
    %dma_start3A_59 = arith.constant 0 : i32
    %dma_start3A_60 = tpu.memref_slice %arg2[%dma_start3A_58, %dma_start3A_59] : memref<10240x128xf32, #tpu.memory_space<hbm>> -> memref<10240x128xf32, #tpu.memory_space<hbm>>
    tpu.enqueue_indirect_dma source(%dma_start3A_60 : memref<10240x128xf32, #tpu.memory_space<hbm>>) target(%dma_start3A_55 : memref<80x128xf32, #tpu.memory_space<vmem>>) offsets(%dma_start3A_57 : memref<80xi32, #tpu.memory_space<vmem>>) semaphore(%arg12 : memref<!tpu.dma_semaphore, #tpu.memory_space<semaphore_mem>>)
    %dma_start3A_61 = arith.constant 240 : i32
    %dma_start3A_62 = arith.constant 0 : i32
    %dma_start3A_63 = tpu.memref_slice %arg10[%dma_start3A_61, %dma_start3A_62] : memref<960x128xf32, #tpu.memory_space<vmem>> -> memref<80x128xf32, #tpu.memory_space<vmem>>
    %dma_start3A_64 = arith.constant 240 : i32
    %dma_start3A_65 = tpu.memref_slice %arg9[%dma_start3A_64] : memref<960xi32, #tpu.memory_space<vmem>> -> memref<80xi32, #tpu.memory_space<vmem>>
    %dma_start3A_66 = arith.constant 0 : i32
    %dma_start3A_67 = arith.constant 0 : i32
    %dma_start3A_68 = tpu.memref_slice %arg2[%dma_start3A_66, %dma_start3A_67] : memref<10240x128xf32, #tpu.memory_space<hbm>> -> memref<10240x128xf32, #tpu.memory_space<hbm>>
    tpu.enqueue_indirect_dma source(%dma_start3A_68 : memref<10240x128xf32, #tpu.memory_space<hbm>>) target(%dma_start3A_63 : memref<80x128xf32, #tpu.memory_space<vmem>>) offsets(%dma_start3A_65 : memref<80xi32, #tpu.memory_space<vmem>>) semaphore(%arg12 : memref<!tpu.dma_semaphore, #tpu.memory_space<semaphore_mem>>)
    %dma_start3A_69 = arith.constant 320 : i32
    %dma_start3A_70 = arith.constant 0 : i32
    %dma_start3A_71 = tpu.memref_slice %arg10[%dma_start3A_69, %dma_start3A_70] : memref<960x128xf32, #tpu.memory_space<vmem>> -> memref<80x128xf32, #tpu.memory_space<vmem>>
    %dma_start3A_72 = arith.constant 320 : i32
    %dma_start3A_73 = tpu.memref_slice %arg9[%dma_start3A_72] : memref<960xi32, #tpu.memory_space<vmem>> -> memref<80xi32, #tpu.memory_space<vmem>>
    %dma_start3A_74 = arith.constant 0 : i32
    %dma_start3A_75 = arith.constant 0 : i32
    %dma_start3A_76 = tpu.memref_slice %arg2[%dma_start3A_74, %dma_start3A_75] : memref<10240x128xf32, #tpu.memory_space<hbm>> -> memref<10240x128xf32, #tpu.memory_space<hbm>>
    tpu.enqueue_indirect_dma source(%dma_start3A_76 : memref<10240x128xf32, #tpu.memory_space<hbm>>) target(%dma_start3A_71 : memref<80x128xf32, #tpu.memory_space<vmem>>) offsets(%dma_start3A_73 : memref<80xi32, #tpu.memory_space<vmem>>) semaphore(%arg13 : memref<!tpu.dma_semaphore, #tpu.memory_space<semaphore_mem>>)
    %dma_start3A_77 = arith.constant 400 : i32
    %dma_start3A_78 = arith.constant 0 : i32
    %dma_start3A_79 = tpu.memref_slice %arg10[%dma_start3A_77, %dma_start3A_78] : memref<960x128xf32, #tpu.memory_space<vmem>> -> memref<80x128xf32, #tpu.memory_space<vmem>>
    %dma_start3A_80 = arith.constant 400 : i32
    %dma_start3A_81 = tpu.memref_slice %arg9[%dma_start3A_80] : memref<960xi32, #tpu.memory_space<vmem>> -> memref<80xi32, #tpu.memory_space<vmem>>
    %dma_start3A_82 = arith.constant 0 : i32
    %dma_start3A_83 = arith.constant 0 : i32
    %dma_start3A_84 = tpu.memref_slice %arg2[%dma_start3A_82, %dma_start3A_83] : memref<10240x128xf32, #tpu.memory_space<hbm>> -> memref<10240x128xf32, #tpu.memory_space<hbm>>
    tpu.enqueue_indirect_dma source(%dma_start3A_84 : memref<10240x128xf32, #tpu.memory_space<hbm>>) target(%dma_start3A_79 : memref<80x128xf32, #tpu.memory_space<vmem>>) offsets(%dma_start3A_81 : memref<80xi32, #tpu.memory_space<vmem>>) semaphore(%arg13 : memref<!tpu.dma_semaphore, #tpu.memory_space<semaphore_mem>>)
    %dma_start3A_85 = arith.constant 480 : i32
    %dma_start3A_86 = arith.constant 0 : i32
    %dma_start3A_87 = tpu.memref_slice %arg10[%dma_start3A_85, %dma_start3A_86] : memref<960x128xf32, #tpu.memory_space<vmem>> -> memref<80x128xf32, #tpu.memory_space<vmem>>
    %dma_start3A_88 = arith.constant 480 : i32
    %dma_start3A_89 = tpu.memref_slice %arg9[%dma_start3A_88] : memref<960xi32, #tpu.memory_space<vmem>> -> memref<80xi32, #tpu.memory_space<vmem>>
    %dma_start3A_90 = arith.constant 0 : i32
    %dma_start3A_91 = arith.constant 0 : i32
    %dma_start3A_92 = tpu.memref_slice %arg2[%dma_start3A_90, %dma_start3A_91] : memref<10240x128xf32, #tpu.memory_space<hbm>> -> memref<10240x128xf32, #tpu.memory_space<hbm>>
    tpu.enqueue_indirect_dma source(%dma_start3A_92 : memref<10240x128xf32, #tpu.memory_space<hbm>>) target(%dma_start3A_87 : memref<80x128xf32, #tpu.memory_space<vmem>>) offsets(%dma_start3A_89 : memref<80xi32, #tpu.memory_space<vmem>>) semaphore(%arg13 : memref<!tpu.dma_semaphore, #tpu.memory_space<semaphore_mem>>)
    %dma_start3A_93 = arith.constant 560 : i32
    %dma_start3A_94 = arith.constant 0 : i32
    %dma_start3A_95 = tpu.memref_slice %arg10[%dma_start3A_93, %dma_start3A_94] : memref<960x128xf32, #tpu.memory_space<vmem>> -> memref<80x128xf32, #tpu.memory_space<vmem>>
    %dma_start3A_96 = arith.constant 560 : i32
    %dma_start3A_97 = tpu.memref_slice %arg9[%dma_start3A_96] : memref<960xi32, #tpu.memory_space<vmem>> -> memref<80xi32, #tpu.memory_space<vmem>>
    %dma_start3A_98 = arith.constant 0 : i32
    %dma_start3A_99 = arith.constant 0 : i32
    %dma_start3A_100 = tpu.memref_slice %arg2[%dma_start3A_98, %dma_start3A_99] : memref<10240x128xf32, #tpu.memory_space<hbm>> -> memref<10240x128xf32, #tpu.memory_space<hbm>>
    tpu.enqueue_indirect_dma source(%dma_start3A_100 : memref<10240x128xf32, #tpu.memory_space<hbm>>) target(%dma_start3A_95 : memref<80x128xf32, #tpu.memory_space<vmem>>) offsets(%dma_start3A_97 : memref<80xi32, #tpu.memory_space<vmem>>) semaphore(%arg13 : memref<!tpu.dma_semaphore, #tpu.memory_space<semaphore_mem>>)
    %dma_start3A_101 = arith.constant 640 : i32
    %dma_start3A_102 = arith.constant 0 : i32
    %dma_start3A_103 = tpu.memref_slice %arg10[%dma_start3A_101, %dma_start3A_102] : memref<960x128xf32, #tpu.memory_space<vmem>> -> memref<80x128xf32, #tpu.memory_space<vmem>>
    %dma_start3A_104 = arith.constant 640 : i32
    %dma_start3A_105 = tpu.memref_slice %arg9[%dma_start3A_104] : memref<960xi32, #tpu.memory_space<vmem>> -> memref<80xi32, #tpu.memory_space<vmem>>
    %dma_start3A_106 = arith.constant 0 : i32
    %dma_start3A_107 = arith.constant 0 : i32
    %dma_start3A_108 = tpu.memref_slice %arg2[%dma_start3A_106, %dma_start3A_107] : memref<10240x128xf32, #tpu.memory_space<hbm>> -> memref<10240x128xf32, #tpu.memory_space<hbm>>
    tpu.enqueue_indirect_dma source(%dma_start3A_108 : memref<10240x128xf32, #tpu.memory_space<hbm>>) target(%dma_start3A_103 : memref<80x128xf32, #tpu.memory_space<vmem>>) offsets(%dma_start3A_105 : memref<80xi32, #tpu.memory_space<vmem>>) semaphore(%arg14 : memref<!tpu.dma_semaphore, #tpu.memory_space<semaphore_mem>>)
    %dma_start3A_109 = arith.constant 720 : i32
    %dma_start3A_110 = arith.constant 0 : i32
    %dma_start3A_111 = tpu.memref_slice %arg10[%dma_start3A_109, %dma_start3A_110] : memref<960x128xf32, #tpu.memory_space<vmem>> -> memref<80x128xf32, #tpu.memory_space<vmem>>
    %dma_start3A_112 = arith.constant 720 : i32
    %dma_start3A_113 = tpu.memref_slice %arg9[%dma_start3A_112] : memref<960xi32, #tpu.memory_space<vmem>> -> memref<80xi32, #tpu.memory_space<vmem>>
    %dma_start3A_114 = arith.constant 0 : i32
    %dma_start3A_115 = arith.constant 0 : i32
    %dma_start3A_116 = tpu.memref_slice %arg2[%dma_start3A_114, %dma_start3A_115] : memref<10240x128xf32, #tpu.memory_space<hbm>> -> memref<10240x128xf32, #tpu.memory_space<hbm>>
    tpu.enqueue_indirect_dma source(%dma_start3A_116 : memref<10240x128xf32, #tpu.memory_space<hbm>>) target(%dma_start3A_111 : memref<80x128xf32, #tpu.memory_space<vmem>>) offsets(%dma_start3A_113 : memref<80xi32, #tpu.memory_space<vmem>>) semaphore(%arg14 : memref<!tpu.dma_semaphore, #tpu.memory_space<semaphore_mem>>)
    %dma_start3A_117 = arith.constant 800 : i32
    %dma_start3A_118 = arith.constant 0 : i32
    %dma_start3A_119 = tpu.memref_slice %arg10[%dma_start3A_117, %dma_start3A_118] : memref<960x128xf32, #tpu.memory_space<vmem>> -> memref<80x128xf32, #tpu.memory_space<vmem>>
    %dma_start3A_120 = arith.constant 800 : i32
    %dma_start3A_121 = tpu.memref_slice %arg9[%dma_start3A_120] : memref<960xi32, #tpu.memory_space<vmem>> -> memref<80xi32, #tpu.memory_space<vmem>>
    %dma_start3A_122 = arith.constant 0 : i32
    %dma_start3A_123 = arith.constant 0 : i32
    %dma_start3A_124 = tpu.memref_slice %arg2[%dma_start3A_122, %dma_start3A_123] : memref<10240x128xf32, #tpu.memory_space<hbm>> -> memref<10240x128xf32, #tpu.memory_space<hbm>>
    tpu.enqueue_indirect_dma source(%dma_start3A_124 : memref<10240x128xf32, #tpu.memory_space<hbm>>) target(%dma_start3A_119 : memref<80x128xf32, #tpu.memory_space<vmem>>) offsets(%dma_start3A_121 : memref<80xi32, #tpu.memory_space<vmem>>) semaphore(%arg14 : memref<!tpu.dma_semaphore, #tpu.memory_space<semaphore_mem>>)
    %dma_start3A_125 = arith.constant 880 : i32
    %dma_start3A_126 = arith.constant 0 : i32
    %dma_start3A_127 = tpu.memref_slice %arg10[%dma_start3A_125, %dma_start3A_126] : memref<960x128xf32, #tpu.memory_space<vmem>> -> memref<80x128xf32, #tpu.memory_space<vmem>>
    %dma_start3A_128 = arith.constant 880 : i32
    %dma_start3A_129 = tpu.memref_slice %arg9[%dma_start3A_128] : memref<960xi32, #tpu.memory_space<vmem>> -> memref<80xi32, #tpu.memory_space<vmem>>
    %dma_start3A_130 = arith.constant 0 : i32
    %dma_start3A_131 = arith.constant 0 : i32
    %dma_start3A_132 = tpu.memref_slice %arg2[%dma_start3A_130, %dma_start3A_131] : memref<10240x128xf32, #tpu.memory_space<hbm>> -> memref<10240x128xf32, #tpu.memory_space<hbm>>
    tpu.enqueue_indirect_dma source(%dma_start3A_132 : memref<10240x128xf32, #tpu.memory_space<hbm>>) target(%dma_start3A_127 : memref<80x128xf32, #tpu.memory_space<vmem>>) offsets(%dma_start3A_129 : memref<80xi32, #tpu.memory_space<vmem>>) semaphore(%arg14 : memref<!tpu.dma_semaphore, #tpu.memory_space<semaphore_mem>>)
    %dma_wait3A_133 = arith.constant 0 : i32
    %dma_wait3A_134 = arith.constant 0 : i32
    %dma_wait3A_135 = tpu.memref_slice %arg10[%dma_wait3A_133, %dma_wait3A_134] : memref<960x128xf32, #tpu.memory_space<vmem>> -> memref<80x128xf32, #tpu.memory_space<vmem>>
    %dma_wait3A_136 = arith.constant 0 : i32
    %dma_wait3A_137 = tpu.memref_slice %arg9[%dma_wait3A_136] : memref<960xi32, #tpu.memory_space<vmem>> -> memref<80xi32, #tpu.memory_space<vmem>>
    %dma_wait3A_138 = arith.constant 0 : i32
    %dma_wait3A_139 = arith.constant 0 : i32
    %dma_wait3A_140 = tpu.memref_slice %arg2[%dma_wait3A_138, %dma_wait3A_139] : memref<10240x128xf32, #tpu.memory_space<hbm>> -> memref<10240x128xf32, #tpu.memory_space<hbm>>
    tpu.wait_indirect_dma semaphore(%arg12 : memref<!tpu.dma_semaphore, #tpu.memory_space<semaphore_mem>>) src(%dma_wait3A_140 : memref<10240x128xf32, #tpu.memory_space<hbm>>) dst(%dma_wait3A_135 : memref<80x128xf32, #tpu.memory_space<vmem>>)
    %dma_wait3A_141 = arith.constant 80 : i32
    %dma_wait3A_142 = arith.constant 0 : i32
    %dma_wait3A_143 = tpu.memref_slice %arg10[%dma_wait3A_141, %dma_wait3A_142] : memref<960x128xf32, #tpu.memory_space<vmem>> -> memref<80x128xf32, #tpu.memory_space<vmem>>
    %dma_wait3A_144 = arith.constant 80 : i32
    %dma_wait3A_145 = tpu.memref_slice %arg9[%dma_wait3A_144] : memref<960xi32, #tpu.memory_space<vmem>> -> memref<80xi32, #tpu.memory_space<vmem>>
    %dma_wait3A_146 = arith.constant 0 : i32
    %dma_wait3A_147 = arith.constant 0 : i32
    %dma_wait3A_148 = tpu.memref_slice %arg2[%dma_wait3A_146, %dma_wait3A_147] : memref<10240x128xf32, #tpu.memory_space<hbm>> -> memref<10240x128xf32, #tpu.memory_space<hbm>>
    tpu.wait_indirect_dma semaphore(%arg12 : memref<!tpu.dma_semaphore, #tpu.memory_space<semaphore_mem>>) src(%dma_wait3A_148 : memref<10240x128xf32, #tpu.memory_space<hbm>>) dst(%dma_wait3A_143 : memref<80x128xf32, #tpu.memory_space<vmem>>)
    %dma_wait3A_149 = arith.constant 160 : i32
    %dma_wait3A_150 = arith.constant 0 : i32
    %dma_wait3A_151 = tpu.memref_slice %arg10[%dma_wait3A_149, %dma_wait3A_150] : memref<960x128xf32, #tpu.memory_space<vmem>> -> memref<80x128xf32, #tpu.memory_space<vmem>>
    %dma_wait3A_152 = arith.constant 160 : i32
    %dma_wait3A_153 = tpu.memref_slice %arg9[%dma_wait3A_152] : memref<960xi32, #tpu.memory_space<vmem>> -> memref<80xi32, #tpu.memory_space<vmem>>
    %dma_wait3A_154 = arith.constant 0 : i32
    %dma_wait3A_155 = arith.constant 0 : i32
    %dma_wait3A_156 = tpu.memref_slice %arg2[%dma_wait3A_154, %dma_wait3A_155] : memref<10240x128xf32, #tpu.memory_space<hbm>> -> memref<10240x128xf32, #tpu.memory_space<hbm>>
    tpu.wait_indirect_dma semaphore(%arg12 : memref<!tpu.dma_semaphore, #tpu.memory_space<semaphore_mem>>) src(%dma_wait3A_156 : memref<10240x128xf32, #tpu.memory_space<hbm>>) dst(%dma_wait3A_151 : memref<80x128xf32, #tpu.memory_space<vmem>>)
    %dma_wait3A_157 = arith.constant 240 : i32
    %dma_wait3A_158 = arith.constant 0 : i32
    %dma_wait3A_159 = tpu.memref_slice %arg10[%dma_wait3A_157, %dma_wait3A_158] : memref<960x128xf32, #tpu.memory_space<vmem>> -> memref<80x128xf32, #tpu.memory_space<vmem>>
    %dma_wait3A_160 = arith.constant 240 : i32
    %dma_wait3A_161 = tpu.memref_slice %arg9[%dma_wait3A_160] : memref<960xi32, #tpu.memory_space<vmem>> -> memref<80xi32, #tpu.memory_space<vmem>>
    %dma_wait3A_162 = arith.constant 0 : i32
    %dma_wait3A_163 = arith.constant 0 : i32
    %dma_wait3A_164 = tpu.memref_slice %arg2[%dma_wait3A_162, %dma_wait3A_163] : memref<10240x128xf32, #tpu.memory_space<hbm>> -> memref<10240x128xf32, #tpu.memory_space<hbm>>
    tpu.wait_indirect_dma semaphore(%arg12 : memref<!tpu.dma_semaphore, #tpu.memory_space<semaphore_mem>>) src(%dma_wait3A_164 : memref<10240x128xf32, #tpu.memory_space<hbm>>) dst(%dma_wait3A_159 : memref<80x128xf32, #tpu.memory_space<vmem>>)
    "tpu.region"() ({
      %run_scoped3A = tpu.sem_alloc : memref<!tpu.dma_semaphore, #tpu.memory_space<semaphore_mem>>
      %dma_start3A_229 = arith.constant 0 : i32
      %dma_start3A_230 = arith.constant 0 : i32
      %dma_start3A_231 = tpu.memref_slice %arg10[%dma_start3A_229, %dma_start3A_230] : memref<960x128xf32, #tpu.memory_space<vmem>> -> memref<320x128xf32, #tpu.memory_space<vmem>>
      %dma_start3A_232 = arith.constant 0 : i32
      %dma_start3A_233 = tpu.memref_slice %arg6[%mul3A_2, %dma_start3A_232] : memref<10240x128xf32, #tpu.memory_space<hbm>> -> memref<320x128xf32, #tpu.memory_space<hbm>>
      %dma_start3A_234 = arith.constant 0 : i32
      %dma_start3A_235 = tpu.memref_slice %arg6[%mul3A_2, %dma_start3A_234] : memref<10240x128xf32, #tpu.memory_space<hbm>> -> memref<320x128xf32, #tpu.memory_space<hbm>>
      %dma_start3A_236 = arith.constant 0 : i32
      %dma_start3A_237 = arith.constant 0 : i32
      %dma_start3A_238 = tpu.memref_slice %arg10[%dma_start3A_236, %dma_start3A_237] : memref<960x128xf32, #tpu.memory_space<vmem>> -> memref<320x128xf32, #tpu.memory_space<vmem>>
      tpu.enqueue_dma source(%dma_start3A_238 : memref<320x128xf32, #tpu.memory_space<vmem>>) target(%dma_start3A_235 : memref<320x128xf32, #tpu.memory_space<hbm>>) target_semaphore(%run_scoped3A : memref<!tpu.dma_semaphore, #tpu.memory_space<semaphore_mem>>)
      %dma_wait3A_239 = arith.constant 0 : i32
      %dma_wait3A_240 = arith.constant 0 : i32
      %dma_wait3A_241 = tpu.memref_slice %arg10[%dma_wait3A_239, %dma_wait3A_240] : memref<960x128xf32, #tpu.memory_space<vmem>> -> memref<320x128xf32, #tpu.memory_space<vmem>>
      %dma_wait3A_242 = arith.constant 0 : i32
      %dma_wait3A_243 = tpu.memref_slice %arg6[%mul3A_2, %dma_wait3A_242] : memref<10240x128xf32, #tpu.memory_space<hbm>> -> memref<320x128xf32, #tpu.memory_space<hbm>>
      %dma_wait3A_244 = arith.constant 0 : i32
      %dma_wait3A_245 = tpu.memref_slice %arg6[%mul3A_2, %dma_wait3A_244] : memref<10240x128xf32, #tpu.memory_space<hbm>> -> memref<320x128xf32, #tpu.memory_space<hbm>>
      %dma_wait3A_246 = arith.constant 0 : i32
      %dma_wait3A_247 = arith.constant 0 : i32
      %dma_wait3A_248 = tpu.memref_slice %arg10[%dma_wait3A_246, %dma_wait3A_247] : memref<960x128xf32, #tpu.memory_space<vmem>> -> memref<320x128xf32, #tpu.memory_space<vmem>>
      tpu.wait_dma2 semaphore(%run_scoped3A : memref<!tpu.dma_semaphore, #tpu.memory_space<semaphore_mem>>) src(%dma_wait3A_248 : memref<320x128xf32, #tpu.memory_space<vmem>>) dst(%dma_wait3A_245 : memref<320x128xf32, #tpu.memory_space<hbm>>)
      tpu.yield
    }) : () -> ()
    %dma_wait3A_165 = arith.constant 320 : i32
    %dma_wait3A_166 = arith.constant 0 : i32
    %dma_wait3A_167 = tpu.memref_slice %arg10[%dma_wait3A_165, %dma_wait3A_166] : memref<960x128xf32, #tpu.memory_space<vmem>> -> memref<80x128xf32, #tpu.memory_space<vmem>>
    %dma_wait3A_168 = arith.constant 320 : i32
    %dma_wait3A_169 = tpu.memref_slice %arg9[%dma_wait3A_168] : memref<960xi32, #tpu.memory_space<vmem>> -> memref<80xi32, #tpu.memory_space<vmem>>
    %dma_wait3A_170 = arith.constant 0 : i32
    %dma_wait3A_171 = arith.constant 0 : i32
    %dma_wait3A_172 = tpu.memref_slice %arg2[%dma_wait3A_170, %dma_wait3A_171] : memref<10240x128xf32, #tpu.memory_space<hbm>> -> memref<10240x128xf32, #tpu.memory_space<hbm>>
    tpu.wait_indirect_dma semaphore(%arg13 : memref<!tpu.dma_semaphore, #tpu.memory_space<semaphore_mem>>) src(%dma_wait3A_172 : memref<10240x128xf32, #tpu.memory_space<hbm>>) dst(%dma_wait3A_167 : memref<80x128xf32, #tpu.memory_space<vmem>>)
    %dma_wait3A_173 = arith.constant 400 : i32
    %dma_wait3A_174 = arith.constant 0 : i32
    %dma_wait3A_175 = tpu.memref_slice %arg10[%dma_wait3A_173, %dma_wait3A_174] : memref<960x128xf32, #tpu.memory_space<vmem>> -> memref<80x128xf32, #tpu.memory_space<vmem>>
    %dma_wait3A_176 = arith.constant 400 : i32
    %dma_wait3A_177 = tpu.memref_slice %arg9[%dma_wait3A_176] : memref<960xi32, #tpu.memory_space<vmem>> -> memref<80xi32, #tpu.memory_space<vmem>>
    %dma_wait3A_178 = arith.constant 0 : i32
    %dma_wait3A_179 = arith.constant 0 : i32
    %dma_wait3A_180 = tpu.memref_slice %arg2[%dma_wait3A_178, %dma_wait3A_179] : memref<10240x128xf32, #tpu.memory_space<hbm>> -> memref<10240x128xf32, #tpu.memory_space<hbm>>
    tpu.wait_indirect_dma semaphore(%arg13 : memref<!tpu.dma_semaphore, #tpu.memory_space<semaphore_mem>>) src(%dma_wait3A_180 : memref<10240x128xf32, #tpu.memory_space<hbm>>) dst(%dma_wait3A_175 : memref<80x128xf32, #tpu.memory_space<vmem>>)
    %dma_wait3A_181 = arith.constant 480 : i32
    %dma_wait3A_182 = arith.constant 0 : i32
    %dma_wait3A_183 = tpu.memref_slice %arg10[%dma_wait3A_181, %dma_wait3A_182] : memref<960x128xf32, #tpu.memory_space<vmem>> -> memref<80x128xf32, #tpu.memory_space<vmem>>
    %dma_wait3A_184 = arith.constant 480 : i32
    %dma_wait3A_185 = tpu.memref_slice %arg9[%dma_wait3A_184] : memref<960xi32, #tpu.memory_space<vmem>> -> memref<80xi32, #tpu.memory_space<vmem>>
    %dma_wait3A_186 = arith.constant 0 : i32
    %dma_wait3A_187 = arith.constant 0 : i32
    %dma_wait3A_188 = tpu.memref_slice %arg2[%dma_wait3A_186, %dma_wait3A_187] : memref<10240x128xf32, #tpu.memory_space<hbm>> -> memref<10240x128xf32, #tpu.memory_space<hbm>>
    tpu.wait_indirect_dma semaphore(%arg13 : memref<!tpu.dma_semaphore, #tpu.memory_space<semaphore_mem>>) src(%dma_wait3A_188 : memref<10240x128xf32, #tpu.memory_space<hbm>>) dst(%dma_wait3A_183 : memref<80x128xf32, #tpu.memory_space<vmem>>)
    %dma_wait3A_189 = arith.constant 560 : i32
    %dma_wait3A_190 = arith.constant 0 : i32
    %dma_wait3A_191 = tpu.memref_slice %arg10[%dma_wait3A_189, %dma_wait3A_190] : memref<960x128xf32, #tpu.memory_space<vmem>> -> memref<80x128xf32, #tpu.memory_space<vmem>>
    %dma_wait3A_192 = arith.constant 560 : i32
    %dma_wait3A_193 = tpu.memref_slice %arg9[%dma_wait3A_192] : memref<960xi32, #tpu.memory_space<vmem>> -> memref<80xi32, #tpu.memory_space<vmem>>
    %dma_wait3A_194 = arith.constant 0 : i32
    %dma_wait3A_195 = arith.constant 0 : i32
    %dma_wait3A_196 = tpu.memref_slice %arg2[%dma_wait3A_194, %dma_wait3A_195] : memref<10240x128xf32, #tpu.memory_space<hbm>> -> memref<10240x128xf32, #tpu.memory_space<hbm>>
    tpu.wait_indirect_dma semaphore(%arg13 : memref<!tpu.dma_semaphore, #tpu.memory_space<semaphore_mem>>) src(%dma_wait3A_196 : memref<10240x128xf32, #tpu.memory_space<hbm>>) dst(%dma_wait3A_191 : memref<80x128xf32, #tpu.memory_space<vmem>>)
    "tpu.region"() ({
      %run_scoped3A = tpu.sem_alloc : memref<!tpu.dma_semaphore, #tpu.memory_space<semaphore_mem>>
      %dma_start3A_229 = arith.constant 320 : i32
      %dma_start3A_230 = arith.constant 0 : i32
      %dma_start3A_231 = tpu.memref_slice %arg10[%dma_start3A_229, %dma_start3A_230] : memref<960x128xf32, #tpu.memory_space<vmem>> -> memref<320x128xf32, #tpu.memory_space<vmem>>
      %dma_start3A_232 = arith.constant 0 : i32
      %dma_start3A_233 = tpu.memref_slice %arg7[%mul3A_2, %dma_start3A_232] : memref<10240x128xf32, #tpu.memory_space<hbm>> -> memref<320x128xf32, #tpu.memory_space<hbm>>
      %dma_start3A_234 = arith.constant 0 : i32
      %dma_start3A_235 = tpu.memref_slice %arg7[%mul3A_2, %dma_start3A_234] : memref<10240x128xf32, #tpu.memory_space<hbm>> -> memref<320x128xf32, #tpu.memory_space<hbm>>
      %dma_start3A_236 = arith.constant 320 : i32
      %dma_start3A_237 = arith.constant 0 : i32
      %dma_start3A_238 = tpu.memref_slice %arg10[%dma_start3A_236, %dma_start3A_237] : memref<960x128xf32, #tpu.memory_space<vmem>> -> memref<320x128xf32, #tpu.memory_space<vmem>>
      tpu.enqueue_dma source(%dma_start3A_238 : memref<320x128xf32, #tpu.memory_space<vmem>>) target(%dma_start3A_235 : memref<320x128xf32, #tpu.memory_space<hbm>>) target_semaphore(%run_scoped3A : memref<!tpu.dma_semaphore, #tpu.memory_space<semaphore_mem>>)
      %dma_wait3A_239 = arith.constant 320 : i32
      %dma_wait3A_240 = arith.constant 0 : i32
      %dma_wait3A_241 = tpu.memref_slice %arg10[%dma_wait3A_239, %dma_wait3A_240] : memref<960x128xf32, #tpu.memory_space<vmem>> -> memref<320x128xf32, #tpu.memory_space<vmem>>
      %dma_wait3A_242 = arith.constant 0 : i32
      %dma_wait3A_243 = tpu.memref_slice %arg7[%mul3A_2, %dma_wait3A_242] : memref<10240x128xf32, #tpu.memory_space<hbm>> -> memref<320x128xf32, #tpu.memory_space<hbm>>
      %dma_wait3A_244 = arith.constant 0 : i32
      %dma_wait3A_245 = tpu.memref_slice %arg7[%mul3A_2, %dma_wait3A_244] : memref<10240x128xf32, #tpu.memory_space<hbm>> -> memref<320x128xf32, #tpu.memory_space<hbm>>
      %dma_wait3A_246 = arith.constant 320 : i32
      %dma_wait3A_247 = arith.constant 0 : i32
      %dma_wait3A_248 = tpu.memref_slice %arg10[%dma_wait3A_246, %dma_wait3A_247] : memref<960x128xf32, #tpu.memory_space<vmem>> -> memref<320x128xf32, #tpu.memory_space<vmem>>
      tpu.wait_dma2 semaphore(%run_scoped3A : memref<!tpu.dma_semaphore, #tpu.memory_space<semaphore_mem>>) src(%dma_wait3A_248 : memref<320x128xf32, #tpu.memory_space<vmem>>) dst(%dma_wait3A_245 : memref<320x128xf32, #tpu.memory_space<hbm>>)
      tpu.yield
    }) : () -> ()
    %dma_wait3A_197 = arith.constant 640 : i32
    %dma_wait3A_198 = arith.constant 0 : i32
    %dma_wait3A_199 = tpu.memref_slice %arg10[%dma_wait3A_197, %dma_wait3A_198] : memref<960x128xf32, #tpu.memory_space<vmem>> -> memref<80x128xf32, #tpu.memory_space<vmem>>
    %dma_wait3A_200 = arith.constant 640 : i32
    %dma_wait3A_201 = tpu.memref_slice %arg9[%dma_wait3A_200] : memref<960xi32, #tpu.memory_space<vmem>> -> memref<80xi32, #tpu.memory_space<vmem>>
    %dma_wait3A_202 = arith.constant 0 : i32
    %dma_wait3A_203 = arith.constant 0 : i32
    %dma_wait3A_204 = tpu.memref_slice %arg2[%dma_wait3A_202, %dma_wait3A_203] : memref<10240x128xf32, #tpu.memory_space<hbm>> -> memref<10240x128xf32, #tpu.memory_space<hbm>>
    tpu.wait_indirect_dma semaphore(%arg14 : memref<!tpu.dma_semaphore, #tpu.memory_space<semaphore_mem>>) src(%dma_wait3A_204 : memref<10240x128xf32, #tpu.memory_space<hbm>>) dst(%dma_wait3A_199 : memref<80x128xf32, #tpu.memory_space<vmem>>)
    %dma_wait3A_205 = arith.constant 720 : i32
    %dma_wait3A_206 = arith.constant 0 : i32
    %dma_wait3A_207 = tpu.memref_slice %arg10[%dma_wait3A_205, %dma_wait3A_206] : memref<960x128xf32, #tpu.memory_space<vmem>> -> memref<80x128xf32, #tpu.memory_space<vmem>>
    %dma_wait3A_208 = arith.constant 720 : i32
    %dma_wait3A_209 = tpu.memref_slice %arg9[%dma_wait3A_208] : memref<960xi32, #tpu.memory_space<vmem>> -> memref<80xi32, #tpu.memory_space<vmem>>
    %dma_wait3A_210 = arith.constant 0 : i32
    %dma_wait3A_211 = arith.constant 0 : i32
    %dma_wait3A_212 = tpu.memref_slice %arg2[%dma_wait3A_210, %dma_wait3A_211] : memref<10240x128xf32, #tpu.memory_space<hbm>> -> memref<10240x128xf32, #tpu.memory_space<hbm>>
    tpu.wait_indirect_dma semaphore(%arg14 : memref<!tpu.dma_semaphore, #tpu.memory_space<semaphore_mem>>) src(%dma_wait3A_212 : memref<10240x128xf32, #tpu.memory_space<hbm>>) dst(%dma_wait3A_207 : memref<80x128xf32, #tpu.memory_space<vmem>>)
    %dma_wait3A_213 = arith.constant 800 : i32
    %dma_wait3A_214 = arith.constant 0 : i32
    %dma_wait3A_215 = tpu.memref_slice %arg10[%dma_wait3A_213, %dma_wait3A_214] : memref<960x128xf32, #tpu.memory_space<vmem>> -> memref<80x128xf32, #tpu.memory_space<vmem>>
    %dma_wait3A_216 = arith.constant 800 : i32
    %dma_wait3A_217 = tpu.memref_slice %arg9[%dma_wait3A_216] : memref<960xi32, #tpu.memory_space<vmem>> -> memref<80xi32, #tpu.memory_space<vmem>>
    %dma_wait3A_218 = arith.constant 0 : i32
    %dma_wait3A_219 = arith.constant 0 : i32
    %dma_wait3A_220 = tpu.memref_slice %arg2[%dma_wait3A_218, %dma_wait3A_219] : memref<10240x128xf32, #tpu.memory_space<hbm>> -> memref<10240x128xf32, #tpu.memory_space<hbm>>
    tpu.wait_indirect_dma semaphore(%arg14 : memref<!tpu.dma_semaphore, #tpu.memory_space<semaphore_mem>>) src(%dma_wait3A_220 : memref<10240x128xf32, #tpu.memory_space<hbm>>) dst(%dma_wait3A_215 : memref<80x128xf32, #tpu.memory_space<vmem>>)
    %dma_wait3A_221 = arith.constant 880 : i32
    %dma_wait3A_222 = arith.constant 0 : i32
    %dma_wait3A_223 = tpu.memref_slice %arg10[%dma_wait3A_221, %dma_wait3A_222] : memref<960x128xf32, #tpu.memory_space<vmem>> -> memref<80x128xf32, #tpu.memory_space<vmem>>
    %dma_wait3A_224 = arith.constant 880 : i32
    %dma_wait3A_225 = tpu.memref_slice %arg9[%dma_wait3A_224] : memref<960xi32, #tpu.memory_space<vmem>> -> memref<80xi32, #tpu.memory_space<vmem>>
    %dma_wait3A_226 = arith.constant 0 : i32
    %dma_wait3A_227 = arith.constant 0 : i32
    %dma_wait3A_228 = tpu.memref_slice %arg2[%dma_wait3A_226, %dma_wait3A_227] : memref<10240x128xf32, #tpu.memory_space<hbm>> -> memref<10240x128xf32, #tpu.memory_space<hbm>>
    tpu.wait_indirect_dma semaphore(%arg14 : memref<!tpu.dma_semaphore, #tpu.memory_space<semaphore_mem>>) src(%dma_wait3A_228 : memref<10240x128xf32, #tpu.memory_space<hbm>>) dst(%dma_wait3A_223 : memref<80x128xf32, #tpu.memory_space<vmem>>)
    "tpu.region"() ({
      %run_scoped3A = tpu.sem_alloc : memref<!tpu.dma_semaphore, #tpu.memory_space<semaphore_mem>>
      %dma_start3A_229 = arith.constant 640 : i32
      %dma_start3A_230 = arith.constant 0 : i32
      %dma_start3A_231 = tpu.memref_slice %arg10[%dma_start3A_229, %dma_start3A_230] : memref<960x128xf32, #tpu.memory_space<vmem>> -> memref<320x128xf32, #tpu.memory_space<vmem>>
      %dma_start3A_232 = arith.constant 0 : i32
      %dma_start3A_233 = tpu.memref_slice %arg8[%mul3A_2, %dma_start3A_232] : memref<10240x128xf32, #tpu.memory_space<hbm>> -> memref<320x128xf32, #tpu.memory_space<hbm>>
      %dma_start3A_234 = arith.constant 0 : i32
      %dma_start3A_235 = tpu.memref_slice %arg8[%mul3A_2, %dma_start3A_234] : memref<10240x128xf32, #tpu.memory_space<hbm>> -> memref<320x128xf32, #tpu.memory_space<hbm>>
      %dma_start3A_236 = arith.constant 640 : i32
      %dma_start3A_237 = arith.constant 0 : i32
      %dma_start3A_238 = tpu.memref_slice %arg10[%dma_start3A_236, %dma_start3A_237] : memref<960x128xf32, #tpu.memory_space<vmem>> -> memref<320x128xf32, #tpu.memory_space<vmem>>
      tpu.enqueue_dma source(%dma_start3A_238 : memref<320x128xf32, #tpu.memory_space<vmem>>) target(%dma_start3A_235 : memref<320x128xf32, #tpu.memory_space<hbm>>) target_semaphore(%run_scoped3A : memref<!tpu.dma_semaphore, #tpu.memory_space<semaphore_mem>>)
      %dma_wait3A_239 = arith.constant 640 : i32
      %dma_wait3A_240 = arith.constant 0 : i32
      %dma_wait3A_241 = tpu.memref_slice %arg10[%dma_wait3A_239, %dma_wait3A_240] : memref<960x128xf32, #tpu.memory_space<vmem>> -> memref<320x128xf32, #tpu.memory_space<vmem>>
      %dma_wait3A_242 = arith.constant 0 : i32
      %dma_wait3A_243 = tpu.memref_slice %arg8[%mul3A_2, %dma_wait3A_242] : memref<10240x128xf32, #tpu.memory_space<hbm>> -> memref<320x128xf32, #tpu.memory_space<hbm>>
      %dma_wait3A_244 = arith.constant 0 : i32
      %dma_wait3A_245 = tpu.memref_slice %arg8[%mul3A_2, %dma_wait3A_244] : memref<10240x128xf32, #tpu.memory_space<hbm>> -> memref<320x128xf32, #tpu.memory_space<hbm>>
      %dma_wait3A_246 = arith.constant 640 : i32
      %dma_wait3A_247 = arith.constant 0 : i32
      %dma_wait3A_248 = tpu.memref_slice %arg10[%dma_wait3A_246, %dma_wait3A_247] : memref<960x128xf32, #tpu.memory_space<vmem>> -> memref<320x128xf32, #tpu.memory_space<vmem>>
      tpu.wait_dma2 semaphore(%run_scoped3A : memref<!tpu.dma_semaphore, #tpu.memory_space<semaphore_mem>>) src(%dma_wait3A_248 : memref<320x128xf32, #tpu.memory_space<vmem>>) dst(%dma_wait3A_245 : memref<320x128xf32, #tpu.memory_space<hbm>>)
      tpu.yield
    }) : () -> ()
    return
  }
}

module attributes {stable_mosaic.version = 14 : i64} {
  func.func @_knn_body(%arg0: i32, %arg1: memref<512x8xbf16, #tpu.memory_space<vmem>>, %arg2: memref<8x10240xbf16, #tpu.memory_space<vmem>>, %arg3: memref<512x1xf32, #tpu.memory_space<vmem>>, %arg4: memref<1x10240xf32, #tpu.memory_space<vmem>>, %arg5: memref<512x3xi32, #tpu.memory_space<vmem>>, %arg6: memref<512x3xf32, #tpu.memory_space<vmem>>) attributes {dimension_semantics = [#tpu.dimension_semantics<arbitrary>], iteration_bounds = array<i64: 20>, scalar_prefetch = 0 : i64, scratch_operands = 0 : i64, tpu.core_type = #tpu.core_type<tc>, window_params = [{transform_indices = @transform_0, window_bounds = array<i64: 512, 8>}, {pipeline_mode = #tpu.pipeline_mode<synchronous>, transform_indices = @transform_1, window_bounds = array<i64: 8, 10240>}, {transform_indices = @transform_2, window_bounds = array<i64: 512, 1>}, {pipeline_mode = #tpu.pipeline_mode<synchronous>, transform_indices = @transform_3, window_bounds = array<i64: 1, 10240>}, {transform_indices = @transform_4, window_bounds = array<i64: 512, 3>}, {transform_indices = @transform_5, window_bounds = array<i64: 512, 3>}]} {
    %get3A = arith.constant 0 : index
    %get3A_0 = arith.constant 0 : index
    %get3A_1 = vector.load %arg1[%get3A, %get3A_0] : memref<512x8xbf16, #tpu.memory_space<vmem>>, vector<512x8xbf16>
    %get3A_2 = arith.constant 0 : index
    %get3A_3 = arith.constant 0 : index
    %get3A_4 = vector.load %arg2[%get3A_2, %get3A_3] : memref<8x10240xbf16, #tpu.memory_space<vmem>>, vector<8x10240xbf16>
    %dot_general3A = arith.constant dense<0.000000e+00> : vector<512x10240xf32>
    %dot_general3A_5 = tpu.matmul %get3A_1, %get3A_4, %dot_general3A {dimension_numbers = #tpu.dot_dimension_numbers<[1], [0], [0], [1], [0, 0, 1, 1], [], []>, transpose_lhs_hint = false} : vector<512x8xbf16>, vector<8x10240xbf16>, vector<512x10240xf32> -> vector<512x10240xf32>
    %get3A_6 = arith.constant 0 : index
    %get3A_7 = arith.constant 0 : index
    %get3A_8 = vector.load %arg3[%get3A_6, %get3A_7] : memref<512x1xf32, #tpu.memory_space<vmem>>, vector<512x1xf32>
    %get3A_9 = arith.constant 0 : index
    %get3A_10 = arith.constant 0 : index
    %get3A_11 = vector.load %arg4[%get3A_9, %get3A_10] : memref<1x10240xf32, #tpu.memory_space<vmem>>, vector<1x10240xf32>
    %add3A = vector.broadcast %get3A_8 : vector<512x1xf32> to vector<512x10240xf32>
    %add3A_12 = vector.broadcast %get3A_11 : vector<1x10240xf32> to vector<512x10240xf32>
    %add3A_13 = arith.addf %add3A, %add3A_12 : vector<512x10240xf32>
    %sub3A = arith.subf %add3A_13, %dot_general3A_5 : vector<512x10240xf32>
    %max3A = arith.constant 9.99999996E-13 : f32
    %max3A_14 = vector.broadcast %max3A : f32 to vector<512x10240xf32>
    %max3A_15 = arith.maximumf %sub3A, %max3A_14 : vector<512x10240xf32>
    %iota3A = tpu.iota {dimensions = array<i32: 1>} : vector<512x10240xi32>
    %reduce_min3A = arith.constant dense<0x7F800000> : vector<512xf32>
    %reduce_min3A_16 = vector.multi_reduction <minimumf>, %max3A_15, %reduce_min3A [1] : vector<512x10240xf32> to vector<512xf32>
    %broadcast_in_dim3A = vector.shape_cast %reduce_min3A_16 : vector<512xf32> to vector<512x1xf32>
    %eq3A = vector.broadcast %broadcast_in_dim3A : vector<512x1xf32> to vector<512x10240xf32>
    %eq3A_17 = arith.cmpf oeq, %max3A_15, %eq3A : vector<512x10240xf32>
    %jit3A = arith.constant 10240 : i32
    %broadcast_in_dim3A_18 = vector.broadcast %jit3A : i32 to vector<512x10240xi32>
    %select_n3A = arith.select %eq3A_17, %iota3A, %broadcast_in_dim3A_18 : vector<512x10240xi1>, vector<512x10240xi32>
    %reduce_min3A_19 = arith.constant dense<2147483647> : vector<512xi32>
    %reduce_min3A_20 = vector.multi_reduction <minsi>, %select_n3A, %reduce_min3A_19 [1] : vector<512x10240xi32> to vector<512xi32>
    %broadcast_in_dim3A_21 = vector.shape_cast %reduce_min3A_20 : vector<512xi32> to vector<512x1xi32>
    %sqrt3A = math.sqrt %broadcast_in_dim3A : vector<512x1xf32>
    %eq3A_22 = vector.broadcast %broadcast_in_dim3A_21 : vector<512x1xi32> to vector<512x10240xi32>
    %eq3A_23 = arith.cmpi eq, %iota3A, %eq3A_22 : vector<512x10240xi32>
    %jit3A_24 = arith.constant 0x7F800000 : f32
    %broadcast_in_dim3A_25 = vector.broadcast %jit3A_24 : f32 to vector<512x10240xf32>
    %select_n3A_26 = arith.select %eq3A_23, %broadcast_in_dim3A_25, %max3A_15 : vector<512x10240xi1>, vector<512x10240xf32>
    %reduce_min3A_27 = arith.constant dense<0x7F800000> : vector<512xf32>
    %reduce_min3A_28 = vector.multi_reduction <minimumf>, %select_n3A_26, %reduce_min3A_27 [1] : vector<512x10240xf32> to vector<512xf32>
    %broadcast_in_dim3A_29 = vector.shape_cast %reduce_min3A_28 : vector<512xf32> to vector<512x1xf32>
    %eq3A_30 = vector.broadcast %broadcast_in_dim3A_29 : vector<512x1xf32> to vector<512x10240xf32>
    %eq3A_31 = arith.cmpf oeq, %select_n3A_26, %eq3A_30 : vector<512x10240xf32>
    %jit3A_32 = arith.constant 10240 : i32
    %broadcast_in_dim3A_33 = vector.broadcast %jit3A_32 : i32 to vector<512x10240xi32>
    %select_n3A_34 = arith.select %eq3A_31, %iota3A, %broadcast_in_dim3A_33 : vector<512x10240xi1>, vector<512x10240xi32>
    %reduce_min3A_35 = arith.constant dense<2147483647> : vector<512xi32>
    %reduce_min3A_36 = vector.multi_reduction <minsi>, %select_n3A_34, %reduce_min3A_35 [1] : vector<512x10240xi32> to vector<512xi32>
    %broadcast_in_dim3A_37 = vector.shape_cast %reduce_min3A_36 : vector<512xi32> to vector<512x1xi32>
    %sqrt3A_38 = math.sqrt %broadcast_in_dim3A_29 : vector<512x1xf32>
    %eq3A_39 = vector.broadcast %broadcast_in_dim3A_37 : vector<512x1xi32> to vector<512x10240xi32>
    %eq3A_40 = arith.cmpi eq, %iota3A, %eq3A_39 : vector<512x10240xi32>
    %jit3A_41 = arith.constant 0x7F800000 : f32
    %broadcast_in_dim3A_42 = vector.broadcast %jit3A_41 : f32 to vector<512x10240xf32>
    %select_n3A_43 = arith.select %eq3A_40, %broadcast_in_dim3A_42, %select_n3A_26 : vector<512x10240xi1>, vector<512x10240xf32>
    %reduce_min3A_44 = arith.constant dense<0x7F800000> : vector<512xf32>
    %reduce_min3A_45 = vector.multi_reduction <minimumf>, %select_n3A_43, %reduce_min3A_44 [1] : vector<512x10240xf32> to vector<512xf32>
    %broadcast_in_dim3A_46 = vector.shape_cast %reduce_min3A_45 : vector<512xf32> to vector<512x1xf32>
    %eq3A_47 = vector.broadcast %broadcast_in_dim3A_46 : vector<512x1xf32> to vector<512x10240xf32>
    %eq3A_48 = arith.cmpf oeq, %select_n3A_43, %eq3A_47 : vector<512x10240xf32>
    %jit3A_49 = arith.constant 10240 : i32
    %broadcast_in_dim3A_50 = vector.broadcast %jit3A_49 : i32 to vector<512x10240xi32>
    %select_n3A_51 = arith.select %eq3A_48, %iota3A, %broadcast_in_dim3A_50 : vector<512x10240xi1>, vector<512x10240xi32>
    %reduce_min3A_52 = arith.constant dense<2147483647> : vector<512xi32>
    %reduce_min3A_53 = vector.multi_reduction <minsi>, %select_n3A_51, %reduce_min3A_52 [1] : vector<512x10240xi32> to vector<512xi32>
    %broadcast_in_dim3A_54 = vector.shape_cast %reduce_min3A_53 : vector<512xi32> to vector<512x1xi32>
    %sqrt3A_55 = math.sqrt %broadcast_in_dim3A_46 : vector<512x1xf32>
    %concatenate3A = tpu.concatenate %broadcast_in_dim3A_21, %broadcast_in_dim3A_37, %broadcast_in_dim3A_54 in 1 : vector<512x1xi32>, vector<512x1xi32>, vector<512x1xi32> -> vector<512x3xi32>
    %swap3A = arith.constant 0 : index
    %swap3A_56 = arith.constant 0 : index
    %swap3A_57 = vector.load %arg5[%swap3A, %swap3A_56] : memref<512x3xi32, #tpu.memory_space<vmem>>, vector<512x3xi32>
    tpu.vector_store %arg5[%swap3A, %swap3A_56], %concatenate3A {strides = array<i32>} : memref<512x3xi32, #tpu.memory_space<vmem>>, vector<512x3xi32>,
    %concatenate3A_58 = tpu.concatenate %sqrt3A, %sqrt3A_38, %sqrt3A_55 in 1 : vector<512x1xf32>, vector<512x1xf32>, vector<512x1xf32> -> vector<512x3xf32>
    %swap3A_59 = arith.constant 0 : index
    %swap3A_60 = arith.constant 0 : index
    %swap3A_61 = vector.load %arg6[%swap3A_59, %swap3A_60] : memref<512x3xf32, #tpu.memory_space<vmem>>, vector<512x3xf32>
    tpu.vector_store %arg6[%swap3A_59, %swap3A_60], %concatenate3A_58 {strides = array<i32>} : memref<512x3xf32, #tpu.memory_space<vmem>>, vector<512x3xf32>,
    return
  }
  func.func @transform_0(%arg0: i32) -> (i32, i32) {
    %c0_i32 = arith.constant 0 : i32
    %c0_i32_0 = arith.constant 0 : i32
    return %arg0, %c0_i32 : i32, i32
  }
  func.func @transform_1(%arg0: i32) -> (i32, i32) {
    %c0_i32 = arith.constant 0 : i32
    %c0_i32_0 = arith.constant 0 : i32
    %c0_i32_1 = arith.constant 0 : i32
    return %c0_i32, %c0_i32_0 : i32, i32
  }
  func.func @transform_2(%arg0: i32) -> (i32, i32) {
    %c0_i32 = arith.constant 0 : i32
    %c0_i32_0 = arith.constant 0 : i32
    return %arg0, %c0_i32 : i32, i32
  }
  func.func @transform_3(%arg0: i32) -> (i32, i32) {
    %c0_i32 = arith.constant 0 : i32
    %c0_i32_0 = arith.constant 0 : i32
    %c0_i32_1 = arith.constant 0 : i32
    return %c0_i32, %c0_i32_0 : i32, i32
  }
  func.func @transform_4(%arg0: i32) -> (i32, i32) {
    %c0_i32 = arith.constant 0 : i32
    %c0_i32_0 = arith.constant 0 : i32
    return %arg0, %c0_i32 : i32, i32
  }
  func.func @transform_5(%arg0: i32) -> (i32, i32) {
    %c0_i32 = arith.constant 0 : i32
    %c0_i32_0 = arith.constant 0 : i32
    return %arg0, %c0_i32 : i32, i32
  }
}

module attributes {stable_mosaic.version = 14 : i64} {
  func.func @_pre_body(%arg0: i32, %arg1: memref<512x128xf32, #tpu.memory_space<vmem>>, %arg2: memref<512x128xf32, #tpu.memory_space<vmem>>, %arg3: memref<512x128xf32, #tpu.memory_space<vmem>>, %arg4: memref<512x3xbf16, #tpu.memory_space<vmem>>, %arg5: memref<1x128xf32, #tpu.memory_space<vmem>>, %arg6: memref<1x128xf32, #tpu.memory_space<vmem>>, %arg7: memref<128x16xbf16, #tpu.memory_space<vmem>>, %arg8: memref<1x16xf32, #tpu.memory_space<vmem>>, %arg9: memref<512x128xf32, #tpu.memory_space<vmem>>, %arg10: memref<512x16xf32, #tpu.memory_space<vmem>>, %arg11: memref<512x16xf32, #tpu.memory_space<vmem>>, %arg12: memref<512x16xf32, #tpu.memory_space<vmem>>) attributes {dimension_semantics = [#tpu.dimension_semantics<arbitrary>], iteration_bounds = array<i64: 20>, scalar_prefetch = 0 : i64, scratch_operands = 0 : i64, tpu.core_type = #tpu.core_type<tc>, window_params = [{transform_indices = @transform_0, window_bounds = array<i64: 512, 128>}, {transform_indices = @transform_1, window_bounds = array<i64: 512, 128>}, {transform_indices = @transform_2, window_bounds = array<i64: 512, 128>}, {transform_indices = @transform_3, window_bounds = array<i64: 512, 3>}, {pipeline_mode = #tpu.pipeline_mode<synchronous>, transform_indices = @transform_4, window_bounds = array<i64: 1, 128>}, {pipeline_mode = #tpu.pipeline_mode<synchronous>, transform_indices = @transform_5, window_bounds = array<i64: 1, 128>}, {pipeline_mode = #tpu.pipeline_mode<synchronous>, transform_indices = @transform_6, window_bounds = array<i64: 128, 16>}, {pipeline_mode = #tpu.pipeline_mode<synchronous>, transform_indices = @transform_7, window_bounds = array<i64: 1, 16>}, {transform_indices = @transform_8, window_bounds = array<i64: 512, 128>}, {transform_indices = @transform_9, window_bounds = array<i64: 512, 16>}, {transform_indices = @transform_10, window_bounds = array<i64: 512, 16>}, {transform_indices = @transform_11, window_bounds = array<i64: 512, 16>}]} {
    %get3A = arith.constant 0 : index
    %get3A_0 = arith.constant 0 : index
    %get3A_1 = vector.load %arg1[%get3A, %get3A_0] : memref<512x128xf32, #tpu.memory_space<vmem>>, vector<512x128xf32>
    %get3A_2 = arith.constant 0 : index
    %get3A_3 = arith.constant 0 : index
    %get3A_4 = vector.load %arg2[%get3A_2, %get3A_3] : memref<512x128xf32, #tpu.memory_space<vmem>>, vector<512x128xf32>
    %add3A = arith.addf %get3A_1, %get3A_4 : vector<512x128xf32>
    %get3A_5 = arith.constant 0 : index
    %get3A_6 = arith.constant 0 : index
    %get3A_7 = vector.load %arg3[%get3A_5, %get3A_6] : memref<512x128xf32, #tpu.memory_space<vmem>>, vector<512x128xf32>
    %add3A_8 = arith.addf %add3A, %get3A_7 : vector<512x128xf32>
    %div3A = arith.constant 3.000000e+00 : f32
    %div3A_9 = vector.broadcast %div3A : f32 to vector<512x128xf32>
    %div3A_10 = arith.divf %add3A_8, %div3A_9 : vector<512x128xf32>
    %swap3A = arith.constant 0 : index
    %swap3A_11 = arith.constant 0 : index
    %swap3A_12 = vector.load %arg9[%swap3A, %swap3A_11] : memref<512x128xf32, #tpu.memory_space<vmem>>, vector<512x128xf32>
    tpu.vector_store %arg9[%swap3A, %swap3A_11], %div3A_10 {strides = array<i32>} : memref<512x128xf32, #tpu.memory_space<vmem>>, vector<512x128xf32>,
    %get3A_13 = arith.constant 0 : index
    %get3A_14 = arith.constant 0 : index
    %get3A_15 = vector.load %arg4[%get3A_13, %get3A_14] : memref<512x3xbf16, #tpu.memory_space<vmem>>, vector<512x3xbf16>
    %convert_element_type3A = arith.extf %get3A_15 : vector<512x3xbf16> to vector<512x3xf32>
    %get3A_16 = arith.constant 0 : index
    %get3A_17 = arith.constant 0 : index
    %get3A_18 = vector.load %arg5[%get3A_16, %get3A_17] : memref<1x128xf32, #tpu.memory_space<vmem>>, vector<1x128xf32>
    %slice3A = vector.extract_strided_slice %convert_element_type3A {offsets = [0, 0], sizes = [512, 1], strides = [1, 1]} : vector<512x3xf32> to vector<512x1xf32>
    %mul3A = vector.broadcast %slice3A : vector<512x1xf32> to vector<512x128xf32>
    %mul3A_19 = vector.broadcast %get3A_18 : vector<1x128xf32> to vector<512x128xf32>
    %mul3A_20 = arith.mulf %mul3A, %mul3A_19 : vector<512x128xf32>
    %get3A_21 = arith.constant 0 : index
    %get3A_22 = arith.constant 0 : index
    %get3A_23 = vector.load %arg6[%get3A_21, %get3A_22] : memref<1x128xf32, #tpu.memory_space<vmem>>, vector<1x128xf32>
    %add3A_24 = vector.broadcast %get3A_23 : vector<1x128xf32> to vector<512x128xf32>
    %add3A_25 = arith.addf %mul3A_20, %add3A_24 : vector<512x128xf32>
    %mul3A_26 = arith.constant 5.000000e-01 : f32
    %mul3A_27 = vector.broadcast %mul3A_26 : f32 to vector<512x128xf32>
    %mul3A_28 = arith.mulf %mul3A_27, %add3A_25 : vector<512x128xf32>
    %mul3A_29 = arith.constant 0.707106769 : f32
    %mul3A_30 = vector.broadcast %mul3A_29 : f32 to vector<512x128xf32>
    %mul3A_31 = arith.mulf %add3A_25, %mul3A_30 : vector<512x128xf32>
    %erf3A = math.erf %mul3A_31 : vector<512x128xf32>
    %add3A_32 = arith.constant 1.000000e+00 : f32
    %add3A_33 = vector.broadcast %add3A_32 : f32 to vector<512x128xf32>
    %add3A_34 = arith.addf %add3A_33, %erf3A : vector<512x128xf32>
    %mul3A_35 = arith.mulf %mul3A_28, %add3A_34 : vector<512x128xf32>
    %get3A_36 = arith.constant 0 : index
    %get3A_37 = arith.constant 0 : index
    %get3A_38 = vector.load %arg7[%get3A_36, %get3A_37] : memref<128x16xbf16, #tpu.memory_space<vmem>>, vector<128x16xbf16>
    %convert_element_type3A_39 = arith.truncf %mul3A_35 : vector<512x128xf32> to vector<512x128xbf16>
    %dot_general3A = arith.constant dense<0.000000e+00> : vector<512x16xf32>
    %dot_general3A_40 = tpu.matmul %convert_element_type3A_39, %get3A_38, %dot_general3A {dimension_numbers = #tpu.dot_dimension_numbers<[1], [0], [0], [1], [0, 0, 1, 1], [], []>, transpose_lhs_hint = false} : vector<512x128xbf16>, vector<128x16xbf16>, vector<512x16xf32> -> vector<512x16xf32>
    %get3A_41 = arith.constant 0 : index
    %get3A_42 = arith.constant 0 : index
    %get3A_43 = vector.load %arg8[%get3A_41, %get3A_42] : memref<1x16xf32, #tpu.memory_space<vmem>>, vector<1x16xf32>
    %add3A_44 = vector.broadcast %get3A_43 : vector<1x16xf32> to vector<512x16xf32>
    %add3A_45 = arith.addf %dot_general3A_40, %add3A_44 : vector<512x16xf32>
    %swap3A_46 = arith.constant 0 : index
    %swap3A_47 = arith.constant 0 : index
    %swap3A_48 = vector.load %arg10[%swap3A_46, %swap3A_47] : memref<512x16xf32, #tpu.memory_space<vmem>>, vector<512x16xf32>
    tpu.vector_store %arg10[%swap3A_46, %swap3A_47], %add3A_45 {strides = array<i32>} : memref<512x16xf32, #tpu.memory_space<vmem>>, vector<512x16xf32>,
    %slice3A_49 = vector.extract_strided_slice %convert_element_type3A {offsets = [0, 1], sizes = [512, 1], strides = [1, 1]} : vector<512x3xf32> to vector<512x1xf32>
    %mul3A_50 = vector.broadcast %slice3A_49 : vector<512x1xf32> to vector<512x128xf32>
    %mul3A_51 = vector.broadcast %get3A_18 : vector<1x128xf32> to vector<512x128xf32>
    %mul3A_52 = arith.mulf %mul3A_50, %mul3A_51 : vector<512x128xf32>
    %get3A_53 = arith.constant 0 : index
    %get3A_54 = arith.constant 0 : index
    %get3A_55 = vector.load %arg6[%get3A_53, %get3A_54] : memref<1x128xf32, #tpu.memory_space<vmem>>, vector<1x128xf32>
    %add3A_56 = vector.broadcast %get3A_55 : vector<1x128xf32> to vector<512x128xf32>
    %add3A_57 = arith.addf %mul3A_52, %add3A_56 : vector<512x128xf32>
    %mul3A_58 = arith.constant 5.000000e-01 : f32
    %mul3A_59 = vector.broadcast %mul3A_58 : f32 to vector<512x128xf32>
    %mul3A_60 = arith.mulf %mul3A_59, %add3A_57 : vector<512x128xf32>
    %mul3A_61 = arith.constant 0.707106769 : f32
    %mul3A_62 = vector.broadcast %mul3A_61 : f32 to vector<512x128xf32>
    %mul3A_63 = arith.mulf %add3A_57, %mul3A_62 : vector<512x128xf32>
    %erf3A_64 = math.erf %mul3A_63 : vector<512x128xf32>
    %add3A_65 = arith.constant 1.000000e+00 : f32
    %add3A_66 = vector.broadcast %add3A_65 : f32 to vector<512x128xf32>
    %add3A_67 = arith.addf %add3A_66, %erf3A_64 : vector<512x128xf32>
    %mul3A_68 = arith.mulf %mul3A_60, %add3A_67 : vector<512x128xf32>
    %get3A_69 = arith.constant 0 : index
    %get3A_70 = arith.constant 0 : index
    %get3A_71 = vector.load %arg7[%get3A_69, %get3A_70] : memref<128x16xbf16, #tpu.memory_space<vmem>>, vector<128x16xbf16>
    %convert_element_type3A_72 = arith.truncf %mul3A_68 : vector<512x128xf32> to vector<512x128xbf16>
    %dot_general3A_73 = arith.constant dense<0.000000e+00> : vector<512x16xf32>
    %dot_general3A_74 = tpu.matmul %convert_element_type3A_72, %get3A_71, %dot_general3A_73 {dimension_numbers = #tpu.dot_dimension_numbers<[1], [0], [0], [1], [0, 0, 1, 1], [], []>, transpose_lhs_hint = false} : vector<512x128xbf16>, vector<128x16xbf16>, vector<512x16xf32> -> vector<512x16xf32>
    %get3A_75 = arith.constant 0 : index
    %get3A_76 = arith.constant 0 : index
    %get3A_77 = vector.load %arg8[%get3A_75, %get3A_76] : memref<1x16xf32, #tpu.memory_space<vmem>>, vector<1x16xf32>
    %add3A_78 = vector.broadcast %get3A_77 : vector<1x16xf32> to vector<512x16xf32>
    %add3A_79 = arith.addf %dot_general3A_74, %add3A_78 : vector<512x16xf32>
    %swap3A_80 = arith.constant 0 : index
    %swap3A_81 = arith.constant 0 : index
    %swap3A_82 = vector.load %arg11[%swap3A_80, %swap3A_81] : memref<512x16xf32, #tpu.memory_space<vmem>>, vector<512x16xf32>
    tpu.vector_store %arg11[%swap3A_80, %swap3A_81], %add3A_79 {strides = array<i32>} : memref<512x16xf32, #tpu.memory_space<vmem>>, vector<512x16xf32>,
    %slice3A_83 = vector.extract_strided_slice %convert_element_type3A {offsets = [0, 2], sizes = [512, 1], strides = [1, 1]} : vector<512x3xf32> to vector<512x1xf32>
    %mul3A_84 = vector.broadcast %slice3A_83 : vector<512x1xf32> to vector<512x128xf32>
    %mul3A_85 = vector.broadcast %get3A_18 : vector<1x128xf32> to vector<512x128xf32>
    %mul3A_86 = arith.mulf %mul3A_84, %mul3A_85 : vector<512x128xf32>
    %get3A_87 = arith.constant 0 : index
    %get3A_88 = arith.constant 0 : index
    %get3A_89 = vector.load %arg6[%get3A_87, %get3A_88] : memref<1x128xf32, #tpu.memory_space<vmem>>, vector<1x128xf32>
    %add3A_90 = vector.broadcast %get3A_89 : vector<1x128xf32> to vector<512x128xf32>
    %add3A_91 = arith.addf %mul3A_86, %add3A_90 : vector<512x128xf32>
    %mul3A_92 = arith.constant 5.000000e-01 : f32
    %mul3A_93 = vector.broadcast %mul3A_92 : f32 to vector<512x128xf32>
    %mul3A_94 = arith.mulf %mul3A_93, %add3A_91 : vector<512x128xf32>
    %mul3A_95 = arith.constant 0.707106769 : f32
    %mul3A_96 = vector.broadcast %mul3A_95 : f32 to vector<512x128xf32>
    %mul3A_97 = arith.mulf %add3A_91, %mul3A_96 : vector<512x128xf32>
    %erf3A_98 = math.erf %mul3A_97 : vector<512x128xf32>
    %add3A_99 = arith.constant 1.000000e+00 : f32
    %add3A_100 = vector.broadcast %add3A_99 : f32 to vector<512x128xf32>
    %add3A_101 = arith.addf %add3A_100, %erf3A_98 : vector<512x128xf32>
    %mul3A_102 = arith.mulf %mul3A_94, %add3A_101 : vector<512x128xf32>
    %get3A_103 = arith.constant 0 : index
    %get3A_104 = arith.constant 0 : index
    %get3A_105 = vector.load %arg7[%get3A_103, %get3A_104] : memref<128x16xbf16, #tpu.memory_space<vmem>>, vector<128x16xbf16>
    %convert_element_type3A_106 = arith.truncf %mul3A_102 : vector<512x128xf32> to vector<512x128xbf16>
    %dot_general3A_107 = arith.constant dense<0.000000e+00> : vector<512x16xf32>
    %dot_general3A_108 = tpu.matmul %convert_element_type3A_106, %get3A_105, %dot_general3A_107 {dimension_numbers = #tpu.dot_dimension_numbers<[1], [0], [0], [1], [0, 0, 1, 1], [], []>, transpose_lhs_hint = false} : vector<512x128xbf16>, vector<128x16xbf16>, vector<512x16xf32> -> vector<512x16xf32>
    %get3A_109 = arith.constant 0 : index
    %get3A_110 = arith.constant 0 : index
    %get3A_111 = vector.load %arg8[%get3A_109, %get3A_110] : memref<1x16xf32, #tpu.memory_space<vmem>>, vector<1x16xf32>
    %add3A_112 = vector.broadcast %get3A_111 : vector<1x16xf32> to vector<512x16xf32>
    %add3A_113 = arith.addf %dot_general3A_108, %add3A_112 : vector<512x16xf32>
    %swap3A_114 = arith.constant 0 : index
    %swap3A_115 = arith.constant 0 : index
    %swap3A_116 = vector.load %arg12[%swap3A_114, %swap3A_115] : memref<512x16xf32, #tpu.memory_space<vmem>>, vector<512x16xf32>
    tpu.vector_store %arg12[%swap3A_114, %swap3A_115], %add3A_113 {strides = array<i32>} : memref<512x16xf32, #tpu.memory_space<vmem>>, vector<512x16xf32>,
    return
  }
  func.func @transform_0(%arg0: i32) -> (i32, i32) {
    %c0_i32 = arith.constant 0 : i32
    %c0_i32_0 = arith.constant 0 : i32
    return %arg0, %c0_i32 : i32, i32
  }
  func.func @transform_1(%arg0: i32) -> (i32, i32) {
    %c0_i32 = arith.constant 0 : i32
    %c0_i32_0 = arith.constant 0 : i32
    return %arg0, %c0_i32 : i32, i32
  }
  func.func @transform_2(%arg0: i32) -> (i32, i32) {
    %c0_i32 = arith.constant 0 : i32
    %c0_i32_0 = arith.constant 0 : i32
    return %arg0, %c0_i32 : i32, i32
  }
  func.func @transform_3(%arg0: i32) -> (i32, i32) {
    %c0_i32 = arith.constant 0 : i32
    %c0_i32_0 = arith.constant 0 : i32
    return %arg0, %c0_i32 : i32, i32
  }
  func.func @transform_4(%arg0: i32) -> (i32, i32) {
    %c0_i32 = arith.constant 0 : i32
    %c0_i32_0 = arith.constant 0 : i32
    %c0_i32_1 = arith.constant 0 : i32
    return %c0_i32, %c0_i32_0 : i32, i32
  }
  func.func @transform_5(%arg0: i32) -> (i32, i32) {
    %c0_i32 = arith.constant 0 : i32
    %c0_i32_0 = arith.constant 0 : i32
    %c0_i32_1 = arith.constant 0 : i32
    return %c0_i32, %c0_i32_0 : i32, i32
  }
  func.func @transform_6(%arg0: i32) -> (i32, i32) {
    %c0_i32 = arith.constant 0 : i32
    %c0_i32_0 = arith.constant 0 : i32
    %c0_i32_1 = arith.constant 0 : i32
    return %c0_i32, %c0_i32_0 : i32, i32
  }
  func.func @transform_7(%arg0: i32) -> (i32, i32) {
    %c0_i32 = arith.constant 0 : i32
    %c0_i32_0 = arith.constant 0 : i32
    %c0_i32_1 = arith.constant 0 : i32
    return %c0_i32, %c0_i32_0 : i32, i32
  }
  func.func @transform_8(%arg0: i32) -> (i32, i32) {
    %c0_i32 = arith.constant 0 : i32
    %c0_i32_0 = arith.constant 0 : i32
    return %arg0, %c0_i32 : i32, i32
  }
  func.func @transform_9(%arg0: i32) -> (i32, i32) {
    %c0_i32 = arith.constant 0 : i32
    %c0_i32_0 = arith.constant 0 : i32
    return %arg0, %c0_i32 : i32, i32
  }
  func.func @transform_10(%arg0: i32) -> (i32, i32) {
    %c0_i32 = arith.constant 0 : i32
    %c0_i32_0 = arith.constant 0 : i32
    return %arg0, %c0_i32 : i32, i32
  }
  func.func @transform_11(%arg0: i32) -> (i32, i32) {
    %c0_i32 = arith.constant 0 : i32
    %c0_i32_0 = arith.constant 0 : i32
    return %arg0, %c0_i32 : i32, i32
  }
}

module attributes {stable_mosaic.version = 14 : i64} {
  func.func @_layer_body(%arg0: i32, %arg1: memref<512x128xf32, #tpu.memory_space<vmem>>, %arg2: memref<512x128xf32, #tpu.memory_space<vmem>>, %arg3: memref<512x128xf32, #tpu.memory_space<vmem>>, %arg4: memref<512x128xf32, #tpu.memory_space<vmem>>, %arg5: memref<512x16xf32, #tpu.memory_space<vmem>>, %arg6: memref<512x16xf32, #tpu.memory_space<vmem>>, %arg7: memref<512x16xf32, #tpu.memory_space<vmem>>, %arg8: memref<128x128xbf16, #tpu.memory_space<vmem>>, %arg9: memref<128x128xbf16, #tpu.memory_space<vmem>>, %arg10: memref<16x128xbf16, #tpu.memory_space<vmem>>, %arg11: memref<1x128xf32, #tpu.memory_space<vmem>>, %arg12: memref<128x16xbf16, #tpu.memory_space<vmem>>, %arg13: memref<1x16xf32, #tpu.memory_space<vmem>>, %arg14: memref<128x128xbf16, #tpu.memory_space<vmem>>, %arg15: memref<16x128xbf16, #tpu.memory_space<vmem>>, %arg16: memref<1x128xf32, #tpu.memory_space<vmem>>, %arg17: memref<128x128xbf16, #tpu.memory_space<vmem>>, %arg18: memref<1x128xf32, #tpu.memory_space<vmem>>, %arg19: memref<512x128xf32, #tpu.memory_space<vmem>>, %arg20: memref<512x16xf32, #tpu.memory_space<vmem>>, %arg21: memref<512x16xf32, #tpu.memory_space<vmem>>, %arg22: memref<512x16xf32, #tpu.memory_space<vmem>>) attributes {dimension_semantics = [#tpu.dimension_semantics<arbitrary>], iteration_bounds = array<i64: 20>, scalar_prefetch = 0 : i64, scratch_operands = 0 : i64, tpu.core_type = #tpu.core_type<tc>, window_params = [{transform_indices = @transform_0, window_bounds = array<i64: 512, 128>}, {transform_indices = @transform_1, window_bounds = array<i64: 512, 128>}, {transform_indices = @transform_2, window_bounds = array<i64: 512, 128>}, {transform_indices = @transform_3, window_bounds = array<i64: 512, 128>}, {transform_indices = @transform_4, window_bounds = array<i64: 512, 16>}, {transform_indices = @transform_5, window_bounds = array<i64: 512, 16>}, {transform_indices = @transform_6, window_bounds = array<i64: 512, 16>}, {pipeline_mode = #tpu.pipeline_mode<synchronous>, transform_indices = @transform_7, window_bounds = array<i64: 128, 128>}, {pipeline_mode = #tpu.pipeline_mode<synchronous>, transform_indices = @transform_8, window_bounds = array<i64: 128, 128>}, {pipeline_mode = #tpu.pipeline_mode<synchronous>, transform_indices = @transform_9, window_bounds = array<i64: 16, 128>}, {pipeline_mode = #tpu.pipeline_mode<synchronous>, transform_indices = @transform_10, window_bounds = array<i64: 1, 128>}, {pipeline_mode = #tpu.pipeline_mode<synchronous>, transform_indices = @transform_11, window_bounds = array<i64: 128, 16>}, {pipeline_mode = #tpu.pipeline_mode<synchronous>, transform_indices = @transform_12, window_bounds = array<i64: 1, 16>}, {pipeline_mode = #tpu.pipeline_mode<synchronous>, transform_indices = @transform_13, window_bounds = array<i64: 128, 128>}, {pipeline_mode = #tpu.pipeline_mode<synchronous>, transform_indices = @transform_14, window_bounds = array<i64: 16, 128>}, {pipeline_mode = #tpu.pipeline_mode<synchronous>, transform_indices = @transform_15, window_bounds = array<i64: 1, 128>}, {pipeline_mode = #tpu.pipeline_mode<synchronous>, transform_indices = @transform_16, window_bounds = array<i64: 128, 128>}, {pipeline_mode = #tpu.pipeline_mode<synchronous>, transform_indices = @transform_17, window_bounds = array<i64: 1, 128>}, {transform_indices = @transform_18, window_bounds = array<i64: 512, 128>}, {transform_indices = @transform_19, window_bounds = array<i64: 512, 16>}, {transform_indices = @transform_20, window_bounds = array<i64: 512, 16>}, {transform_indices = @transform_21, window_bounds = array<i64: 512, 16>}]} {
    %get3A = arith.constant 0 : index
    %get3A_0 = arith.constant 0 : index
    %get3A_1 = vector.load %arg5[%get3A, %get3A_0] : memref<512x16xf32, #tpu.memory_space<vmem>>, vector<512x16xf32>
    %get3A_2 = arith.constant 0 : index
    %get3A_3 = arith.constant 0 : index
    %get3A_4 = vector.load %arg6[%get3A_2, %get3A_3] : memref<512x16xf32, #tpu.memory_space<vmem>>, vector<512x16xf32>
    %get3A_5 = arith.constant 0 : index
    %get3A_6 = arith.constant 0 : index
    %get3A_7 = vector.load %arg7[%get3A_5, %get3A_6] : memref<512x16xf32, #tpu.memory_space<vmem>>, vector<512x16xf32>
    %get3A_8 = arith.constant 0 : index
    %get3A_9 = arith.constant 0 : index
    %get3A_10 = vector.load %arg1[%get3A_8, %get3A_9] : memref<512x128xf32, #tpu.memory_space<vmem>>, vector<512x128xf32>
    %get3A_11 = arith.constant 0 : index
    %get3A_12 = arith.constant 0 : index
    %get3A_13 = vector.load %arg2[%get3A_11, %get3A_12] : memref<512x128xf32, #tpu.memory_space<vmem>>, vector<512x128xf32>
    %get3A_14 = arith.constant 0 : index
    %get3A_15 = arith.constant 0 : index
    %get3A_16 = vector.load %arg3[%get3A_14, %get3A_15] : memref<512x128xf32, #tpu.memory_space<vmem>>, vector<512x128xf32>
    %get3A_17 = arith.constant 0 : index
    %get3A_18 = arith.constant 0 : index
    %get3A_19 = vector.load %arg4[%get3A_17, %get3A_18] : memref<512x128xf32, #tpu.memory_space<vmem>>, vector<512x128xf32>
    %get3A_20 = arith.constant 0 : index
    %get3A_21 = arith.constant 0 : index
    %get3A_22 = vector.load %arg8[%get3A_20, %get3A_21] : memref<128x128xbf16, #tpu.memory_space<vmem>>, vector<128x128xbf16>
    %get3A_23 = arith.constant 0 : index
    %get3A_24 = arith.constant 0 : index
    %get3A_25 = vector.load %arg9[%get3A_23, %get3A_24] : memref<128x128xbf16, #tpu.memory_space<vmem>>, vector<128x128xbf16>
    %get3A_26 = arith.constant 0 : index
    %get3A_27 = arith.constant 0 : index
    %get3A_28 = vector.load %arg10[%get3A_26, %get3A_27] : memref<16x128xbf16, #tpu.memory_space<vmem>>, vector<16x128xbf16>
    %get3A_29 = arith.constant 0 : index
    %get3A_30 = arith.constant 0 : index
    %get3A_31 = vector.load %arg11[%get3A_29, %get3A_30] : memref<1x128xf32, #tpu.memory_space<vmem>>, vector<1x128xf32>
    %get3A_32 = arith.constant 0 : index
    %get3A_33 = arith.constant 0 : index
    %get3A_34 = vector.load %arg12[%get3A_32, %get3A_33] : memref<128x16xbf16, #tpu.memory_space<vmem>>, vector<128x16xbf16>
    %get3A_35 = arith.constant 0 : index
    %get3A_36 = arith.constant 0 : index
    %get3A_37 = vector.load %arg13[%get3A_35, %get3A_36] : memref<1x16xf32, #tpu.memory_space<vmem>>, vector<1x16xf32>
    %get3A_38 = arith.constant 0 : index
    %get3A_39 = arith.constant 0 : index
    %get3A_40 = vector.load %arg14[%get3A_38, %get3A_39] : memref<128x128xbf16, #tpu.memory_space<vmem>>, vector<128x128xbf16>
    %get3A_41 = arith.constant 0 : index
    %get3A_42 = arith.constant 0 : index
    %get3A_43 = vector.load %arg15[%get3A_41, %get3A_42] : memref<16x128xbf16, #tpu.memory_space<vmem>>, vector<16x128xbf16>
    %get3A_44 = arith.constant 0 : index
    %get3A_45 = arith.constant 0 : index
    %get3A_46 = vector.load %arg16[%get3A_44, %get3A_45] : memref<1x128xf32, #tpu.memory_space<vmem>>, vector<1x128xf32>
    %get3A_47 = arith.constant 0 : index
    %get3A_48 = arith.constant 0 : index
    %get3A_49 = vector.load %arg17[%get3A_47, %get3A_48] : memref<128x128xbf16, #tpu.memory_space<vmem>>, vector<128x128xbf16>
    %get3A_50 = arith.constant 0 : index
    %get3A_51 = arith.constant 0 : index
    %get3A_52 = vector.load %arg18[%get3A_50, %get3A_51] : memref<1x128xf32, #tpu.memory_space<vmem>>, vector<1x128xf32>
    %convert_element_type3A = arith.truncf %get3A_10 : vector<512x128xf32> to vector<512x128xbf16>
    %dot_general3A = arith.constant dense<0.000000e+00> : vector<512x128xf32>
    %dot_general3A_53 = tpu.matmul %convert_element_type3A, %get3A_25, %dot_general3A {dimension_numbers = #tpu.dot_dimension_numbers<[1], [0], [0], [1], [0, 0, 1, 1], [], []>, transpose_lhs_hint = false} : vector<512x128xbf16>, vector<128x128xbf16>, vector<512x128xf32> -> vector<512x128xf32>
    %convert_element_type3A_54 = arith.truncf %get3A_13 : vector<512x128xf32> to vector<512x128xbf16>
    %dot_general3A_55 = arith.constant dense<0.000000e+00> : vector<512x128xf32>
    %dot_general3A_56 = tpu.matmul %convert_element_type3A_54, %get3A_22, %dot_general3A_55 {dimension_numbers = #tpu.dot_dimension_numbers<[1], [0], [0], [1], [0, 0, 1, 1], [], []>, transpose_lhs_hint = false} : vector<512x128xbf16>, vector<128x128xbf16>, vector<512x128xf32> -> vector<512x128xf32>
    %add3A = arith.addf %dot_general3A_56, %dot_general3A_53 : vector<512x128xf32>
    %convert_element_type3A_57 = arith.truncf %get3A_1 : vector<512x16xf32> to vector<512x16xbf16>
    %dot_general3A_58 = arith.constant dense<0.000000e+00> : vector<512x128xf32>
    %dot_general3A_59 = tpu.matmul %convert_element_type3A_57, %get3A_28, %dot_general3A_58 {dimension_numbers = #tpu.dot_dimension_numbers<[1], [0], [0], [1], [0, 0, 1, 1], [], []>, transpose_lhs_hint = false} : vector<512x16xbf16>, vector<16x128xbf16>, vector<512x128xf32> -> vector<512x128xf32>
    %add3A_60 = arith.addf %add3A, %dot_general3A_59 : vector<512x128xf32>
    %add3A_61 = vector.broadcast %get3A_31 : vector<1x128xf32> to vector<512x128xf32>
    %add3A_62 = arith.addf %add3A_60, %add3A_61 : vector<512x128xf32>
    %mul3A = arith.constant 5.000000e-01 : f32
    %mul3A_63 = vector.broadcast %mul3A : f32 to vector<512x128xf32>
    %mul3A_64 = arith.mulf %mul3A_63, %add3A_62 : vector<512x128xf32>
    %mul3A_65 = arith.constant 0.707106769 : f32
    %mul3A_66 = vector.broadcast %mul3A_65 : f32 to vector<512x128xf32>
    %mul3A_67 = arith.mulf %add3A_62, %mul3A_66 : vector<512x128xf32>
    %erf3A = math.erf %mul3A_67 : vector<512x128xf32>
    %add3A_68 = arith.constant 1.000000e+00 : f32
    %add3A_69 = vector.broadcast %add3A_68 : f32 to vector<512x128xf32>
    %add3A_70 = arith.addf %add3A_69, %erf3A : vector<512x128xf32>
    %mul3A_71 = arith.mulf %mul3A_64, %add3A_70 : vector<512x128xf32>
    %convert_element_type3A_72 = arith.truncf %mul3A_71 : vector<512x128xf32> to vector<512x128xbf16>
    %dot_general3A_73 = arith.constant dense<0.000000e+00> : vector<512x16xf32>
    %dot_general3A_74 = tpu.matmul %convert_element_type3A_72, %get3A_34, %dot_general3A_73 {dimension_numbers = #tpu.dot_dimension_numbers<[1], [0], [0], [1], [0, 0, 1, 1], [], []>, transpose_lhs_hint = false} : vector<512x128xbf16>, vector<128x16xbf16>, vector<512x16xf32> -> vector<512x16xf32>
    %add3A_75 = vector.broadcast %get3A_37 : vector<1x16xf32> to vector<512x16xf32>
    %add3A_76 = arith.addf %dot_general3A_74, %add3A_75 : vector<512x16xf32>
    %convert_element_type3A_77 = arith.truncf %get3A_16 : vector<512x128xf32> to vector<512x128xbf16>
    %dot_general3A_78 = arith.constant dense<0.000000e+00> : vector<512x128xf32>
    %dot_general3A_79 = tpu.matmul %convert_element_type3A_77, %get3A_22, %dot_general3A_78 {dimension_numbers = #tpu.dot_dimension_numbers<[1], [0], [0], [1], [0, 0, 1, 1], [], []>, transpose_lhs_hint = false} : vector<512x128xbf16>, vector<128x128xbf16>, vector<512x128xf32> -> vector<512x128xf32>
    %add3A_80 = arith.addf %dot_general3A_79, %dot_general3A_53 : vector<512x128xf32>
    %convert_element_type3A_81 = arith.truncf %get3A_4 : vector<512x16xf32> to vector<512x16xbf16>
    %dot_general3A_82 = arith.constant dense<0.000000e+00> : vector<512x128xf32>
    %dot_general3A_83 = tpu.matmul %convert_element_type3A_81, %get3A_28, %dot_general3A_82 {dimension_numbers = #tpu.dot_dimension_numbers<[1], [0], [0], [1], [0, 0, 1, 1], [], []>, transpose_lhs_hint = false} : vector<512x16xbf16>, vector<16x128xbf16>, vector<512x128xf32> -> vector<512x128xf32>
    %add3A_84 = arith.addf %add3A_80, %dot_general3A_83 : vector<512x128xf32>
    %add3A_85 = vector.broadcast %get3A_31 : vector<1x128xf32> to vector<512x128xf32>
    %add3A_86 = arith.addf %add3A_84, %add3A_85 : vector<512x128xf32>
    %mul3A_87 = arith.constant 5.000000e-01 : f32
    %mul3A_88 = vector.broadcast %mul3A_87 : f32 to vector<512x128xf32>
    %mul3A_89 = arith.mulf %mul3A_88, %add3A_86 : vector<512x128xf32>
    %mul3A_90 = arith.constant 0.707106769 : f32
    %mul3A_91 = vector.broadcast %mul3A_90 : f32 to vector<512x128xf32>
    %mul3A_92 = arith.mulf %add3A_86, %mul3A_91 : vector<512x128xf32>
    %erf3A_93 = math.erf %mul3A_92 : vector<512x128xf32>
    %add3A_94 = arith.constant 1.000000e+00 : f32
    %add3A_95 = vector.broadcast %add3A_94 : f32 to vector<512x128xf32>
    %add3A_96 = arith.addf %add3A_95, %erf3A_93 : vector<512x128xf32>
    %mul3A_97 = arith.mulf %mul3A_89, %add3A_96 : vector<512x128xf32>
    %convert_element_type3A_98 = arith.truncf %mul3A_97 : vector<512x128xf32> to vector<512x128xbf16>
    %dot_general3A_99 = arith.constant dense<0.000000e+00> : vector<512x16xf32>
    %dot_general3A_100 = tpu.matmul %convert_element_type3A_98, %get3A_34, %dot_general3A_99 {dimension_numbers = #tpu.dot_dimension_numbers<[1], [0], [0], [1], [0, 0, 1, 1], [], []>, transpose_lhs_hint = false} : vector<512x128xbf16>, vector<128x16xbf16>, vector<512x16xf32> -> vector<512x16xf32>
    %add3A_101 = vector.broadcast %get3A_37 : vector<1x16xf32> to vector<512x16xf32>
    %add3A_102 = arith.addf %dot_general3A_100, %add3A_101 : vector<512x16xf32>
    %convert_element_type3A_103 = arith.truncf %get3A_19 : vector<512x128xf32> to vector<512x128xbf16>
    %dot_general3A_104 = arith.constant dense<0.000000e+00> : vector<512x128xf32>
    %dot_general3A_105 = tpu.matmul %convert_element_type3A_103, %get3A_22, %dot_general3A_104 {dimension_numbers = #tpu.dot_dimension_numbers<[1], [0], [0], [1], [0, 0, 1, 1], [], []>, transpose_lhs_hint = false} : vector<512x128xbf16>, vector<128x128xbf16>, vector<512x128xf32> -> vector<512x128xf32>
    %add3A_106 = arith.addf %dot_general3A_105, %dot_general3A_53 : vector<512x128xf32>
    %convert_element_type3A_107 = arith.truncf %get3A_7 : vector<512x16xf32> to vector<512x16xbf16>
    %dot_general3A_108 = arith.constant dense<0.000000e+00> : vector<512x128xf32>
    %dot_general3A_109 = tpu.matmul %convert_element_type3A_107, %get3A_28, %dot_general3A_108 {dimension_numbers = #tpu.dot_dimension_numbers<[1], [0], [0], [1], [0, 0, 1, 1], [], []>, transpose_lhs_hint = false} : vector<512x16xbf16>, vector<16x128xbf16>, vector<512x128xf32> -> vector<512x128xf32>
    %add3A_110 = arith.addf %add3A_106, %dot_general3A_109 : vector<512x128xf32>
    %add3A_111 = vector.broadcast %get3A_31 : vector<1x128xf32> to vector<512x128xf32>
    %add3A_112 = arith.addf %add3A_110, %add3A_111 : vector<512x128xf32>
    %mul3A_113 = arith.constant 5.000000e-01 : f32
    %mul3A_114 = vector.broadcast %mul3A_113 : f32 to vector<512x128xf32>
    %mul3A_115 = arith.mulf %mul3A_114, %add3A_112 : vector<512x128xf32>
    %mul3A_116 = arith.constant 0.707106769 : f32
    %mul3A_117 = vector.broadcast %mul3A_116 : f32 to vector<512x128xf32>
    %mul3A_118 = arith.mulf %add3A_112, %mul3A_117 : vector<512x128xf32>
    %erf3A_119 = math.erf %mul3A_118 : vector<512x128xf32>
    %add3A_120 = arith.constant 1.000000e+00 : f32
    %add3A_121 = vector.broadcast %add3A_120 : f32 to vector<512x128xf32>
    %add3A_122 = arith.addf %add3A_121, %erf3A_119 : vector<512x128xf32>
    %mul3A_123 = arith.mulf %mul3A_115, %add3A_122 : vector<512x128xf32>
    %convert_element_type3A_124 = arith.truncf %mul3A_123 : vector<512x128xf32> to vector<512x128xbf16>
    %dot_general3A_125 = arith.constant dense<0.000000e+00> : vector<512x16xf32>
    %dot_general3A_126 = tpu.matmul %convert_element_type3A_124, %get3A_34, %dot_general3A_125 {dimension_numbers = #tpu.dot_dimension_numbers<[1], [0], [0], [1], [0, 0, 1, 1], [], []>, transpose_lhs_hint = false} : vector<512x128xbf16>, vector<128x16xbf16>, vector<512x16xf32> -> vector<512x16xf32>
    %add3A_127 = vector.broadcast %get3A_37 : vector<1x16xf32> to vector<512x16xf32>
    %add3A_128 = arith.addf %dot_general3A_126, %add3A_127 : vector<512x16xf32>
    %add3A_129 = arith.addf %add3A_76, %add3A_102 : vector<512x16xf32>
    %add3A_130 = arith.addf %add3A_129, %add3A_128 : vector<512x16xf32>
    %convert_element_type3A_131 = arith.truncf %get3A_10 : vector<512x128xf32> to vector<512x128xbf16>
    %dot_general3A_132 = arith.constant dense<0.000000e+00> : vector<512x128xf32>
    %dot_general3A_133 = tpu.matmul %convert_element_type3A_131, %get3A_40, %dot_general3A_132 {dimension_numbers = #tpu.dot_dimension_numbers<[1], [0], [0], [1], [0, 0, 1, 1], [], []>, transpose_lhs_hint = false} : vector<512x128xbf16>, vector<128x128xbf16>, vector<512x128xf32> -> vector<512x128xf32>
    %convert_element_type3A_134 = arith.truncf %add3A_130 : vector<512x16xf32> to vector<512x16xbf16>
    %dot_general3A_135 = arith.constant dense<0.000000e+00> : vector<512x128xf32>
    %dot_general3A_136 = tpu.matmul %convert_element_type3A_134, %get3A_43, %dot_general3A_135 {dimension_numbers = #tpu.dot_dimension_numbers<[1], [0], [0], [1], [0, 0, 1, 1], [], []>, transpose_lhs_hint = false} : vector<512x16xbf16>, vector<16x128xbf16>, vector<512x128xf32> -> vector<512x128xf32>
    %add3A_137 = arith.addf %dot_general3A_133, %dot_general3A_136 : vector<512x128xf32>
    %add3A_138 = vector.broadcast %get3A_46 : vector<1x128xf32> to vector<512x128xf32>
    %add3A_139 = arith.addf %add3A_137, %add3A_138 : vector<512x128xf32>
    %mul3A_140 = arith.constant 5.000000e-01 : f32
    %mul3A_141 = vector.broadcast %mul3A_140 : f32 to vector<512x128xf32>
    %mul3A_142 = arith.mulf %mul3A_141, %add3A_139 : vector<512x128xf32>
    %mul3A_143 = arith.constant 0.707106769 : f32
    %mul3A_144 = vector.broadcast %mul3A_143 : f32 to vector<512x128xf32>
    %mul3A_145 = arith.mulf %add3A_139, %mul3A_144 : vector<512x128xf32>
    %erf3A_146 = math.erf %mul3A_145 : vector<512x128xf32>
    %add3A_147 = arith.constant 1.000000e+00 : f32
    %add3A_148 = vector.broadcast %add3A_147 : f32 to vector<512x128xf32>
    %add3A_149 = arith.addf %add3A_148, %erf3A_146 : vector<512x128xf32>
    %mul3A_150 = arith.mulf %mul3A_142, %add3A_149 : vector<512x128xf32>
    %convert_element_type3A_151 = arith.truncf %mul3A_150 : vector<512x128xf32> to vector<512x128xbf16>
    %dot_general3A_152 = arith.constant dense<0.000000e+00> : vector<512x128xf32>
    %dot_general3A_153 = tpu.matmul %convert_element_type3A_151, %get3A_49, %dot_general3A_152 {dimension_numbers = #tpu.dot_dimension_numbers<[1], [0], [0], [1], [0, 0, 1, 1], [], []>, transpose_lhs_hint = false} : vector<512x128xbf16>, vector<128x128xbf16>, vector<512x128xf32> -> vector<512x128xf32>
    %add3A_154 = vector.broadcast %get3A_52 : vector<1x128xf32> to vector<512x128xf32>
    %add3A_155 = arith.addf %dot_general3A_153, %add3A_154 : vector<512x128xf32>
    %add3A_156 = arith.addf %get3A_10, %add3A_155 : vector<512x128xf32>
    %swap3A = arith.constant 0 : index
    %swap3A_157 = arith.constant 0 : index
    %swap3A_158 = vector.load %arg19[%swap3A, %swap3A_157] : memref<512x128xf32, #tpu.memory_space<vmem>>, vector<512x128xf32>
    tpu.vector_store %arg19[%swap3A, %swap3A_157], %add3A_156 {strides = array<i32>} : memref<512x128xf32, #tpu.memory_space<vmem>>, vector<512x128xf32>,
    %add3A_159 = arith.addf %get3A_1, %add3A_76 : vector<512x16xf32>
    %swap3A_160 = arith.constant 0 : index
    %swap3A_161 = arith.constant 0 : index
    %swap3A_162 = vector.load %arg20[%swap3A_160, %swap3A_161] : memref<512x16xf32, #tpu.memory_space<vmem>>, vector<512x16xf32>
    tpu.vector_store %arg20[%swap3A_160, %swap3A_161], %add3A_159 {strides = array<i32>} : memref<512x16xf32, #tpu.memory_space<vmem>>, vector<512x16xf32>,
    %add3A_163 = arith.addf %get3A_4, %add3A_102 : vector<512x16xf32>
    %swap3A_164 = arith.constant 0 : index
    %swap3A_165 = arith.constant 0 : index
    %swap3A_166 = vector.load %arg21[%swap3A_164, %swap3A_165] : memref<512x16xf32, #tpu.memory_space<vmem>>, vector<512x16xf32>
    tpu.vector_store %arg21[%swap3A_164, %swap3A_165], %add3A_163 {strides = array<i32>} : memref<512x16xf32, #tpu.memory_space<vmem>>, vector<512x16xf32>,
    %add3A_167 = arith.addf %get3A_7, %add3A_128 : vector<512x16xf32>
    %swap3A_168 = arith.constant 0 : index
    %swap3A_169 = arith.constant 0 : index
    %swap3A_170 = vector.load %arg22[%swap3A_168, %swap3A_169] : memref<512x16xf32, #tpu.memory_space<vmem>>, vector<512x16xf32>
    tpu.vector_store %arg22[%swap3A_168, %swap3A_169], %add3A_167 {strides = array<i32>} : memref<512x16xf32, #tpu.memory_space<vmem>>, vector<512x16xf32>,
    return
  }
  func.func @transform_0(%arg0: i32) -> (i32, i32) {
    %c0_i32 = arith.constant 0 : i32
    %c0_i32_0 = arith.constant 0 : i32
    return %arg0, %c0_i32 : i32, i32
  }
  func.func @transform_1(%arg0: i32) -> (i32, i32) {
    %c0_i32 = arith.constant 0 : i32
    %c0_i32_0 = arith.constant 0 : i32
    return %arg0, %c0_i32 : i32, i32
  }
  func.func @transform_2(%arg0: i32) -> (i32, i32) {
    %c0_i32 = arith.constant 0 : i32
    %c0_i32_0 = arith.constant 0 : i32
    return %arg0, %c0_i32 : i32, i32
  }
  func.func @transform_3(%arg0: i32) -> (i32, i32) {
    %c0_i32 = arith.constant 0 : i32
    %c0_i32_0 = arith.constant 0 : i32
    return %arg0, %c0_i32 : i32, i32
  }
  func.func @transform_4(%arg0: i32) -> (i32, i32) {
    %c0_i32 = arith.constant 0 : i32
    %c0_i32_0 = arith.constant 0 : i32
    return %arg0, %c0_i32 : i32, i32
  }
  func.func @transform_5(%arg0: i32) -> (i32, i32) {
    %c0_i32 = arith.constant 0 : i32
    %c0_i32_0 = arith.constant 0 : i32
    return %arg0, %c0_i32 : i32, i32
  }
  func.func @transform_6(%arg0: i32) -> (i32, i32) {
    %c0_i32 = arith.constant 0 : i32
    %c0_i32_0 = arith.constant 0 : i32
    return %arg0, %c0_i32 : i32, i32
  }
  func.func @transform_7(%arg0: i32) -> (i32, i32) {
    %c0_i32 = arith.constant 0 : i32
    %c0_i32_0 = arith.constant 0 : i32
    %c0_i32_1 = arith.constant 0 : i32
    return %c0_i32, %c0_i32_0 : i32, i32
  }
  func.func @transform_8(%arg0: i32) -> (i32, i32) {
    %c0_i32 = arith.constant 0 : i32
    %c0_i32_0 = arith.constant 0 : i32
    %c0_i32_1 = arith.constant 0 : i32
    return %c0_i32, %c0_i32_0 : i32, i32
  }
  func.func @transform_9(%arg0: i32) -> (i32, i32) {
    %c0_i32 = arith.constant 0 : i32
    %c0_i32_0 = arith.constant 0 : i32
    %c0_i32_1 = arith.constant 0 : i32
    return %c0_i32, %c0_i32_0 : i32, i32
  }
  func.func @transform_10(%arg0: i32) -> (i32, i32) {
    %c0_i32 = arith.constant 0 : i32
    %c0_i32_0 = arith.constant 0 : i32
    %c0_i32_1 = arith.constant 0 : i32
    return %c0_i32, %c0_i32_0 : i32, i32
  }
  func.func @transform_11(%arg0: i32) -> (i32, i32) {
    %c0_i32 = arith.constant 0 : i32
    %c0_i32_0 = arith.constant 0 : i32
    %c0_i32_1 = arith.constant 0 : i32
    return %c0_i32, %c0_i32_0 : i32, i32
  }
  func.func @transform_12(%arg0: i32) -> (i32, i32) {
    %c0_i32 = arith.constant 0 : i32
    %c0_i32_0 = arith.constant 0 : i32
    %c0_i32_1 = arith.constant 0 : i32
    return %c0_i32, %c0_i32_0 : i32, i32
  }
  func.func @transform_13(%arg0: i32) -> (i32, i32) {
    %c0_i32 = arith.constant 0 : i32
    %c0_i32_0 = arith.constant 0 : i32
    %c0_i32_1 = arith.constant 0 : i32
    return %c0_i32, %c0_i32_0 : i32, i32
  }
  func.func @transform_14(%arg0: i32) -> (i32, i32) {
    %c0_i32 = arith.constant 0 : i32
    %c0_i32_0 = arith.constant 0 : i32
    %c0_i32_1 = arith.constant 0 : i32
    return %c0_i32, %c0_i32_0 : i32, i32
  }
  func.func @transform_15(%arg0: i32) -> (i32, i32) {
    %c0_i32 = arith.constant 0 : i32
    %c0_i32_0 = arith.constant 0 : i32
    %c0_i32_1 = arith.constant 0 : i32
    return %c0_i32, %c0_i32_0 : i32, i32
  }
  func.func @transform_16(%arg0: i32) -> (i32, i32) {
    %c0_i32 = arith.constant 0 : i32
    %c0_i32_0 = arith.constant 0 : i32
    %c0_i32_1 = arith.constant 0 : i32
    return %c0_i32, %c0_i32_0 : i32, i32
  }
  func.func @transform_17(%arg0: i32) -> (i32, i32) {
    %c0_i32 = arith.constant 0 : i32
    %c0_i32_0 = arith.constant 0 : i32
    %c0_i32_1 = arith.constant 0 : i32
    return %c0_i32, %c0_i32_0 : i32, i32
  }
  func.func @transform_18(%arg0: i32) -> (i32, i32) {
    %c0_i32 = arith.constant 0 : i32
    %c0_i32_0 = arith.constant 0 : i32
    return %arg0, %c0_i32 : i32, i32
  }
  func.func @transform_19(%arg0: i32) -> (i32, i32) {
    %c0_i32 = arith.constant 0 : i32
    %c0_i32_0 = arith.constant 0 : i32
    return %arg0, %c0_i32 : i32, i32
  }
  func.func @transform_20(%arg0: i32) -> (i32, i32) {
    %c0_i32 = arith.constant 0 : i32
    %c0_i32_0 = arith.constant 0 : i32
    return %arg0, %c0_i32 : i32, i32
  }
  func.func @transform_21(%arg0: i32) -> (i32, i32) {
    %c0_i32 = arith.constant 0 : i32
    %c0_i32_0 = arith.constant 0 : i32
    return %arg0, %c0_i32 : i32, i32
  }
}

module attributes {stable_mosaic.version = 14 : i64} {
  func.func @_layer_out_body(%arg0: i32, %arg1: memref<512x128xf32, #tpu.memory_space<vmem>>, %arg2: memref<512x128xf32, #tpu.memory_space<vmem>>, %arg3: memref<512x128xf32, #tpu.memory_space<vmem>>, %arg4: memref<512x128xf32, #tpu.memory_space<vmem>>, %arg5: memref<512x16xf32, #tpu.memory_space<vmem>>, %arg6: memref<512x16xf32, #tpu.memory_space<vmem>>, %arg7: memref<512x16xf32, #tpu.memory_space<vmem>>, %arg8: memref<128x128xbf16, #tpu.memory_space<vmem>>, %arg9: memref<128x128xbf16, #tpu.memory_space<vmem>>, %arg10: memref<16x128xbf16, #tpu.memory_space<vmem>>, %arg11: memref<1x128xf32, #tpu.memory_space<vmem>>, %arg12: memref<128x16xbf16, #tpu.memory_space<vmem>>, %arg13: memref<1x16xf32, #tpu.memory_space<vmem>>, %arg14: memref<128x128xbf16, #tpu.memory_space<vmem>>, %arg15: memref<16x128xbf16, #tpu.memory_space<vmem>>, %arg16: memref<1x128xf32, #tpu.memory_space<vmem>>, %arg17: memref<128x128xbf16, #tpu.memory_space<vmem>>, %arg18: memref<1x128xf32, #tpu.memory_space<vmem>>, %arg19: memref<128x128xbf16, #tpu.memory_space<vmem>>, %arg20: memref<1x128xf32, #tpu.memory_space<vmem>>, %arg21: memref<128x128xbf16, #tpu.memory_space<vmem>>, %arg22: memref<1x128xf32, #tpu.memory_space<vmem>>, %arg23: memref<128x3xbf16, #tpu.memory_space<vmem>>, %arg24: memref<1x3xf32, #tpu.memory_space<vmem>>, %arg25: memref<512x3xf32, #tpu.memory_space<vmem>>) attributes {dimension_semantics = [#tpu.dimension_semantics<arbitrary>], iteration_bounds = array<i64: 20>, scalar_prefetch = 0 : i64, scratch_operands = 0 : i64, tpu.core_type = #tpu.core_type<tc>, window_params = [{transform_indices = @transform_0, window_bounds = array<i64: 512, 128>}, {transform_indices = @transform_1, window_bounds = array<i64: 512, 128>}, {transform_indices = @transform_2, window_bounds = array<i64: 512, 128>}, {transform_indices = @transform_3, window_bounds = array<i64: 512, 128>}, {transform_indices = @transform_4, window_bounds = array<i64: 512, 16>}, {transform_indices = @transform_5, window_bounds = array<i64: 512, 16>}, {transform_indices = @transform_6, window_bounds = array<i64: 512, 16>}, {pipeline_mode = #tpu.pipeline_mode<synchronous>, transform_indices = @transform_7, window_bounds = array<i64: 128, 128>}, {pipeline_mode = #tpu.pipeline_mode<synchronous>, transform_indices = @transform_8, window_bounds = array<i64: 128, 128>}, {pipeline_mode = #tpu.pipeline_mode<synchronous>, transform_indices = @transform_9, window_bounds = array<i64: 16, 128>}, {pipeline_mode = #tpu.pipeline_mode<synchronous>, transform_indices = @transform_10, window_bounds = array<i64: 1, 128>}, {pipeline_mode = #tpu.pipeline_mode<synchronous>, transform_indices = @transform_11, window_bounds = array<i64: 128, 16>}, {pipeline_mode = #tpu.pipeline_mode<synchronous>, transform_indices = @transform_12, window_bounds = array<i64: 1, 16>}, {pipeline_mode = #tpu.pipeline_mode<synchronous>, transform_indices = @transform_13, window_bounds = array<i64: 128, 128>}, {pipeline_mode = #tpu.pipeline_mode<synchronous>, transform_indices = @transform_14, window_bounds = array<i64: 16, 128>}, {pipeline_mode = #tpu.pipeline_mode<synchronous>, transform_indices = @transform_15, window_bounds = array<i64: 1, 128>}, {pipeline_mode = #tpu.pipeline_mode<synchronous>, transform_indices = @transform_16, window_bounds = array<i64: 128, 128>}, {pipeline_mode = #tpu.pipeline_mode<synchronous>, transform_indices = @transform_17, window_bounds = array<i64: 1, 128>}, {pipeline_mode = #tpu.pipeline_mode<synchronous>, transform_indices = @transform_18, window_bounds = array<i64: 128, 128>}, {pipeline_mode = #tpu.pipeline_mode<synchronous>, transform_indices = @transform_19, window_bounds = array<i64: 1, 128>}, {pipeline_mode = #tpu.pipeline_mode<synchronous>, transform_indices = @transform_20, window_bounds = array<i64: 128, 128>}, {pipeline_mode = #tpu.pipeline_mode<synchronous>, transform_indices = @transform_21, window_bounds = array<i64: 1, 128>}, {pipeline_mode = #tpu.pipeline_mode<synchronous>, transform_indices = @transform_22, window_bounds = array<i64: 128, 3>}, {pipeline_mode = #tpu.pipeline_mode<synchronous>, transform_indices = @transform_23, window_bounds = array<i64: 1, 3>}, {transform_indices = @transform_24, window_bounds = array<i64: 512, 3>}]} {
    %get3A = arith.constant 0 : index
    %get3A_0 = arith.constant 0 : index
    %get3A_1 = vector.load %arg1[%get3A, %get3A_0] : memref<512x128xf32, #tpu.memory_space<vmem>>, vector<512x128xf32>
    %get3A_2 = arith.constant 0 : index
    %get3A_3 = arith.constant 0 : index
    %get3A_4 = vector.load %arg2[%get3A_2, %get3A_3] : memref<512x128xf32, #tpu.memory_space<vmem>>, vector<512x128xf32>
    %get3A_5 = arith.constant 0 : index
    %get3A_6 = arith.constant 0 : index
    %get3A_7 = vector.load %arg3[%get3A_5, %get3A_6] : memref<512x128xf32, #tpu.memory_space<vmem>>, vector<512x128xf32>
    %get3A_8 = arith.constant 0 : index
    %get3A_9 = arith.constant 0 : index
    %get3A_10 = vector.load %arg4[%get3A_8, %get3A_9] : memref<512x128xf32, #tpu.memory_space<vmem>>, vector<512x128xf32>
    %get3A_11 = arith.constant 0 : index
    %get3A_12 = arith.constant 0 : index
    %get3A_13 = vector.load %arg5[%get3A_11, %get3A_12] : memref<512x16xf32, #tpu.memory_space<vmem>>, vector<512x16xf32>
    %get3A_14 = arith.constant 0 : index
    %get3A_15 = arith.constant 0 : index
    %get3A_16 = vector.load %arg6[%get3A_14, %get3A_15] : memref<512x16xf32, #tpu.memory_space<vmem>>, vector<512x16xf32>
    %get3A_17 = arith.constant 0 : index
    %get3A_18 = arith.constant 0 : index
    %get3A_19 = vector.load %arg7[%get3A_17, %get3A_18] : memref<512x16xf32, #tpu.memory_space<vmem>>, vector<512x16xf32>
    %get3A_20 = arith.constant 0 : index
    %get3A_21 = arith.constant 0 : index
    %get3A_22 = vector.load %arg8[%get3A_20, %get3A_21] : memref<128x128xbf16, #tpu.memory_space<vmem>>, vector<128x128xbf16>
    %get3A_23 = arith.constant 0 : index
    %get3A_24 = arith.constant 0 : index
    %get3A_25 = vector.load %arg9[%get3A_23, %get3A_24] : memref<128x128xbf16, #tpu.memory_space<vmem>>, vector<128x128xbf16>
    %get3A_26 = arith.constant 0 : index
    %get3A_27 = arith.constant 0 : index
    %get3A_28 = vector.load %arg10[%get3A_26, %get3A_27] : memref<16x128xbf16, #tpu.memory_space<vmem>>, vector<16x128xbf16>
    %get3A_29 = arith.constant 0 : index
    %get3A_30 = arith.constant 0 : index
    %get3A_31 = vector.load %arg11[%get3A_29, %get3A_30] : memref<1x128xf32, #tpu.memory_space<vmem>>, vector<1x128xf32>
    %get3A_32 = arith.constant 0 : index
    %get3A_33 = arith.constant 0 : index
    %get3A_34 = vector.load %arg12[%get3A_32, %get3A_33] : memref<128x16xbf16, #tpu.memory_space<vmem>>, vector<128x16xbf16>
    %get3A_35 = arith.constant 0 : index
    %get3A_36 = arith.constant 0 : index
    %get3A_37 = vector.load %arg13[%get3A_35, %get3A_36] : memref<1x16xf32, #tpu.memory_space<vmem>>, vector<1x16xf32>
    %get3A_38 = arith.constant 0 : index
    %get3A_39 = arith.constant 0 : index
    %get3A_40 = vector.load %arg14[%get3A_38, %get3A_39] : memref<128x128xbf16, #tpu.memory_space<vmem>>, vector<128x128xbf16>
    %get3A_41 = arith.constant 0 : index
    %get3A_42 = arith.constant 0 : index
    %get3A_43 = vector.load %arg15[%get3A_41, %get3A_42] : memref<16x128xbf16, #tpu.memory_space<vmem>>, vector<16x128xbf16>
    %get3A_44 = arith.constant 0 : index
    %get3A_45 = arith.constant 0 : index
    %get3A_46 = vector.load %arg16[%get3A_44, %get3A_45] : memref<1x128xf32, #tpu.memory_space<vmem>>, vector<1x128xf32>
    %get3A_47 = arith.constant 0 : index
    %get3A_48 = arith.constant 0 : index
    %get3A_49 = vector.load %arg17[%get3A_47, %get3A_48] : memref<128x128xbf16, #tpu.memory_space<vmem>>, vector<128x128xbf16>
    %get3A_50 = arith.constant 0 : index
    %get3A_51 = arith.constant 0 : index
    %get3A_52 = vector.load %arg18[%get3A_50, %get3A_51] : memref<1x128xf32, #tpu.memory_space<vmem>>, vector<1x128xf32>
    %convert_element_type3A = arith.truncf %get3A_1 : vector<512x128xf32> to vector<512x128xbf16>
    %dot_general3A = arith.constant dense<0.000000e+00> : vector<512x128xf32>
    %dot_general3A_53 = tpu.matmul %convert_element_type3A, %get3A_25, %dot_general3A {dimension_numbers = #tpu.dot_dimension_numbers<[1], [0], [0], [1], [0, 0, 1, 1], [], []>, transpose_lhs_hint = false} : vector<512x128xbf16>, vector<128x128xbf16>, vector<512x128xf32> -> vector<512x128xf32>
    %convert_element_type3A_54 = arith.truncf %get3A_4 : vector<512x128xf32> to vector<512x128xbf16>
    %dot_general3A_55 = arith.constant dense<0.000000e+00> : vector<512x128xf32>
    %dot_general3A_56 = tpu.matmul %convert_element_type3A_54, %get3A_22, %dot_general3A_55 {dimension_numbers = #tpu.dot_dimension_numbers<[1], [0], [0], [1], [0, 0, 1, 1], [], []>, transpose_lhs_hint = false} : vector<512x128xbf16>, vector<128x128xbf16>, vector<512x128xf32> -> vector<512x128xf32>
    %add3A = arith.addf %dot_general3A_56, %dot_general3A_53 : vector<512x128xf32>
    %convert_element_type3A_57 = arith.truncf %get3A_13 : vector<512x16xf32> to vector<512x16xbf16>
    %dot_general3A_58 = arith.constant dense<0.000000e+00> : vector<512x128xf32>
    %dot_general3A_59 = tpu.matmul %convert_element_type3A_57, %get3A_28, %dot_general3A_58 {dimension_numbers = #tpu.dot_dimension_numbers<[1], [0], [0], [1], [0, 0, 1, 1], [], []>, transpose_lhs_hint = false} : vector<512x16xbf16>, vector<16x128xbf16>, vector<512x128xf32> -> vector<512x128xf32>
    %add3A_60 = arith.addf %add3A, %dot_general3A_59 : vector<512x128xf32>
    %add3A_61 = vector.broadcast %get3A_31 : vector<1x128xf32> to vector<512x128xf32>
    %add3A_62 = arith.addf %add3A_60, %add3A_61 : vector<512x128xf32>
    %mul3A = arith.constant 5.000000e-01 : f32
    %mul3A_63 = vector.broadcast %mul3A : f32 to vector<512x128xf32>
    %mul3A_64 = arith.mulf %mul3A_63, %add3A_62 : vector<512x128xf32>
    %mul3A_65 = arith.constant 0.707106769 : f32
    %mul3A_66 = vector.broadcast %mul3A_65 : f32 to vector<512x128xf32>
    %mul3A_67 = arith.mulf %add3A_62, %mul3A_66 : vector<512x128xf32>
    %erf3A = math.erf %mul3A_67 : vector<512x128xf32>
    %add3A_68 = arith.constant 1.000000e+00 : f32
    %add3A_69 = vector.broadcast %add3A_68 : f32 to vector<512x128xf32>
    %add3A_70 = arith.addf %add3A_69, %erf3A : vector<512x128xf32>
    %mul3A_71 = arith.mulf %mul3A_64, %add3A_70 : vector<512x128xf32>
    %convert_element_type3A_72 = arith.truncf %mul3A_71 : vector<512x128xf32> to vector<512x128xbf16>
    %dot_general3A_73 = arith.constant dense<0.000000e+00> : vector<512x16xf32>
    %dot_general3A_74 = tpu.matmul %convert_element_type3A_72, %get3A_34, %dot_general3A_73 {dimension_numbers = #tpu.dot_dimension_numbers<[1], [0], [0], [1], [0, 0, 1, 1], [], []>, transpose_lhs_hint = false} : vector<512x128xbf16>, vector<128x16xbf16>, vector<512x16xf32> -> vector<512x16xf32>
    %add3A_75 = vector.broadcast %get3A_37 : vector<1x16xf32> to vector<512x16xf32>
    %add3A_76 = arith.addf %dot_general3A_74, %add3A_75 : vector<512x16xf32>
    %convert_element_type3A_77 = arith.truncf %get3A_7 : vector<512x128xf32> to vector<512x128xbf16>
    %dot_general3A_78 = arith.constant dense<0.000000e+00> : vector<512x128xf32>
    %dot_general3A_79 = tpu.matmul %convert_element_type3A_77, %get3A_22, %dot_general3A_78 {dimension_numbers = #tpu.dot_dimension_numbers<[1], [0], [0], [1], [0, 0, 1, 1], [], []>, transpose_lhs_hint = false} : vector<512x128xbf16>, vector<128x128xbf16>, vector<512x128xf32> -> vector<512x128xf32>
    %add3A_80 = arith.addf %dot_general3A_79, %dot_general3A_53 : vector<512x128xf32>
    %convert_element_type3A_81 = arith.truncf %get3A_16 : vector<512x16xf32> to vector<512x16xbf16>
    %dot_general3A_82 = arith.constant dense<0.000000e+00> : vector<512x128xf32>
    %dot_general3A_83 = tpu.matmul %convert_element_type3A_81, %get3A_28, %dot_general3A_82 {dimension_numbers = #tpu.dot_dimension_numbers<[1], [0], [0], [1], [0, 0, 1, 1], [], []>, transpose_lhs_hint = false} : vector<512x16xbf16>, vector<16x128xbf16>, vector<512x128xf32> -> vector<512x128xf32>
    %add3A_84 = arith.addf %add3A_80, %dot_general3A_83 : vector<512x128xf32>
    %add3A_85 = vector.broadcast %get3A_31 : vector<1x128xf32> to vector<512x128xf32>
    %add3A_86 = arith.addf %add3A_84, %add3A_85 : vector<512x128xf32>
    %mul3A_87 = arith.constant 5.000000e-01 : f32
    %mul3A_88 = vector.broadcast %mul3A_87 : f32 to vector<512x128xf32>
    %mul3A_89 = arith.mulf %mul3A_88, %add3A_86 : vector<512x128xf32>
    %mul3A_90 = arith.constant 0.707106769 : f32
    %mul3A_91 = vector.broadcast %mul3A_90 : f32 to vector<512x128xf32>
    %mul3A_92 = arith.mulf %add3A_86, %mul3A_91 : vector<512x128xf32>
    %erf3A_93 = math.erf %mul3A_92 : vector<512x128xf32>
    %add3A_94 = arith.constant 1.000000e+00 : f32
    %add3A_95 = vector.broadcast %add3A_94 : f32 to vector<512x128xf32>
    %add3A_96 = arith.addf %add3A_95, %erf3A_93 : vector<512x128xf32>
    %mul3A_97 = arith.mulf %mul3A_89, %add3A_96 : vector<512x128xf32>
    %convert_element_type3A_98 = arith.truncf %mul3A_97 : vector<512x128xf32> to vector<512x128xbf16>
    %dot_general3A_99 = arith.constant dense<0.000000e+00> : vector<512x16xf32>
    %dot_general3A_100 = tpu.matmul %convert_element_type3A_98, %get3A_34, %dot_general3A_99 {dimension_numbers = #tpu.dot_dimension_numbers<[1], [0], [0], [1], [0, 0, 1, 1], [], []>, transpose_lhs_hint = false} : vector<512x128xbf16>, vector<128x16xbf16>, vector<512x16xf32> -> vector<512x16xf32>
    %add3A_101 = vector.broadcast %get3A_37 : vector<1x16xf32> to vector<512x16xf32>
    %add3A_102 = arith.addf %dot_general3A_100, %add3A_101 : vector<512x16xf32>
    %convert_element_type3A_103 = arith.truncf %get3A_10 : vector<512x128xf32> to vector<512x128xbf16>
    %dot_general3A_104 = arith.constant dense<0.000000e+00> : vector<512x128xf32>
    %dot_general3A_105 = tpu.matmul %convert_element_type3A_103, %get3A_22, %dot_general3A_104 {dimension_numbers = #tpu.dot_dimension_numbers<[1], [0], [0], [1], [0, 0, 1, 1], [], []>, transpose_lhs_hint = false} : vector<512x128xbf16>, vector<128x128xbf16>, vector<512x128xf32> -> vector<512x128xf32>
    %add3A_106 = arith.addf %dot_general3A_105, %dot_general3A_53 : vector<512x128xf32>
    %convert_element_type3A_107 = arith.truncf %get3A_19 : vector<512x16xf32> to vector<512x16xbf16>
    %dot_general3A_108 = arith.constant dense<0.000000e+00> : vector<512x128xf32>
    %dot_general3A_109 = tpu.matmul %convert_element_type3A_107, %get3A_28, %dot_general3A_108 {dimension_numbers = #tpu.dot_dimension_numbers<[1], [0], [0], [1], [0, 0, 1, 1], [], []>, transpose_lhs_hint = false} : vector<512x16xbf16>, vector<16x128xbf16>, vector<512x128xf32> -> vector<512x128xf32>
    %add3A_110 = arith.addf %add3A_106, %dot_general3A_109 : vector<512x128xf32>
    %add3A_111 = vector.broadcast %get3A_31 : vector<1x128xf32> to vector<512x128xf32>
    %add3A_112 = arith.addf %add3A_110, %add3A_111 : vector<512x128xf32>
    %mul3A_113 = arith.constant 5.000000e-01 : f32
    %mul3A_114 = vector.broadcast %mul3A_113 : f32 to vector<512x128xf32>
    %mul3A_115 = arith.mulf %mul3A_114, %add3A_112 : vector<512x128xf32>
    %mul3A_116 = arith.constant 0.707106769 : f32
    %mul3A_117 = vector.broadcast %mul3A_116 : f32 to vector<512x128xf32>
    %mul3A_118 = arith.mulf %add3A_112, %mul3A_117 : vector<512x128xf32>
    %erf3A_119 = math.erf %mul3A_118 : vector<512x128xf32>
    %add3A_120 = arith.constant 1.000000e+00 : f32
    %add3A_121 = vector.broadcast %add3A_120 : f32 to vector<512x128xf32>
    %add3A_122 = arith.addf %add3A_121, %erf3A_119 : vector<512x128xf32>
    %mul3A_123 = arith.mulf %mul3A_115, %add3A_122 : vector<512x128xf32>
    %convert_element_type3A_124 = arith.truncf %mul3A_123 : vector<512x128xf32> to vector<512x128xbf16>
    %dot_general3A_125 = arith.constant dense<0.000000e+00> : vector<512x16xf32>
    %dot_general3A_126 = tpu.matmul %convert_element_type3A_124, %get3A_34, %dot_general3A_125 {dimension_numbers = #tpu.dot_dimension_numbers<[1], [0], [0], [1], [0, 0, 1, 1], [], []>, transpose_lhs_hint = false} : vector<512x128xbf16>, vector<128x16xbf16>, vector<512x16xf32> -> vector<512x16xf32>
    %add3A_127 = vector.broadcast %get3A_37 : vector<1x16xf32> to vector<512x16xf32>
    %add3A_128 = arith.addf %dot_general3A_126, %add3A_127 : vector<512x16xf32>
    %add3A_129 = arith.addf %add3A_76, %add3A_102 : vector<512x16xf32>
    %add3A_130 = arith.addf %add3A_129, %add3A_128 : vector<512x16xf32>
    %convert_element_type3A_131 = arith.truncf %get3A_1 : vector<512x128xf32> to vector<512x128xbf16>
    %dot_general3A_132 = arith.constant dense<0.000000e+00> : vector<512x128xf32>
    %dot_general3A_133 = tpu.matmul %convert_element_type3A_131, %get3A_40, %dot_general3A_132 {dimension_numbers = #tpu.dot_dimension_numbers<[1], [0], [0], [1], [0, 0, 1, 1], [], []>, transpose_lhs_hint = false} : vector<512x128xbf16>, vector<128x128xbf16>, vector<512x128xf32> -> vector<512x128xf32>
    %convert_element_type3A_134 = arith.truncf %add3A_130 : vector<512x16xf32> to vector<512x16xbf16>
    %dot_general3A_135 = arith.constant dense<0.000000e+00> : vector<512x128xf32>
    %dot_general3A_136 = tpu.matmul %convert_element_type3A_134, %get3A_43, %dot_general3A_135 {dimension_numbers = #tpu.dot_dimension_numbers<[1], [0], [0], [1], [0, 0, 1, 1], [], []>, transpose_lhs_hint = false} : vector<512x16xbf16>, vector<16x128xbf16>, vector<512x128xf32> -> vector<512x128xf32>
    %add3A_137 = arith.addf %dot_general3A_133, %dot_general3A_136 : vector<512x128xf32>
    %add3A_138 = vector.broadcast %get3A_46 : vector<1x128xf32> to vector<512x128xf32>
    %add3A_139 = arith.addf %add3A_137, %add3A_138 : vector<512x128xf32>
    %mul3A_140 = arith.constant 5.000000e-01 : f32
    %mul3A_141 = vector.broadcast %mul3A_140 : f32 to vector<512x128xf32>
    %mul3A_142 = arith.mulf %mul3A_141, %add3A_139 : vector<512x128xf32>
    %mul3A_143 = arith.constant 0.707106769 : f32
    %mul3A_144 = vector.broadcast %mul3A_143 : f32 to vector<512x128xf32>
    %mul3A_145 = arith.mulf %add3A_139, %mul3A_144 : vector<512x128xf32>
    %erf3A_146 = math.erf %mul3A_145 : vector<512x128xf32>
    %add3A_147 = arith.constant 1.000000e+00 : f32
    %add3A_148 = vector.broadcast %add3A_147 : f32 to vector<512x128xf32>
    %add3A_149 = arith.addf %add3A_148, %erf3A_146 : vector<512x128xf32>
    %mul3A_150 = arith.mulf %mul3A_142, %add3A_149 : vector<512x128xf32>
    %convert_element_type3A_151 = arith.truncf %mul3A_150 : vector<512x128xf32> to vector<512x128xbf16>
    %dot_general3A_152 = arith.constant dense<0.000000e+00> : vector<512x128xf32>
    %dot_general3A_153 = tpu.matmul %convert_element_type3A_151, %get3A_49, %dot_general3A_152 {dimension_numbers = #tpu.dot_dimension_numbers<[1], [0], [0], [1], [0, 0, 1, 1], [], []>, transpose_lhs_hint = false} : vector<512x128xbf16>, vector<128x128xbf16>, vector<512x128xf32> -> vector<512x128xf32>
    %add3A_154 = vector.broadcast %get3A_52 : vector<1x128xf32> to vector<512x128xf32>
    %add3A_155 = arith.addf %dot_general3A_153, %add3A_154 : vector<512x128xf32>
    %add3A_156 = arith.addf %get3A_1, %add3A_155 : vector<512x128xf32>
    %get3A_157 = arith.constant 0 : index
    %get3A_158 = arith.constant 0 : index
    %get3A_159 = vector.load %arg19[%get3A_157, %get3A_158] : memref<128x128xbf16, #tpu.memory_space<vmem>>, vector<128x128xbf16>
    %convert_element_type3A_160 = arith.truncf %add3A_156 : vector<512x128xf32> to vector<512x128xbf16>
    %dot_general3A_161 = arith.constant dense<0.000000e+00> : vector<512x128xf32>
    %dot_general3A_162 = tpu.matmul %convert_element_type3A_160, %get3A_159, %dot_general3A_161 {dimension_numbers = #tpu.dot_dimension_numbers<[1], [0], [0], [1], [0, 0, 1, 1], [], []>, transpose_lhs_hint = false} : vector<512x128xbf16>, vector<128x128xbf16>, vector<512x128xf32> -> vector<512x128xf32>
    %get3A_163 = arith.constant 0 : index
    %get3A_164 = arith.constant 0 : index
    %get3A_165 = vector.load %arg20[%get3A_163, %get3A_164] : memref<1x128xf32, #tpu.memory_space<vmem>>, vector<1x128xf32>
    %add3A_166 = vector.broadcast %get3A_165 : vector<1x128xf32> to vector<512x128xf32>
    %add3A_167 = arith.addf %dot_general3A_162, %add3A_166 : vector<512x128xf32>
    %mul3A_168 = arith.constant 5.000000e-01 : f32
    %mul3A_169 = vector.broadcast %mul3A_168 : f32 to vector<512x128xf32>
    %mul3A_170 = arith.mulf %mul3A_169, %add3A_167 : vector<512x128xf32>
    %mul3A_171 = arith.constant 0.707106769 : f32
    %mul3A_172 = vector.broadcast %mul3A_171 : f32 to vector<512x128xf32>
    %mul3A_173 = arith.mulf %add3A_167, %mul3A_172 : vector<512x128xf32>
    %erf3A_174 = math.erf %mul3A_173 : vector<512x128xf32>
    %add3A_175 = arith.constant 1.000000e+00 : f32
    %add3A_176 = vector.broadcast %add3A_175 : f32 to vector<512x128xf32>
    %add3A_177 = arith.addf %add3A_176, %erf3A_174 : vector<512x128xf32>
    %mul3A_178 = arith.mulf %mul3A_170, %add3A_177 : vector<512x128xf32>
    %get3A_179 = arith.constant 0 : index
    %get3A_180 = arith.constant 0 : index
    %get3A_181 = vector.load %arg21[%get3A_179, %get3A_180] : memref<128x128xbf16, #tpu.memory_space<vmem>>, vector<128x128xbf16>
    %convert_element_type3A_182 = arith.truncf %mul3A_178 : vector<512x128xf32> to vector<512x128xbf16>
    %dot_general3A_183 = arith.constant dense<0.000000e+00> : vector<512x128xf32>
    %dot_general3A_184 = tpu.matmul %convert_element_type3A_182, %get3A_181, %dot_general3A_183 {dimension_numbers = #tpu.dot_dimension_numbers<[1], [0], [0], [1], [0, 0, 1, 1], [], []>, transpose_lhs_hint = false} : vector<512x128xbf16>, vector<128x128xbf16>, vector<512x128xf32> -> vector<512x128xf32>
    %get3A_185 = arith.constant 0 : index
    %get3A_186 = arith.constant 0 : index
    %get3A_187 = vector.load %arg22[%get3A_185, %get3A_186] : memref<1x128xf32, #tpu.memory_space<vmem>>, vector<1x128xf32>
    %add3A_188 = vector.broadcast %get3A_187 : vector<1x128xf32> to vector<512x128xf32>
    %add3A_189 = arith.addf %dot_general3A_184, %add3A_188 : vector<512x128xf32>
    %mul3A_190 = arith.constant 5.000000e-01 : f32
    %mul3A_191 = vector.broadcast %mul3A_190 : f32 to vector<512x128xf32>
    %mul3A_192 = arith.mulf %mul3A_191, %add3A_189 : vector<512x128xf32>
    %mul3A_193 = arith.constant 0.707106769 : f32
    %mul3A_194 = vector.broadcast %mul3A_193 : f32 to vector<512x128xf32>
    %mul3A_195 = arith.mulf %add3A_189, %mul3A_194 : vector<512x128xf32>
    %erf3A_196 = math.erf %mul3A_195 : vector<512x128xf32>
    %add3A_197 = arith.constant 1.000000e+00 : f32
    %add3A_198 = vector.broadcast %add3A_197 : f32 to vector<512x128xf32>
    %add3A_199 = arith.addf %add3A_198, %erf3A_196 : vector<512x128xf32>
    %mul3A_200 = arith.mulf %mul3A_192, %add3A_199 : vector<512x128xf32>
    %get3A_201 = arith.constant 0 : index
    %get3A_202 = arith.constant 0 : index
    %get3A_203 = vector.load %arg23[%get3A_201, %get3A_202] : memref<128x3xbf16, #tpu.memory_space<vmem>>, vector<128x3xbf16>
    %convert_element_type3A_204 = arith.truncf %mul3A_200 : vector<512x128xf32> to vector<512x128xbf16>
    %dot_general3A_205 = arith.constant dense<0.000000e+00> : vector<512x3xf32>
    %dot_general3A_206 = tpu.matmul %convert_element_type3A_204, %get3A_203, %dot_general3A_205 {dimension_numbers = #tpu.dot_dimension_numbers<[1], [0], [0], [1], [0, 0, 1, 1], [], []>, transpose_lhs_hint = false} : vector<512x128xbf16>, vector<128x3xbf16>, vector<512x3xf32> -> vector<512x3xf32>
    %get3A_207 = arith.constant 0 : index
    %get3A_208 = arith.constant 0 : index
    %get3A_209 = vector.load %arg24[%get3A_207, %get3A_208] : memref<1x3xf32, #tpu.memory_space<vmem>>, vector<1x3xf32>
    %add3A_210 = vector.broadcast %get3A_209 : vector<1x3xf32> to vector<512x3xf32>
    %add3A_211 = arith.addf %dot_general3A_206, %add3A_210 : vector<512x3xf32>
    %swap3A = arith.constant 0 : index
    %swap3A_212 = arith.constant 0 : index
    %swap3A_213 = vector.load %arg25[%swap3A, %swap3A_212] : memref<512x3xf32, #tpu.memory_space<vmem>>, vector<512x3xf32>
    tpu.vector_store %arg25[%swap3A, %swap3A_212], %add3A_211 {strides = array<i32>} : memref<512x3xf32, #tpu.memory_space<vmem>>, vector<512x3xf32>,
    return
  }
  func.func @transform_0(%arg0: i32) -> (i32, i32) {
    %c0_i32 = arith.constant 0 : i32
    %c0_i32_0 = arith.constant 0 : i32
    return %arg0, %c0_i32 : i32, i32
  }
  func.func @transform_1(%arg0: i32) -> (i32, i32) {
    %c0_i32 = arith.constant 0 : i32
    %c0_i32_0 = arith.constant 0 : i32
    return %arg0, %c0_i32 : i32, i32
  }
  func.func @transform_2(%arg0: i32) -> (i32, i32) {
    %c0_i32 = arith.constant 0 : i32
    %c0_i32_0 = arith.constant 0 : i32
    return %arg0, %c0_i32 : i32, i32
  }
  func.func @transform_3(%arg0: i32) -> (i32, i32) {
    %c0_i32 = arith.constant 0 : i32
    %c0_i32_0 = arith.constant 0 : i32
    return %arg0, %c0_i32 : i32, i32
  }
  func.func @transform_4(%arg0: i32) -> (i32, i32) {
    %c0_i32 = arith.constant 0 : i32
    %c0_i32_0 = arith.constant 0 : i32
    return %arg0, %c0_i32 : i32, i32
  }
  func.func @transform_5(%arg0: i32) -> (i32, i32) {
    %c0_i32 = arith.constant 0 : i32
    %c0_i32_0 = arith.constant 0 : i32
    return %arg0, %c0_i32 : i32, i32
  }
  func.func @transform_6(%arg0: i32) -> (i32, i32) {
    %c0_i32 = arith.constant 0 : i32
    %c0_i32_0 = arith.constant 0 : i32
    return %arg0, %c0_i32 : i32, i32
  }
  func.func @transform_7(%arg0: i32) -> (i32, i32) {
    %c0_i32 = arith.constant 0 : i32
    %c0_i32_0 = arith.constant 0 : i32
    %c0_i32_1 = arith.constant 0 : i32
    return %c0_i32, %c0_i32_0 : i32, i32
  }
  func.func @transform_8(%arg0: i32) -> (i32, i32) {
    %c0_i32 = arith.constant 0 : i32
    %c0_i32_0 = arith.constant 0 : i32
    %c0_i32_1 = arith.constant 0 : i32
    return %c0_i32, %c0_i32_0 : i32, i32
  }
  func.func @transform_9(%arg0: i32) -> (i32, i32) {
    %c0_i32 = arith.constant 0 : i32
    %c0_i32_0 = arith.constant 0 : i32
    %c0_i32_1 = arith.constant 0 : i32
    return %c0_i32, %c0_i32_0 : i32, i32
  }
  func.func @transform_10(%arg0: i32) -> (i32, i32) {
    %c0_i32 = arith.constant 0 : i32
    %c0_i32_0 = arith.constant 0 : i32
    %c0_i32_1 = arith.constant 0 : i32
    return %c0_i32, %c0_i32_0 : i32, i32
  }
  func.func @transform_11(%arg0: i32) -> (i32, i32) {
    %c0_i32 = arith.constant 0 : i32
    %c0_i32_0 = arith.constant 0 : i32
    %c0_i32_1 = arith.constant 0 : i32
    return %c0_i32, %c0_i32_0 : i32, i32
  }
  func.func @transform_12(%arg0: i32) -> (i32, i32) {
    %c0_i32 = arith.constant 0 : i32
    %c0_i32_0 = arith.constant 0 : i32
    %c0_i32_1 = arith.constant 0 : i32
    return %c0_i32, %c0_i32_0 : i32, i32
  }
  func.func @transform_13(%arg0: i32) -> (i32, i32) {
    %c0_i32 = arith.constant 0 : i32
    %c0_i32_0 = arith.constant 0 : i32
    %c0_i32_1 = arith.constant 0 : i32
    return %c0_i32, %c0_i32_0 : i32, i32
  }
  func.func @transform_14(%arg0: i32) -> (i32, i32) {
    %c0_i32 = arith.constant 0 : i32
    %c0_i32_0 = arith.constant 0 : i32
    %c0_i32_1 = arith.constant 0 : i32
    return %c0_i32, %c0_i32_0 : i32, i32
  }
  func.func @transform_15(%arg0: i32) -> (i32, i32) {
    %c0_i32 = arith.constant 0 : i32
    %c0_i32_0 = arith.constant 0 : i32
    %c0_i32_1 = arith.constant 0 : i32
    return %c0_i32, %c0_i32_0 : i32, i32
  }
  func.func @transform_16(%arg0: i32) -> (i32, i32) {
    %c0_i32 = arith.constant 0 : i32
    %c0_i32_0 = arith.constant 0 : i32
    %c0_i32_1 = arith.constant 0 : i32
    return %c0_i32, %c0_i32_0 : i32, i32
  }
  func.func @transform_17(%arg0: i32) -> (i32, i32) {
    %c0_i32 = arith.constant 0 : i32
    %c0_i32_0 = arith.constant 0 : i32
    %c0_i32_1 = arith.constant 0 : i32
    return %c0_i32, %c0_i32_0 : i32, i32
  }
  func.func @transform_18(%arg0: i32) -> (i32, i32) {
    %c0_i32 = arith.constant 0 : i32
    %c0_i32_0 = arith.constant 0 : i32
    %c0_i32_1 = arith.constant 0 : i32
    return %c0_i32, %c0_i32_0 : i32, i32
  }
  func.func @transform_19(%arg0: i32) -> (i32, i32) {
    %c0_i32 = arith.constant 0 : i32
    %c0_i32_0 = arith.constant 0 : i32
    %c0_i32_1 = arith.constant 0 : i32
    return %c0_i32, %c0_i32_0 : i32, i32
  }
  func.func @transform_20(%arg0: i32) -> (i32, i32) {
    %c0_i32 = arith.constant 0 : i32
    %c0_i32_0 = arith.constant 0 : i32
    %c0_i32_1 = arith.constant 0 : i32
    return %c0_i32, %c0_i32_0 : i32, i32
  }
  func.func @transform_21(%arg0: i32) -> (i32, i32) {
    %c0_i32 = arith.constant 0 : i32
    %c0_i32_0 = arith.constant 0 : i32
    %c0_i32_1 = arith.constant 0 : i32
    return %c0_i32, %c0_i32_0 : i32, i32
  }
  func.func @transform_22(%arg0: i32) -> (i32, i32) {
    %c0_i32 = arith.constant 0 : i32
    %c0_i32_0 = arith.constant 0 : i32
    %c0_i32_1 = arith.constant 0 : i32
    return %c0_i32, %c0_i32_0 : i32, i32
  }
  func.func @transform_23(%arg0: i32) -> (i32, i32) {
    %c0_i32 = arith.constant 0 : i32
    %c0_i32_0 = arith.constant 0 : i32
    %c0_i32_1 = arith.constant 0 : i32
    return %c0_i32, %c0_i32_0 : i32, i32
  }
  func.func @transform_24(%arg0: i32) -> (i32, i32) {
    %c0_i32 = arith.constant 0 : i32
    %c0_i32_0 = arith.constant 0 : i32
    return %arg0, %c0_i32 : i32, i32
  }
}

</mosaic_0001>

<sc_bundles>
// kernel: kernel.12.cloned.1.call-start
scs
__scs_entry_jumppad:
0x0: {  	(pc) =	sbr.rel $0x88, $3  }
0x1: {  	(tag) =	ssettag $0x0;
	lr =	simm.s32 $0x1  }
0x2: {  	[smem:$0x3F84] =	sst lr;
	_ =	strace $0xD0000000  }
0x3: {  	_ = 	snop  }
0x4: {  	_ = 	snop  }
0x5: {  	_ = 	snop  }
0x6: {  	_ = 	snop  }
0x7: {  	_ = 	snop  }
__scs_overlays_trampoline_lowered:
0x8: {  	[smem:$0x3F93] =	sst s0  }
0x9: {  	[smem:$0x3F94] =	sst s1  }
0xa: {  	[smem:$0x3F95] =	sst s2  }
0xb: {  	[smem:$0x3F96] =	sst s3  }
0xc: {  	[smem:$0x3F97] =	sst s4  }
0xd: {  	[smem:$0x3F98] =	sst s5  }
0xe: {  	[smem:$0x3F99] =	sst s6  }
0xf: {  	[smem:$0x3F9A] =	sst s7  }
0x10: {  	[smem:$0x3F9B] =	sst s8  }
0x11: {  	[smem:$0x3F9C] =	sst s9;
	s0 =	simm.s32 @!p0 $0x0  }
0x12: {  	s1 =	sld [smem:$0x3F82];
	s0 =	simm.s32 @p0 $0x1  }
0x13: {  	[smem:$0x3F9D] =	sst s0;
	s0 =	simm.s32 @!p1 $0x0  }
0x14: {  	s2 =	sld [smem:$0x3F81];
	s0 =	simm.s32 @p1 $0x1  }
0x15: {  	[smem:$0x3F9E] =	sst s0;
	s0 =	simm.s32 @!p2 $0x0  }
0x16: {  	s3 =	sld [smem:$0x3FDB];
	s0 =	simm.s32 @p2 $0x1  }
0x17: {  	s4 =	simm.s32 $0x1BF5;
	[smem:$0x3FA0] =	sst s0  }
0x18: {  	s0 =	sld [smem:$0x3F83];
	_ =	swait.ge [sflag:s4], $0x0  }
0x19: {  	s7 =	sld [smem:$0x3F84]  }
0x1a: {  	s8 =	sadd.s32 $0xFFFFE003, lr  }
0x1b: {  	s9 =	sadd.s32 $0xFFFFFEF7, lr;
	s5 =	simm.s32 $0xFFFFFFFF;
	p2 =	slt.u32 s8, $0xFFFFF086  }
0x1c: {  	p1 =	slt.u32 s9, $0xF7A;
	s5 =	simm.s32 @!p2 $0x0  }
0x1d: {  	s5 =	simm.s32 @p1 $0x1;
	p0 =	seq.s32 s7, s2  }
0x1e: {  	s7 =	smul.u32 @!p0 $0xF7A, s2;
	p2 =	seq.s32 @!p0 s5, $0x0  }
0x1f: {  	s9 =	smul.u32 $0xF7A, s1;
	s8 =	simm.s32 @!p0 $0x1BF5;
	p2 =	por !p2, p0  }
0x20: {  	[sflag:s8] =	ssyncset.s32 @!p0 $0xFFFFF086;
	s6 =	sadd.s32 @!p0 s3, s7;
	s7 =	simm.s32 @!p0 $0x108  }
0x21: {  	s3 =	sadd.s32 s3, s9;
	s6 =	sadd.s32 @!p0 $0x88, s6;
	s7 =	simm.s32 @p2 $0x1082  }
0x22: {  	[simem:s7], [sflag:s8] =	dma.local @!p0 [hbm:s6], $0xF7A  }
0x23: {  	s9 =	sor.u32 $0xD0000000, s2;
	s6 =	simm.s32 $0x108;
	_ =	swait.ge @!p0 [sflag:s8], $0x0  }
0x24: {  	s3 =	sadd.s32 $0x88, s3;
	s6 =	simm.s32 @!p1 $0x1082;
	[sflag:s4] =	ssyncset.s32 $0xFFFFF086  }
0x25: {  	[simem:s6], [sflag:s4] =	dma.local [hbm:s3], $0xF7A  }
0x26: {  	[smem:$0x3F84] =	sst s1;
	(tag) =	ssettag s2;
	_ =	strace s9  }
0x27: {  	s1 =	sld [smem:$0x3F94]  }
0x28: {  	s2 =	sld [smem:$0x3F95]  }
0x29: {  	s4 =	sld [smem:$0x3F97]  }
0x2a: {  	p0 =	seq.s32 s5, $0x0;
	s5 =	sld [smem:$0x3F98]  }
0x2b: {  	s6 =	sld [smem:$0x3F99]  }
0x2c: {  	s7 =	sld [smem:$0x3F9A]  }
0x2d: {  	s3 =	simm.s32 $0x108;
	s8 =	sld [smem:$0x3F9B]  }
0x2e: {  	s3 =	simm.s32 @!p0 $0x1082;
	s9 =	sld [smem:$0x3F9C]  }
0x2f: {  	lr =	sadd.s32 s0, s3;
	s0 =	sld [smem:$0x3F93]  }
0x30: {  	s3 =	sld [smem:$0x3F96]  }
0x31: {  	[smem:$0x3F9F] =	sst s10  }
0x32: {  	s10 =	sld [smem:$0x3F9D];
	_ =	sdelay $0x3  }
0x33: {  	p0 =	seq.s32 s10, $0x1;
	s10 =	sld [smem:$0x3F9F];
	_ =	sdelay $0x3  }
0x34: {  	[smem:$0x3F9F] =	sst s10  }
0x35: {  	s10 =	sld [smem:$0x3F9E];
	_ =	sdelay $0x3  }
0x36: {  	p1 =	seq.s32 s10, $0x1;
	s10 =	sld [smem:$0x3F9F];
	_ =	sdelay $0x3  }
0x37: {  	[smem:$0x3F9F] =	sst s10  }
0x38: {  	s10 =	sld [smem:$0x3FA0]  }
0x39: {  	_ = 	snop;
	(pc) =	sbr.ind lr, $3  }
0x3a: {  	_ = 	snop  }
0x3b: {  	_ = 	snop  }
0x3c: {  	p2 =	seq.s32 s10, $0x1;
	s10 =	sld [smem:$0x3F9F]  }
0x3d: {  	_ =	shalt  }
0x3e: {  	_ =	shalt  }
0x3f: {  	_ =	shalt  }
0x40: {  	_ =	shalt  }
0x41: {  	_ =	shalt  }
0x42: {  	_ =	shalt  }
0x43: {  	_ =	shalt  }
0x44: {  	_ =	shalt  }
0x45: {  	_ =	shalt  }
0x46: {  	_ =	shalt  }
0x47: {  	_ =	shalt  }
0x48: {  	_ =	shalt  }
0x49: {  	_ =	shalt  }
0x4a: {  	_ =	shalt  }
0x4b: {  	_ =	shalt  }
0x4c: {  	_ =	shalt  }
0x4d: {  	_ =	shalt  }
0x4e: {  	_ =	shalt  }
0x4f: {  	_ =	shalt  }
0x50: {  	_ =	shalt  }
0x51: {  	_ =	shalt  }
0x52: {  	_ =	shalt  }
0x53: {  	_ =	shalt  }
0x54: {  	_ =	shalt  }
0x55: {  	_ =	shalt  }
0x56: {  	_ =	shalt  }
0x57: {  	_ =	shalt  }
0x58: {  	_ =	shalt  }
0x59: {  	_ =	shalt  }
0x5a: {  	_ =	shalt  }
0x5b: {  	_ =	shalt  }
0x5c: {  	_ =	shalt  }
0x5d: {  	_ =	shalt  }
0x5e: {  	_ =	shalt  }
0x5f: {  	_ =	shalt  }
0x60: {  	_ =	shalt  }
0x61: {  	_ =	shalt  }
0x62: {  	_ =	shalt  }
0x63: {  	_ =	shalt  }
0x64: {  	_ =	shalt  }
0x65: {  	_ =	shalt  }
0x66: {  	_ =	shalt  }
0x67: {  	_ =	shalt  }
0x68: {  	_ =	shalt  }
0x69: {  	_ =	shalt  }
0x6a: {  	_ =	shalt  }
0x6b: {  	_ =	shalt  }
0x6c: {  	_ =	shalt  }
0x6d: {  	_ =	shalt  }
0x6e: {  	_ =	shalt  }
0x6f: {  	_ =	shalt  }
0x70: {  	_ =	shalt  }
0x71: {  	_ =	shalt  }
0x72: {  	_ =	shalt  }
0x73: {  	_ =	shalt  }
0x74: {  	_ =	shalt  }
0x75: {  	_ =	shalt  }
0x76: {  	_ =	shalt  }
0x77: {  	_ =	shalt  }
0x78: {  	_ =	shalt  }
0x79: {  	_ =	shalt  }
0x7a: {  	_ =	shalt  }
0x7b: {  	_ =	shalt  }
0x7c: {  	_ =	shalt  }
0x7d: {  	_ =	shalt  }
0x7e: {  	_ =	shalt  }
0x7f: {  	_ =	shalt  }
0x80: {  	_ =	shalt  }
0x81: {  	_ =	shalt  }
0x82: {  	_ =	shalt  }
0x83: {  	_ =	shalt  }
0x84: {  	_ =	shalt  }
0x85: {  	_ =	shalt  }
0x86: {  	_ =	shalt  }
0x87: {  	_ =	shalt  }
.Lfunc_end0:
.L_simem_size_0:
called_computation.1_lowered:
.L_overlay_start_0:
0x88: {  	s2 =	sld [smem:$0x3FD9]  }
0x89: {  	s3 =	sld [smem:$0x3FFE];
	_ =	sdelay $0x1  }
0x8a: {  	s1 =	srdreg.scid  }
0x8b: {  	s0 =	sand.u32 $0x1, s1  }
0x8c: {  	s17 =	sshll.u32 s0, $0xA;
	s2 =	sadd.s32 s3, s2  }
0x8d: {  	s2 =	sadd.s32 s2, s17  }
0x8e: {  	[smem:$0x3FAB] =	sst s2  }
0x8f: {  	_ = 	snop  }
0x90: {  	s2 =	sld [smem:$0x3FD0];
	(tm) =	ssettm $0x1  }
0x91: {  	s18 =	sld [smem:$0x3FFB];
	_ =	sdelay $0x3  }
0x92: {  	_ =	strace s18  }
0x93: {  	s3 =	sld [smem:$0x3FFC];
	_ =	sdelay $0x3  }
0x94: {  	_ =	strace s3  }
0x95: {  	s3 =	sld [smem:$0x3FFD];
	_ =	sdelay $0x3  }
0x96: {  	_ =	strace s3  }
0x97: {  	_ =	strace $0x8FFFFFFF  }
0x98: {  	s19 =	sld [smem:$0x3FDB];
	_ =	sdelay $0x1  }
0x99: {  	s4 =	simm.s32 $_scs_section_size  }
0x9a: {  	s5 =	simm.s32 $_size__tile_overlayer_lowered;
	s6 =	simm.s32 $_tile_overlayer_lowered  }
0x9b: {  	s22 =	simm.s32 $0x1BFF;
	s21 =	sshll.u32 s6, $0x1;
	s3 =	sadd.s32 s4, s19  }
0x9c: {  	s7 =	simm.s32 $0x0;
	s20 =	sshll.u32 s5, $0x1;
	s5 =	sadd.s32 s21, s3  }
0x9d: {  	[timem:s7], [sflag:s22] =	dma.local [hbm:s5], s20  }
0x9e: {  	_ =	swait.ge [sflag:s22], s20  }
0x9f: {  	s4 =	ssub.s32 $0x0, s20;
	[sflag:s22] =	ssyncset.done $0x0  }
0xa0: {  	[sflag:s22] =	ssyncadd.s32 s4;
	_ =	sdelay $0x1  }
0xa1: {  	s23 =	simm.s32 $0x1B8B  }
0xa2: {  	_ =	swait.ge [sflag:s23], $0x1  }
0xa3: {  	[sflag:s23] =	ssyncset.done $0x0  }
0xa4: {  	s25 =	simm.s32 $0x1B8E;
	s24 =	sld [smem:$0x3FFE];
	[sflag:s23] =	ssyncadd.s32 $0xFFFFFFFF  }
0xa5: {  	s26 =	simm.s32 $execute0_lowered;
	[smem:$0x3FD2] =	sst s25  }
0xa6: {  	s5 =	sshll.u32 s26, $0x1;
	_ =	strace $0x80000049;
	[dreg:$0x1] =	wrdreg $0xFFFFFFFF  }
0xa7: {  	s28 =	simm.s32 $_size_execute0_lowered;
	s3 =	sadd.s32 s3, s5;
	[dreg:$0x0] =	wrdreg $0x0  }
0xa8: {  	s5 =	sshll.u32 s28, $0x1;
	[dreg:$0x2] =	wrdreg s3  }
0xa9: {  	[dreg:$0x3] =	wrdreg s5  }
0xaa: {  	[dreg:$0x4] =	wrdreg $0xC0  }
0xab: {  	_ =	task [dreg:s7], $0x5FFFF  }
0xac: {  	[dreg:$0x1] =	wrdreg $0xFFFFFFFF  }
0xad: {  	[dreg:$0x0] =	wrdreg $0x60  }
0xae: {  	[dreg:$0x2] =	wrdreg s24  }
0xaf: {  	[dreg:$0x3] =	wrdreg s2  }
0xb0: {  	[dreg:$0x4] =	wrdreg $0x9  }
0xb1: {  	_ =	task.clear_ibuf [dreg:s7], $0x5FFFF;
	_ =	strace $0x90000049  }
0xb2: {  	s29 =	simm.s32 $0x9;
	_ =	strace $0x8000004B  }
0xb3: {  	_ =	swait.ge [sflag:s29], $0x1  }
0xb4: {  	[sflag:s29] =	ssyncadd.s32 $0xFFFFFFFF  }
0xb5: {  	_ =	strace $0x9000004B  }
0xb6: {  	_ =	sfence  }
0xb7: {  	s30 =	sld [smem:$0x0];
	_ =	sdelay $0x2  }
0xb8: {  	s31 =	sshll.u32 s1, $0xD;
	s1 =	sshrl.u32 s1, $0x2  }
0xb9: {  	s3 =	sand.u32 $0x4000, s31;
	s1 =	sadd.s32 s1, s30  }
0xba: {  	s0 =	sor.u32 s3, s0;
	s1 =	sshll.u32 s1, $0x11  }
0xbb: {  	s0 =	sor.u32 s1, s0  }
0xbc: {  	s0 =	sadd.s32 $0x8F2B, s0  }
0xbd: {  	[sflag:s0] =	ssyncadd.remote.s32 $0x1  }
0xbe: {  	_ =	sfence.sel $0xFFFF  }
0xbf: {  	[dreg:$0x0] =	wrdreg $0xFFFFFFFF;
	(pc) =	sbr.abs _section_cstart, $3  }
0xc0: {  	[dreg:$0x1] =	wrdreg $0xFFFFFFFF  }
0xc1: {  	_ =	task.clear_ibuf [dreg:s7], $0x2FFFF;
	_ =	strace $0x9FFFFFFF  }
0xc2: {  	(tm) =	ssettm $0x7FFFFFFF  }
0xc3: {  	_ =	shalt  }
tec
execute0_lowered:
.L_overlay_start_1:
0x0: {  	(tag) =	ssettag $0x1  }
0x1: {  	s0 =	srdreg.scid;
	s3 =	rddreg [dreg:$0x0]  }
0x2: {  	s1 =	stileid.u32;
	s4 =	rddreg [dreg:$0x1]  }
0x3: {  	s2 =	simm.s32 $0x0;
	s12 =	simm.s32 $0x140;
	s11 =	simm.s32 $0x280  }
0x4: {  	s13 =	simm.s32 $0x1;
	s10 =	simm.s32 $0x50;
	s26 =	simm.s32 $0x2C00  }
0x5: {  	s17 =	simm.s32 $0x5400;
	s18 =	simm.s32 $0xF0;
	s19 =	simm.s32 $0x7C00  }
0x6: {  	s20 =	simm.s32 $0x190;
	s21 =	simm.s32 $0xCC00;
	s22 =	simm.s32 $0x1E0  }
0x7: {  	s28 =	simm.s32 $0x16C00;
	s29 =	simm.s32 $0x320;
	s30 =	simm.s32 $0x19400  }
0x8: {  	p0 =	por $0x0, $0x0;
	s31 =	simm.s32 $0x370;
	s16 =	simm.s32 $0x1BC00  }
0x9: {  	s14 =	simm.s32 $0x2;
	s0 =	sand.u32 $0x1, s0;
	s1 =	sshll.u32 s1, $0x1  }
0xa: {  	s9 =	simm.s32 $0x3;
	[smem:$0x7FF] =	sst s2;
	s1 =	sor.u32 s0, s1  }
0xb: {  	s8 =	sadd.s32 $0x5800, s3;
	s0 =	ssub.s32 $0x2, s0;
	s5 =	smul.u32 $0x28, s1  }
0xc: {  	_ =	strace $0x8000004A;
	s1 =	smul.u32 $0x1400, s1;
	s24 =	sshrl.u32 s0, $0x1  }
0xd: {  	[dreg:$0x9] =	wrdreg s26;
	s26 =	simm.s32 $0x2D0;
	s0 =	ssub.s32 s0, s24  }
0xe: {  	s24 =	simm.s32 $0x230;
	s6 =	sadd.s32 s5, s3;
	s1 =	sadd.s32 s1, s3  }
0xf: {  	s4 =	sadd.s32 s4, s5;
	s0 =	smax.u32 s0, $0x1;
	s5 =	simm.s32 $0xA400  }
0x10: {  	s3 =	simm.s32 $0x14400;
	s7 =	sadd.s32 $0x5200, s6;
	[dreg:$0x5] =	wrdreg s4  }
0x11: {  	s6 =	sadd.s32 $0x4C00, s6;
	p1 =	sne.s32 s0, $0x1;
	[dreg:$0x3] =	wrdreg s7  }
.Ltmp0:
0x12: {  	s23 =	sadd.s32 $0xA5800, s1;
	[dreg:$0x4] =	wrdreg s6;
	(pc) =	sbr.rel @!p1 .LBB2_1-.Ltmp0, $4  }
0x13: {  	s25 =	sadd.s32 $0xCD800, s1;
	s1 =	sadd.s32 $0xF5800, s1;
	[dreg:$0x6] =	wrdreg s23  }
0x14: {  	s15 =	sadd.s32 $0xFFFFFFFF, s0;
	s4 =	simm.s32 $0x5;
	[dreg:$0x7] =	wrdreg s25  }
0x15: {  	[dreg:$0x8] =	wrdreg s1;
	s7 =	simm.s32 $0x400;
	s23 =	simm.s32 $0xF400  }
0x16: {  	s25 =	simm.s32 $0x11C00;
	s6 =	simm.s32 $0x4;
	s0 =	rddreg [dreg:$0x3]  }
0x17: {  	[tilespmem:s2], [sflag:$0x1] =	stream.linear.gather [hbm4b:s0+s2], $0x140, $0x38;
	[tilespmem:$0x1E400] =	vst v63  }
0x18: {  	s1 =	rddreg [dreg:$0x4]  }
0x19: {  	[tilespmem:s12], [sflag:$0x1] =	stream.linear.gather [hbm4b:s1+s2], $0x140, $0x38;
	[tilespmem:$0x1E400] =	vst v63  }
0x1a: {  	s0 =	rddreg [dreg:$0x5]  }
0x1b: {  	[tilespmem:s11], [sflag:$0x1] =	stream.linear.gather [hbm4b:s0+s2], $0x140, $0x38;
	[tilespmem:$0x1E400] =	vst v63  }
0x1c: {  	_ =	swait.ge [sflag:s13], $0x140  }
0x1d: {  	[sflag:s13] =	ssyncset.done $0x0  }
0x1e: {  	[sflag:s13] =	ssyncadd.s32 $0xFFFFFEC0  }
0x1f: {  	_ =	swait.ge [sflag:s13], $0x140  }
0x20: {  	[sflag:s13] =	ssyncset.done $0x0  }
0x21: {  	[sflag:s13] =	ssyncadd.s32 $0xFFFFFEC0  }
0x22: {  	_ =	swait.ge [sflag:s13], $0x140  }
0x23: {  	[sflag:s13] =	ssyncset.done $0x0  }
0x24: {  	[sflag:s13] =	ssyncadd.s32 $0xFFFFFEC0  }
0x25: {  	[tilespmem:s7], [sflag:$0x2] =	stream.indirect.gather [hbm4b:s8+s10], $0x80, s2, s10, $0xb8;
	[tilespmem:$0x1E400] =	vst v63  }
0x26: {  	s1 =	rddreg [dreg:$0x9]  }
0x27: {  	[tilespmem:s1], [sflag:$0x2] =	stream.indirect.gather [hbm4b:s8+s10], $0x80, s10, s10, $0xb8;
	[tilespmem:$0x1E400] =	vst v63  }
0x28: {  	s1 =	simm.s32 $0xA0  }
0x29: {  	[tilespmem:s17], [sflag:$0x2] =	stream.indirect.gather [hbm4b:s8+s10], $0x80, s1, s10, $0xb8;
	[tilespmem:$0x1E400] =	vst v63  }
0x2a: {  	_ = 	snop  }
0x2b: {  	[tilespmem:s19], [sflag:$0x2] =	stream.indirect.gather [hbm4b:s8+s10], $0x80, s18, s10, $0xb8;
	[tilespmem:$0x1E400] =	vst v63  }
0x2c: {  	_ = 	snop  }
0x2d: {  	[tilespmem:s5], [sflag:$0x3] =	stream.indirect.gather [hbm4b:s8+s10], $0x80, s12, s10, $0xb8;
	[tilespmem:$0x1E400] =	vst v63  }
0x2e: {  	_ = 	snop  }
0x2f: {  	[tilespmem:s21], [sflag:$0x3] =	stream.indirect.gather [hbm4b:s8+s10], $0x80, s20, s10, $0xb8;
	[tilespmem:$0x1E400] =	vst v63  }
0x30: {  	_ = 	snop  }
0x31: {  	[tilespmem:s23], [sflag:$0x3] =	stream.indirect.gather [hbm4b:s8+s10], $0x80, s22, s10, $0xb8;
	[tilespmem:$0x1E400] =	vst v63  }
0x32: {  	_ = 	snop  }
0x33: {  	[tilespmem:s25], [sflag:$0x3] =	stream.indirect.gather [hbm4b:s8+s10], $0x80, s24, s10, $0xb8;
	[tilespmem:$0x1E400] =	vst v63  }
0x34: {  	_ = 	snop  }
0x35: {  	[tilespmem:s3], [sflag:$0x4] =	stream.indirect.gather [hbm4b:s8+s10], $0x80, s11, s10, $0xb8;
	[tilespmem:$0x1E400] =	vst v63  }
0x36: {  	_ = 	snop  }
0x37: {  	[tilespmem:s28], [sflag:$0x4] =	stream.indirect.gather [hbm4b:s8+s10], $0x80, s26, s10, $0xb8;
	[tilespmem:$0x1E400] =	vst v63  }
0x38: {  	_ = 	snop  }
0x39: {  	[tilespmem:s30], [sflag:$0x4] =	stream.indirect.gather [hbm4b:s8+s10], $0x80, s29, s10, $0xb8;
	[tilespmem:$0x1E400] =	vst v63  }
0x3a: {  	_ = 	snop  }
0x3b: {  	[tilespmem:s16], [sflag:$0x4] =	stream.indirect.gather [hbm4b:s8+s10], $0x80, s31, s10, $0xb8;
	[tilespmem:$0x1E400] =	vst v63  }
0x3c: {  	_ =	swait.ge [sflag:s14], $0x2800  }
0x3d: {  	[sflag:s14] =	ssyncset.done $0x0  }
0x3e: {  	[sflag:s14] =	ssyncadd.s32 $0xFFFFD800  }
0x3f: {  	_ =	swait.ge [sflag:s14], $0x2800  }
0x40: {  	[sflag:s14] =	ssyncset.done $0x0  }
0x41: {  	[sflag:s14] =	ssyncadd.s32 $0xFFFFD800  }
0x42: {  	_ =	swait.ge [sflag:s14], $0x2800  }
0x43: {  	[sflag:s14] =	ssyncset.done $0x0  }
0x44: {  	[sflag:s14] =	ssyncadd.s32 $0xFFFFD800  }
0x45: {  	_ =	swait.ge [sflag:s14], $0x2800  }
0x46: {  	[sflag:s14] =	ssyncset.done $0x0  }
0x47: {  	s1 =	rddreg [dreg:$0x6];
	[sflag:s14] =	ssyncadd.s32 $0xFFFFD800  }
0x48: {  	[hbm4b:s1+s2] =	stream.linear.scatter [tilespmem:s7], [sflag:$0x5], $0xA000, $0x38;
	[tilespmem:$0x1E400] =	vst v63  }
0x49: {  	_ =	swait.ge [sflag:s4], $0xA000  }
0x4a: {  	[sflag:s4] =	ssyncset.done $0x0  }
0x4b: {  	[sflag:s4] =	ssyncadd.s32 $0xFFFF6000  }
0x4c: {  	_ =	swait.ge [sflag:s9], $0x2800  }
0x4d: {  	[sflag:s9] =	ssyncset.done $0x0  }
0x4e: {  	[sflag:s9] =	ssyncadd.s32 $0xFFFFD800  }
0x4f: {  	_ =	swait.ge [sflag:s9], $0x2800  }
0x50: {  	[sflag:s9] =	ssyncset.done $0x0  }
0x51: {  	[sflag:s9] =	ssyncadd.s32 $0xFFFFD800  }
0x52: {  	_ =	swait.ge [sflag:s9], $0x2800  }
0x53: {  	[sflag:s9] =	ssyncset.done $0x0  }
0x54: {  	[sflag:s9] =	ssyncadd.s32 $0xFFFFD800  }
0x55: {  	_ =	swait.ge [sflag:s9], $0x2800  }
0x56: {  	[sflag:s9] =	ssyncset.done $0x0  }
0x57: {  	s1 =	rddreg [dreg:$0x7];
	[sflag:s9] =	ssyncadd.s32 $0xFFFFD800  }
0x58: {  	[hbm4b:s1+s2] =	stream.linear.scatter [tilespmem:s5], [sflag:$0x5], $0xA000, $0x38;
	[tilespmem:$0x1E400] =	vst v63  }
0x59: {  	_ =	swait.ge [sflag:s4], $0xA000  }
0x5a: {  	[sflag:s4] =	ssyncset.done $0x0  }
0x5b: {  	[sflag:s4] =	ssyncadd.s32 $0xFFFF6000  }
0x5c: {  	_ =	swait.ge [sflag:s6], $0x2800  }
0x5d: {  	[sflag:s6] =	ssyncset.done $0x0  }
0x5e: {  	[sflag:s6] =	ssyncadd.s32 $0xFFFFD800  }
0x5f: {  	_ =	swait.ge [sflag:s6], $0x2800  }
0x60: {  	[sflag:s6] =	ssyncset.done $0x0  }
0x61: {  	[sflag:s6] =	ssyncadd.s32 $0xFFFFD800  }
0x62: {  	_ =	swait.ge [sflag:s6], $0x2800  }
0x63: {  	[sflag:s6] =	ssyncset.done $0x0  }
0x64: {  	[sflag:s6] =	ssyncadd.s32 $0xFFFFD800  }
0x65: {  	p1 =	sne.s32 s15, $0x1;
	_ =	swait.ge [sflag:s6], $0x2800  }
.Ltmp1:
0x66: {  	[sflag:s6] =	ssyncset.done $0x0;
	(pc) =	sbr.rel @!p1 .LBB2_3-.Ltmp1, $4  }
0x67: {  	s1 =	rddreg [dreg:$0x8];
	[sflag:s6] =	ssyncadd.s32 $0xFFFFD800  }
0x68: {  	[hbm4b:s1+s2] =	stream.linear.scatter [tilespmem:s3], [sflag:$0x5], $0xA000, $0x38;
	[tilespmem:$0x1E400] =	vst v63  }
0x69: {  	p0 =	por $0x1, $0x1;
	_ =	swait.ge [sflag:s4], $0xA000  }
0x6a: {  	s1 =	sadd.s32 $0xFFFFFFFF, s15;
	s0 =	rddreg [dreg:$0x3];
	[sflag:s4] =	ssyncset.done $0x0  }
.LBB2_4:
0x6b: {  	[sflag:s4] =	ssyncadd.s32 $0xFFFF6000  }
0x6c: {  	[tilespmem:s2], [sflag:$0x1] =	stream.linear.gather [hbm4b:s0+s2], $0x140, $0x38;
	[tilespmem:$0x1E400] =	vst v63  }
0x6d: {  	s15 =	rddreg [dreg:$0x4]  }
0x6e: {  	[tilespmem:s12], [sflag:$0x1] =	stream.linear.gather [hbm4b:s15+s2], $0x140, $0x38;
	[tilespmem:$0x1E400] =	vst v63  }
0x6f: {  	s0 =	rddreg [dreg:$0x5]  }
0x70: {  	[tilespmem:s11], [sflag:$0x1] =	stream.linear.gather [hbm4b:s0+s2], $0x140, $0x38;
	[tilespmem:$0x1E400] =	vst v63  }
0x71: {  	_ =	swait.ge [sflag:s13], $0x140  }
0x72: {  	[sflag:s13] =	ssyncset.done $0x0  }
0x73: {  	[sflag:s13] =	ssyncadd.s32 $0xFFFFFEC0  }
0x74: {  	_ =	swait.ge [sflag:s13], $0x140  }
0x75: {  	[sflag:s13] =	ssyncset.done $0x0  }
0x76: {  	[sflag:s13] =	ssyncadd.s32 $0xFFFFFEC0  }
0x77: {  	_ =	swait.ge [sflag:s13], $0x140  }
0x78: {  	[sflag:s13] =	ssyncset.done $0x0  }
0x79: {  	[sflag:s13] =	ssyncadd.s32 $0xFFFFFEC0  }
0x7a: {  	[tilespmem:s7], [sflag:$0x2] =	stream.indirect.gather [hbm4b:s8+s10], $0x80, s2, s10, $0xb8;
	[tilespmem:$0x1E400] =	vst v63  }
0x7b: {  	s15 =	rddreg [dreg:$0x9]  }
0x7c: {  	[tilespmem:s15], [sflag:$0x2] =	stream.indirect.gather [hbm4b:s8+s10], $0x80, s10, s10, $0xb8;
	[tilespmem:$0x1E400] =	vst v63  }
0x7d: {  	s15 =	simm.s32 $0xA0  }
0x7e: {  	[tilespmem:s17], [sflag:$0x2] =	stream.indirect.gather [hbm4b:s8+s10], $0x80, s15, s10, $0xb8;
	[tilespmem:$0x1E400] =	vst v63  }
0x7f: {  	_ = 	snop  }
0x80: {  	[tilespmem:s19], [sflag:$0x2] =	stream.indirect.gather [hbm4b:s8+s10], $0x80, s18, s10, $0xb8;
	[tilespmem:$0x1E400] =	vst v63  }
0x81: {  	_ = 	snop  }
0x82: {  	[tilespmem:s5], [sflag:$0x3] =	stream.indirect.gather [hbm4b:s8+s10], $0x80, s12, s10, $0xb8;
	[tilespmem:$0x1E400] =	vst v63  }
0x83: {  	_ = 	snop  }
0x84: {  	[tilespmem:s21], [sflag:$0x3] =	stream.indirect.gather [hbm4b:s8+s10], $0x80, s20, s10, $0xb8;
	[tilespmem:$0x1E400] =	vst v63  }
0x85: {  	_ = 	snop  }
0x86: {  	[tilespmem:s23], [sflag:$0x3] =	stream.indirect.gather [hbm4b:s8+s10], $0x80, s22, s10, $0xb8;
	[tilespmem:$0x1E400] =	vst v63  }
0x87: {  	_ = 	snop  }
0x88: {  	[tilespmem:s25], [sflag:$0x3] =	stream.indirect.gather [hbm4b:s8+s10], $0x80, s24, s10, $0xb8;
	[tilespmem:$0x1E400] =	vst v63  }
0x89: {  	_ = 	snop  }
0x8a: {  	[tilespmem:s3], [sflag:$0x4] =	stream.indirect.gather [hbm4b:s8+s10], $0x80, s11, s10, $0xb8;
	[tilespmem:$0x1E400] =	vst v63  }
0x8b: {  	_ = 	snop  }
0x8c: {  	[tilespmem:s28], [sflag:$0x4] =	stream.indirect.gather [hbm4b:s8+s10], $0x80, s26, s10, $0xb8;
	[tilespmem:$0x1E400] =	vst v63  }
0x8d: {  	_ = 	snop  }
0x8e: {  	[tilespmem:s30], [sflag:$0x4] =	stream.indirect.gather [hbm4b:s8+s10], $0x80, s29, s10, $0xb8;
	[tilespmem:$0x1E400] =	vst v63  }
0x8f: {  	_ = 	snop  }
0x90: {  	[tilespmem:s16], [sflag:$0x4] =	stream.indirect.gather [hbm4b:s8+s10], $0x80, s31, s10, $0xb8;
	[tilespmem:$0x1E400] =	vst v63  }
0x91: {  	_ =	swait.ge [sflag:s14], $0x2800  }
0x92: {  	[sflag:s14] =	ssyncset.done $0x0  }
0x93: {  	[sflag:s14] =	ssyncadd.s32 $0xFFFFD800  }
0x94: {  	_ =	swait.ge [sflag:s14], $0x2800  }
0x95: {  	[sflag:s14] =	ssyncset.done $0x0  }
0x96: {  	[sflag:s14] =	ssyncadd.s32 $0xFFFFD800  }
0x97: {  	_ =	swait.ge [sflag:s14], $0x2800  }
0x98: {  	[sflag:s14] =	ssyncset.done $0x0  }
0x99: {  	[sflag:s14] =	ssyncadd.s32 $0xFFFFD800  }
0x9a: {  	_ =	swait.ge [sflag:s14], $0x2800  }
0x9b: {  	[sflag:s14] =	ssyncset.done $0x0  }
0x9c: {  	s15 =	rddreg [dreg:$0x6];
	[sflag:s14] =	ssyncadd.s32 $0xFFFFD800  }
0x9d: {  	[hbm4b:s15+s2] =	stream.linear.scatter [tilespmem:s7], [sflag:$0x5], $0xA000, $0x38;
	[tilespmem:$0x1E400] =	vst v63  }
0x9e: {  	_ =	swait.ge [sflag:s4], $0xA000  }
0x9f: {  	[sflag:s4] =	ssyncset.done $0x0  }
0xa0: {  	[sflag:s4] =	ssyncadd.s32 $0xFFFF6000  }
0xa1: {  	_ =	swait.ge [sflag:s9], $0x2800  }
0xa2: {  	[sflag:s9] =	ssyncset.done $0x0  }
0xa3: {  	[sflag:s9] =	ssyncadd.s32 $0xFFFFD800  }
0xa4: {  	_ =	swait.ge [sflag:s9], $0x2800  }
0xa5: {  	[sflag:s9] =	ssyncset.done $0x0  }
0xa6: {  	[sflag:s9] =	ssyncadd.s32 $0xFFFFD800  }
0xa7: {  	_ =	swait.ge [sflag:s9], $0x2800  }
0xa8: {  	[sflag:s9] =	ssyncset.done $0x0  }
0xa9: {  	[sflag:s9] =	ssyncadd.s32 $0xFFFFD800  }
0xaa: {  	_ =	swait.ge [sflag:s9], $0x2800  }
0xab: {  	[sflag:s9] =	ssyncset.done $0x0  }
0xac: {  	s15 =	rddreg [dreg:$0x7];
	[sflag:s9] =	ssyncadd.s32 $0xFFFFD800  }
0xad: {  	[hbm4b:s15+s2] =	stream.linear.scatter [tilespmem:s5], [sflag:$0x5], $0xA000, $0x38;
	[tilespmem:$0x1E400] =	vst v63  }
0xae: {  	_ =	swait.ge [sflag:s4], $0xA000  }
0xaf: {  	[sflag:s4] =	ssyncset.done $0x0  }
0xb0: {  	[sflag:s4] =	ssyncadd.s32 $0xFFFF6000  }
0xb1: {  	_ =	swait.ge [sflag:s6], $0x2800  }
0xb2: {  	[sflag:s6] =	ssyncset.done $0x0  }
0xb3: {  	[sflag:s6] =	ssyncadd.s32 $0xFFFFD800  }
0xb4: {  	_ =	swait.ge [sflag:s6], $0x2800  }
0xb5: {  	[sflag:s6] =	ssyncset.done $0x0  }
0xb6: {  	[sflag:s6] =	ssyncadd.s32 $0xFFFFD800  }
0xb7: {  	_ =	swait.ge [sflag:s6], $0x2800  }
0xb8: {  	[sflag:s6] =	ssyncset.done $0x0  }
0xb9: {  	[sflag:s6] =	ssyncadd.s32 $0xFFFFD800  }
0xba: {  	p1 =	sne.s32 s1, $0x1;
	_ =	swait.ge [sflag:s6], $0x2800  }
.Ltmp2:
0xbb: {  	[sflag:s6] =	ssyncset.done $0x0;
	(pc) =	sbr.rel @p1 .LBB2_4-.Ltmp2, $4  }
0xbc: {  	s15 =	rddreg [dreg:$0x8];
	[sflag:s6] =	ssyncadd.s32 $0xFFFFD800  }
0xbd: {  	[hbm4b:s15+s2] =	stream.linear.scatter [tilespmem:s3], [sflag:$0x5], $0xA000, $0x38;
	[tilespmem:$0x1E400] =	vst v63  }
0xbe: {  	_ =	swait.ge [sflag:s4], $0xA000  }
0xbf: {  	s1 =	sadd.s32 $0xFFFFFFFF, s1;
	s0 =	rddreg [dreg:$0x3];
	[sflag:s4] =	ssyncset.done $0x0  }
0xc0: {  	s15 =	simm.s32 $0x1BC00  }
0xc1: {  	s31 =	simm.s32 $0x370;
	s30 =	simm.s32 $0x19400;
	s29 =	simm.s32 $0x320  }
0xc2: {  	s28 =	simm.s32 $0x16C00;
	s26 =	simm.s32 $0x2D0;
	s25 =	simm.s32 $0x11C00  }
0xc3: {  	s24 =	simm.s32 $0x230;
	s23 =	simm.s32 $0xF400;
	s22 =	simm.s32 $0x1E0  }
0xc4: {  	s21 =	simm.s32 $0xCC00;
	s20 =	simm.s32 $0x190;
	s19 =	simm.s32 $0x7C00  }
0xc5: {  	s18 =	simm.s32 $0xF0;
	s17 =	simm.s32 $0x5400;
	s16 =	simm.s32 $0xA0  }
.LBB2_6:
0xc6: {  	[sflag:s4] =	ssyncadd.s32 @p0 $0xFFFF6000  }
0xc7: {  	[tilespmem:s2], [sflag:$0x1] =	stream.linear.gather [hbm4b:s0+s2], $0x140, $0x38;
	[tilespmem:$0x1E400] =	vst v63  }
0xc8: {  	s1 =	rddreg [dreg:$0x4]  }
0xc9: {  	[tilespmem:s12], [sflag:$0x1] =	stream.linear.gather [hbm4b:s1+s2], $0x140, $0x38;
	[tilespmem:$0x1E400] =	vst v63  }
0xca: {  	s0 =	rddreg [dreg:$0x5]  }
0xcb: {  	[tilespmem:s11], [sflag:$0x1] =	stream.linear.gather [hbm4b:s0+s2], $0x140, $0x38;
	[tilespmem:$0x1E400] =	vst v63  }
0xcc: {  	_ =	swait.ge [sflag:s13], $0x140  }
0xcd: {  	[sflag:s13] =	ssyncset.done $0x0  }
0xce: {  	[sflag:s13] =	ssyncadd.s32 $0xFFFFFEC0  }
0xcf: {  	_ =	swait.ge [sflag:s13], $0x140  }
0xd0: {  	[sflag:s13] =	ssyncset.done $0x0  }
0xd1: {  	[sflag:s13] =	ssyncadd.s32 $0xFFFFFEC0  }
0xd2: {  	_ =	swait.ge [sflag:s13], $0x140  }
0xd3: {  	[sflag:s13] =	ssyncset.done $0x0  }
0xd4: {  	[sflag:s13] =	ssyncadd.s32 $0xFFFFFEC0  }
0xd5: {  	[tilespmem:s7], [sflag:$0x2] =	stream.indirect.gather [hbm4b:s8+s10], $0x80, s2, s10, $0xb8;
	[tilespmem:$0x1E400] =	vst v63  }
0xd6: {  	s13 =	rddreg [dreg:$0x9]  }
0xd7: {  	[tilespmem:s13], [sflag:$0x2] =	stream.indirect.gather [hbm4b:s8+s10], $0x80, s10, s10, $0xb8;
	[tilespmem:$0x1E400] =	vst v63  }
0xd8: {  	_ = 	snop  }
0xd9: {  	[tilespmem:s17], [sflag:$0x2] =	stream.indirect.gather [hbm4b:s8+s10], $0x80, s16, s10, $0xb8;
	[tilespmem:$0x1E400] =	vst v63  }
0xda: {  	_ = 	snop  }
0xdb: {  	[tilespmem:s19], [sflag:$0x2] =	stream.indirect.gather [hbm4b:s8+s10], $0x80, s18, s10, $0xb8;
	[tilespmem:$0x1E400] =	vst v63  }
0xdc: {  	_ = 	snop  }
0xdd: {  	[tilespmem:s5], [sflag:$0x3] =	stream.indirect.gather [hbm4b:s8+s10], $0x80, s12, s10, $0xb8;
	[tilespmem:$0x1E400] =	vst v63  }
0xde: {  	_ = 	snop  }
0xdf: {  	[tilespmem:s21], [sflag:$0x3] =	stream.indirect.gather [hbm4b:s8+s10], $0x80, s20, s10, $0xb8;
	[tilespmem:$0x1E400] =	vst v63  }
0xe0: {  	_ = 	snop  }
0xe1: {  	[tilespmem:s23], [sflag:$0x3] =	stream.indirect.gather [hbm4b:s8+s10], $0x80, s22, s10, $0xb8;
	[tilespmem:$0x1E400] =	vst v63  }
0xe2: {  	_ = 	snop  }
0xe3: {  	[tilespmem:s25], [sflag:$0x3] =	stream.indirect.gather [hbm4b:s8+s10], $0x80, s24, s10, $0xb8;
	[tilespmem:$0x1E400] =	vst v63  }
0xe4: {  	_ = 	snop  }
0xe5: {  	[tilespmem:s3], [sflag:$0x4] =	stream.indirect.gather [hbm4b:s8+s10], $0x80, s11, s10, $0xb8;
	[tilespmem:$0x1E400] =	vst v63  }
0xe6: {  	_ = 	snop  }
0xe7: {  	[tilespmem:s28], [sflag:$0x4] =	stream.indirect.gather [hbm4b:s8+s10], $0x80, s26, s10, $0xb8;
	[tilespmem:$0x1E400] =	vst v63  }
0xe8: {  	_ = 	snop  }
0xe9: {  	[tilespmem:s30], [sflag:$0x4] =	stream.indirect.gather [hbm4b:s8+s10], $0x80, s29, s10, $0xb8;
	[tilespmem:$0x1E400] =	vst v63  }
0xea: {  	_ = 	snop  }
0xeb: {  	[tilespmem:s15], [sflag:$0x4] =	stream.indirect.gather [hbm4b:s8+s10], $0x80, s31, s10, $0xb8;
	[tilespmem:$0x1E400] =	vst v63  }
0xec: {  	_ =	swait.ge [sflag:s14], $0x2800  }
0xed: {  	[sflag:s14] =	ssyncset.done $0x0  }
0xee: {  	[sflag:s14] =	ssyncadd.s32 $0xFFFFD800  }
0xef: {  	_ =	swait.ge [sflag:s14], $0x2800  }
0xf0: {  	[sflag:s14] =	ssyncset.done $0x0  }
0xf1: {  	[sflag:s14] =	ssyncadd.s32 $0xFFFFD800  }
0xf2: {  	_ =	swait.ge [sflag:s14], $0x2800  }
0xf3: {  	[sflag:s14] =	ssyncset.done $0x0  }
0xf4: {  	[sflag:s14] =	ssyncadd.s32 $0xFFFFD800  }
0xf5: {  	_ =	swait.ge [sflag:s14], $0x2800  }
0xf6: {  	[sflag:s14] =	ssyncset.done $0x0  }
0xf7: {  	s28 =	rddreg [dreg:$0x6];
	[sflag:s14] =	ssyncadd.s32 $0xFFFFD800  }
0xf8: {  	[hbm4b:s28+s2] =	stream.linear.scatter [tilespmem:s7], [sflag:$0x5], $0xA000, $0x38;
	[tilespmem:$0x1E400] =	vst v63  }
0xf9: {  	_ =	swait.ge [sflag:s4], $0xA000  }
0xfa: {  	[sflag:s4] =	ssyncset.done $0x0  }
0xfb: {  	[sflag:s4] =	ssyncadd.s32 $0xFFFF6000  }
0xfc: {  	_ =	swait.ge [sflag:s9], $0x2800  }
0xfd: {  	[sflag:s9] =	ssyncset.done $0x0  }
0xfe: {  	[sflag:s9] =	ssyncadd.s32 $0xFFFFD800  }
0xff: {  	_ =	swait.ge [sflag:s9], $0x2800  }
0x100: {  	[sflag:s9] =	ssyncset.done $0x0  }
0x101: {  	[sflag:s9] =	ssyncadd.s32 $0xFFFFD800  }
0x102: {  	_ =	swait.ge [sflag:s9], $0x2800  }
0x103: {  	[sflag:s9] =	ssyncset.done $0x0  }
0x104: {  	[sflag:s9] =	ssyncadd.s32 $0xFFFFD800  }
0x105: {  	_ =	swait.ge [sflag:s9], $0x2800  }
0x106: {  	[sflag:s9] =	ssyncset.done $0x0  }
0x107: {  	s29 =	rddreg [dreg:$0x7];
	[sflag:s9] =	ssyncadd.s32 $0xFFFFD800  }
0x108: {  	[hbm4b:s29+s2] =	stream.linear.scatter [tilespmem:s5], [sflag:$0x5], $0xA000, $0x38;
	[tilespmem:$0x1E400] =	vst v63  }
0x109: {  	_ =	swait.ge [sflag:s4], $0xA000  }
0x10a: {  	[sflag:s4] =	ssyncset.done $0x0  }
0x10b: {  	[sflag:s4] =	ssyncadd.s32 $0xFFFF6000  }
0x10c: {  	_ =	swait.ge [sflag:s6], $0x2800  }
0x10d: {  	[sflag:s6] =	ssyncset.done $0x0  }
0x10e: {  	[sflag:s6] =	ssyncadd.s32 $0xFFFFD800  }
0x10f: {  	_ =	swait.ge [sflag:s6], $0x2800  }
0x110: {  	[sflag:s6] =	ssyncset.done $0x0  }
0x111: {  	[sflag:s6] =	ssyncadd.s32 $0xFFFFD800  }
0x112: {  	_ =	swait.ge [sflag:s6], $0x2800  }
0x113: {  	[sflag:s6] =	ssyncset.done $0x0  }
0x114: {  	[sflag:s6] =	ssyncadd.s32 $0xFFFFD800  }
0x115: {  	_ =	swait.ge [sflag:s6], $0x2800  }
0x116: {  	[sflag:s6] =	ssyncset.done $0x0  }
0x117: {  	s30 =	rddreg [dreg:$0x8];
	[sflag:s6] =	ssyncadd.s32 $0xFFFFD800  }
0x118: {  	[hbm4b:s30+s2] =	stream.linear.scatter [tilespmem:s3], [sflag:$0x5], $0xA000, $0x38;
	[tilespmem:$0x1E400] =	vst v63  }
0x119: {  	_ =	swait.ge [sflag:s4], $0xA000  }
0x11a: {  	[sflag:s4] =	ssyncset.done $0x0  }
0x11b: {  	[sflag:s4] =	ssyncadd.s32 $0xFFFF6000  }
0x11c: {  	_ =	sfence.sel $0x180000  }
0x11d: {  	[bflag:$0x0] =	sbarrier.arrive $0xFFFF  }
0x11e: {  	_ =	strace $0x9000004A  }
0x11f: {  	s31 =	stileid.u32;
	[bflag:$0x2] =	sbarrier.arrive $0xFFFF  }
0x120: {  	p0 =	sne.s32 s31, $0x0;
	s0 =	rddreg [dreg:$0x2]  }
0x121: {  	s0 =	sadd.s32 @!p0 $0x100000, s0  }
0x122: {  	[sflag:s0] =	ssyncadd.tile.s32 @!p0 $0x1;
	_ =	shalt  }
.LBB2_1:
0x123: {  	s15 =	simm.s32 $0x1BC00;
	s31 =	simm.s32 $0x370  }
.Ltmp3:
0x124: {  	s30 =	simm.s32 $0x19400;
	s29 =	simm.s32 $0x320;
	(pc) =	sbr.rel .LBB2_6-.Ltmp3, $4  }
0x125: {  	s28 =	simm.s32 $0x16C00;
	s26 =	simm.s32 $0x2D0;
	s25 =	simm.s32 $0x11C00  }
0x126: {  	s24 =	simm.s32 $0x230;
	s23 =	simm.s32 $0xF400;
	s22 =	simm.s32 $0x1E0  }
0x127: {  	s21 =	simm.s32 $0xCC00;
	s20 =	simm.s32 $0x190;
	s19 =	simm.s32 $0x7C00  }
0x128: {  	s18 =	simm.s32 $0xF0;
	s17 =	simm.s32 $0x5400;
	s16 =	simm.s32 $0xA0  }
.LBB2_3:
0x129: {  	s15 =	simm.s32 $0x1BC00;
	s31 =	simm.s32 $0x370  }
.Ltmp4:
0x12a: {  	s30 =	simm.s32 $0x19400;
	s29 =	simm.s32 $0x320;
	(pc) =	sbr.rel .LBB2_6-.Ltmp4, $4  }
0x12b: {  	s28 =	simm.s32 $0x16C00;
	s26 =	simm.s32 $0x2D0;
	s25 =	simm.s32 $0x11C00  }
0x12c: {  	s24 =	simm.s32 $0x230;
	s23 =	simm.s32 $0xF400;
	s22 =	simm.s32 $0x1E0  }
0x12d: {  	s21 =	simm.s32 $0xCC00;
	s20 =	simm.s32 $0x190;
	s19 =	simm.s32 $0x7C00  }
0x12e: {  	s18 =	simm.s32 $0xF0;
	s17 =	simm.s32 $0x5400;
	s16 =	simm.s32 $0xA0  }
.Lfunc_end2:
_tile_overlayer_lowered:
.L_overlay_start_2:
0x12f: {  	(tag) =	ssettag $0x2  }
0x130: {  	s0 =	rddreg [dreg:$0x0];
	s2 =	stileid.u32  }
0x131: {  	s1 =	rddreg [dreg:$0x1];
	p0 =	sne.s32 s2, $0x0  }
0x132: {  	s3 =	rddreg [dreg:$0x2];
	[bflag:$0x3] =	sbarrier.arrive $0xFFFF;
	s2 =	simm.s32 @!p0 $0x1C05  }
0x133: {  	[timem:s3], [sflag:s2] =	dma.local @!p0 [hbm:s0], s1  }
0x134: {  	s0 =	simm.s32 @!p0 $0x5  }
0x135: {  	_ =	swait.ge @!p0 [sflag:s0], s1  }
0x136: {  	s1 =	ssub.s32 @!p0 $0x0, s1;
	[sflag:s0] =	ssyncset.done @!p0 $0x0  }
0x137: {  	[sflag:s0] =	ssyncadd.s32 @!p0 s1  }
0x138: {  	[bflag:$0x3] =	sbarrier.arrive $0xFFFF  }
0x139: {  	_ =	shalt  }

// kernel: kernel.15.cloned.1.call-start
scs
__scs_entry_jumppad:
0x0: {  	(pc) =	sbr.rel $0x88, $3  }
0x1: {  	(tag) =	ssettag $0x0;
	lr =	simm.s32 $0x1  }
0x2: {  	[smem:$0x3F84] =	sst lr;
	_ =	strace $0xD0000000  }
0x3: {  	_ = 	snop  }
0x4: {  	_ = 	snop  }
0x5: {  	_ = 	snop  }
0x6: {  	_ = 	snop  }
0x7: {  	_ = 	snop  }
__scs_overlays_trampoline_lowered:
0x8: {  	[smem:$0x3F93] =	sst s0  }
0x9: {  	[smem:$0x3F94] =	sst s1  }
0xa: {  	[smem:$0x3F95] =	sst s2  }
0xb: {  	[smem:$0x3F96] =	sst s3  }
0xc: {  	[smem:$0x3F97] =	sst s4  }
0xd: {  	[smem:$0x3F98] =	sst s5  }
0xe: {  	[smem:$0x3F99] =	sst s6  }
0xf: {  	[smem:$0x3F9A] =	sst s7  }
0x10: {  	[smem:$0x3F9B] =	sst s8  }
0x11: {  	[smem:$0x3F9C] =	sst s9;
	s0 =	simm.s32 @!p0 $0x0  }
0x12: {  	s1 =	sld [smem:$0x3F82];
	s0 =	simm.s32 @p0 $0x1  }
0x13: {  	[smem:$0x3F9D] =	sst s0;
	s0 =	simm.s32 @!p1 $0x0  }
0x14: {  	s2 =	sld [smem:$0x3F81];
	s0 =	simm.s32 @p1 $0x1  }
0x15: {  	[smem:$0x3F9E] =	sst s0;
	s0 =	simm.s32 @!p2 $0x0  }
0x16: {  	s3 =	sld [smem:$0x3FDB];
	s0 =	simm.s32 @p2 $0x1  }
0x17: {  	s4 =	simm.s32 $0x1BF5;
	[smem:$0x3FA0] =	sst s0  }
0x18: {  	s0 =	sld [smem:$0x3F83];
	_ =	swait.ge [sflag:s4], $0x0  }
0x19: {  	s7 =	sld [smem:$0x3F84]  }
0x1a: {  	s8 =	sadd.s32 $0xFFFFE003, lr  }
0x1b: {  	s9 =	sadd.s32 $0xFFFFFEF7, lr;
	s5 =	simm.s32 $0xFFFFFFFF;
	p2 =	slt.u32 s8, $0xFFFFF086  }
0x1c: {  	p1 =	slt.u32 s9, $0xF7A;
	s5 =	simm.s32 @!p2 $0x0  }
0x1d: {  	s5 =	simm.s32 @p1 $0x1;
	p0 =	seq.s32 s7, s2  }
0x1e: {  	s7 =	smul.u32 @!p0 $0xF7A, s2;
	p2 =	seq.s32 @!p0 s5, $0x0  }
0x1f: {  	s9 =	smul.u32 $0xF7A, s1;
	s8 =	simm.s32 @!p0 $0x1BF5;
	p2 =	por !p2, p0  }
0x20: {  	[sflag:s8] =	ssyncset.s32 @!p0 $0xFFFFF086;
	s6 =	sadd.s32 @!p0 s3, s7;
	s7 =	simm.s32 @!p0 $0x108  }
0x21: {  	s3 =	sadd.s32 s3, s9;
	s6 =	sadd.s32 @!p0 $0x88, s6;
	s7 =	simm.s32 @p2 $0x1082  }
0x22: {  	[simem:s7], [sflag:s8] =	dma.local @!p0 [hbm:s6], $0xF7A  }
0x23: {  	s9 =	sor.u32 $0xD0000000, s2;
	s6 =	simm.s32 $0x108;
	_ =	swait.ge @!p0 [sflag:s8], $0x0  }
0x24: {  	s3 =	sadd.s32 $0x88, s3;
	s6 =	simm.s32 @!p1 $0x1082;
	[sflag:s4] =	ssyncset.s32 $0xFFFFF086  }
0x25: {  	[simem:s6], [sflag:s4] =	dma.local [hbm:s3], $0xF7A  }
0x26: {  	[smem:$0x3F84] =	sst s1;
	(tag) =	ssettag s2;
	_ =	strace s9  }
0x27: {  	s1 =	sld [smem:$0x3F94]  }
0x28: {  	s2 =	sld [smem:$0x3F95]  }
0x29: {  	s4 =	sld [smem:$0x3F97]  }
0x2a: {  	p0 =	seq.s32 s5, $0x0;
	s5 =	sld [smem:$0x3F98]  }
0x2b: {  	s6 =	sld [smem:$0x3F99]  }
0x2c: {  	s7 =	sld [smem:$0x3F9A]  }
0x2d: {  	s3 =	simm.s32 $0x108;
	s8 =	sld [smem:$0x3F9B]  }
0x2e: {  	s3 =	simm.s32 @!p0 $0x1082;
	s9 =	sld [smem:$0x3F9C]  }
0x2f: {  	lr =	sadd.s32 s0, s3;
	s0 =	sld [smem:$0x3F93]  }
0x30: {  	s3 =	sld [smem:$0x3F96]  }
0x31: {  	[smem:$0x3F9F] =	sst s10  }
0x32: {  	s10 =	sld [smem:$0x3F9D];
	_ =	sdelay $0x3  }
0x33: {  	p0 =	seq.s32 s10, $0x1;
	s10 =	sld [smem:$0x3F9F];
	_ =	sdelay $0x3  }
0x34: {  	[smem:$0x3F9F] =	sst s10  }
0x35: {  	s10 =	sld [smem:$0x3F9E];
	_ =	sdelay $0x3  }
0x36: {  	p1 =	seq.s32 s10, $0x1;
	s10 =	sld [smem:$0x3F9F];
	_ =	sdelay $0x3  }
0x37: {  	[smem:$0x3F9F] =	sst s10  }
0x38: {  	s10 =	sld [smem:$0x3FA0]  }
0x39: {  	_ = 	snop;
	(pc) =	sbr.ind lr, $3  }
0x3a: {  	_ = 	snop  }
0x3b: {  	_ = 	snop  }
0x3c: {  	p2 =	seq.s32 s10, $0x1;
	s10 =	sld [smem:$0x3F9F]  }
0x3d: {  	_ =	shalt  }
0x3e: {  	_ =	shalt  }
0x3f: {  	_ =	shalt  }
0x40: {  	_ =	shalt  }
0x41: {  	_ =	shalt  }
0x42: {  	_ =	shalt  }
0x43: {  	_ =	shalt  }
0x44: {  	_ =	shalt  }
0x45: {  	_ =	shalt  }
0x46: {  	_ =	shalt  }
0x47: {  	_ =	shalt  }
0x48: {  	_ =	shalt  }
0x49: {  	_ =	shalt  }
0x4a: {  	_ =	shalt  }
0x4b: {  	_ =	shalt  }
0x4c: {  	_ =	shalt  }
0x4d: {  	_ =	shalt  }
0x4e: {  	_ =	shalt  }
0x4f: {  	_ =	shalt  }
0x50: {  	_ =	shalt  }
0x51: {  	_ =	shalt  }
0x52: {  	_ =	shalt  }
0x53: {  	_ =	shalt  }
0x54: {  	_ =	shalt  }
0x55: {  	_ =	shalt  }
0x56: {  	_ =	shalt  }
0x57: {  	_ =	shalt  }
0x58: {  	_ =	shalt  }
0x59: {  	_ =	shalt  }
0x5a: {  	_ =	shalt  }
0x5b: {  	_ =	shalt  }
0x5c: {  	_ =	shalt  }
0x5d: {  	_ =	shalt  }
0x5e: {  	_ =	shalt  }
0x5f: {  	_ =	shalt  }
0x60: {  	_ =	shalt  }
0x61: {  	_ =	shalt  }
0x62: {  	_ =	shalt  }
0x63: {  	_ =	shalt  }
0x64: {  	_ =	shalt  }
0x65: {  	_ =	shalt  }
0x66: {  	_ =	shalt  }
0x67: {  	_ =	shalt  }
0x68: {  	_ =	shalt  }
0x69: {  	_ =	shalt  }
0x6a: {  	_ =	shalt  }
0x6b: {  	_ =	shalt  }
0x6c: {  	_ =	shalt  }
0x6d: {  	_ =	shalt  }
0x6e: {  	_ =	shalt  }
0x6f: {  	_ =	shalt  }
0x70: {  	_ =	shalt  }
0x71: {  	_ =	shalt  }
0x72: {  	_ =	shalt  }
0x73: {  	_ =	shalt  }
0x74: {  	_ =	shalt  }
0x75: {  	_ =	shalt  }
0x76: {  	_ =	shalt  }
0x77: {  	_ =	shalt  }
0x78: {  	_ =	shalt  }
0x79: {  	_ =	shalt  }
0x7a: {  	_ =	shalt  }
0x7b: {  	_ =	shalt  }
0x7c: {  	_ =	shalt  }
0x7d: {  	_ =	shalt  }
0x7e: {  	_ =	shalt  }
0x7f: {  	_ =	shalt  }
0x80: {  	_ =	shalt  }
0x81: {  	_ =	shalt  }
0x82: {  	_ =	shalt  }
0x83: {  	_ =	shalt  }
0x84: {  	_ =	shalt  }
0x85: {  	_ =	shalt  }
0x86: {  	_ =	shalt  }
0x87: {  	_ =	shalt  }
.Lfunc_end0:
.L_simem_size_0:
called_computation.2_lowered:
.L_overlay_start_0:
0x88: {  	s2 =	sld [smem:$0x3FD9]  }
0x89: {  	s3 =	sld [smem:$0x3FFE];
	_ =	sdelay $0x1  }
0x8a: {  	s1 =	srdreg.scid  }
0x8b: {  	s0 =	sand.u32 $0x1, s1  }
0x8c: {  	s17 =	sshll.u32 s0, $0xA;
	s2 =	sadd.s32 s3, s2  }
0x8d: {  	s2 =	sadd.s32 s2, s17  }
0x8e: {  	[smem:$0x3FAB] =	sst s2  }
0x8f: {  	_ = 	snop  }
0x90: {  	s2 =	sld [smem:$0x3FD0];
	(tm) =	ssettm $0x1  }
0x91: {  	s18 =	sld [smem:$0x3FFB];
	_ =	sdelay $0x3  }
0x92: {  	_ =	strace s18  }
0x93: {  	s3 =	sld [smem:$0x3FFC];
	_ =	sdelay $0x3  }
0x94: {  	_ =	strace s3  }
0x95: {  	s3 =	sld [smem:$0x3FFD];
	_ =	sdelay $0x3  }
0x96: {  	_ =	strace s3  }
0x97: {  	_ =	strace $0x8FFFFFFF  }
0x98: {  	s19 =	sld [smem:$0x3FDB];
	_ =	sdelay $0x1  }
0x99: {  	s4 =	simm.s32 $_scs_section_size  }
0x9a: {  	s5 =	simm.s32 $_size__tile_overlayer_lowered;
	s6 =	simm.s32 $_tile_overlayer_lowered  }
0x9b: {  	s22 =	simm.s32 $0x1BFF;
	s21 =	sshll.u32 s6, $0x1;
	s3 =	sadd.s32 s4, s19  }
0x9c: {  	s7 =	simm.s32 $0x0;
	s20 =	sshll.u32 s5, $0x1;
	s5 =	sadd.s32 s21, s3  }
0x9d: {  	[timem:s7], [sflag:s22] =	dma.local [hbm:s5], s20  }
0x9e: {  	_ =	swait.ge [sflag:s22], s20  }
0x9f: {  	s4 =	ssub.s32 $0x0, s20;
	[sflag:s22] =	ssyncset.done $0x0  }
0xa0: {  	[sflag:s22] =	ssyncadd.s32 s4;
	_ =	sdelay $0x1  }
0xa1: {  	s23 =	simm.s32 $0x1B8B  }
0xa2: {  	_ =	swait.ge [sflag:s23], $0x1  }
0xa3: {  	[sflag:s23] =	ssyncset.done $0x0  }
0xa4: {  	s25 =	simm.s32 $0x1B8E;
	s24 =	sld [smem:$0x3FFE];
	[sflag:s23] =	ssyncadd.s32 $0xFFFFFFFF  }
0xa5: {  	s26 =	simm.s32 $execute0_lowered;
	[smem:$0x3FD2] =	sst s25  }
0xa6: {  	s5 =	sshll.u32 s26, $0x1;
	_ =	strace $0x8000004C;
	[dreg:$0x1] =	wrdreg $0xFFFFFFFF  }
0xa7: {  	s28 =	simm.s32 $_size_execute0_lowered;
	s3 =	sadd.s32 s3, s5;
	[dreg:$0x0] =	wrdreg $0x0  }
0xa8: {  	s5 =	sshll.u32 s28, $0x1;
	[dreg:$0x2] =	wrdreg s3  }
0xa9: {  	[dreg:$0x3] =	wrdreg s5  }
0xaa: {  	[dreg:$0x4] =	wrdreg $0xC0  }
0xab: {  	_ =	task [dreg:s7], $0x5FFFF  }
0xac: {  	[dreg:$0x1] =	wrdreg $0xFFFFFFFF  }
0xad: {  	[dreg:$0x0] =	wrdreg $0x60  }
0xae: {  	[dreg:$0x2] =	wrdreg s24  }
0xaf: {  	[dreg:$0x3] =	wrdreg s2  }
0xb0: {  	[dreg:$0x4] =	wrdreg $0x9  }
0xb1: {  	_ =	task.clear_ibuf [dreg:s7], $0x5FFFF;
	_ =	strace $0x9000004C  }
0xb2: {  	s29 =	simm.s32 $0x9;
	_ =	strace $0x8000004E  }
0xb3: {  	_ =	swait.ge [sflag:s29], $0x1  }
0xb4: {  	[sflag:s29] =	ssyncadd.s32 $0xFFFFFFFF  }
0xb5: {  	_ =	strace $0x9000004E  }
0xb6: {  	_ =	sfence  }
0xb7: {  	s30 =	sld [smem:$0x0];
	_ =	sdelay $0x2  }
0xb8: {  	s31 =	sshll.u32 s1, $0xD;
	s1 =	sshrl.u32 s1, $0x2  }
0xb9: {  	s3 =	sand.u32 $0x4000, s31;
	s1 =	sadd.s32 s1, s30  }
0xba: {  	s0 =	sor.u32 s3, s0;
	s1 =	sshll.u32 s1, $0x11  }
0xbb: {  	s0 =	sor.u32 s1, s0  }
0xbc: {  	s0 =	sadd.s32 $0x8F2B, s0  }
0xbd: {  	[sflag:s0] =	ssyncadd.remote.s32 $0x1  }
0xbe: {  	_ =	sfence.sel $0xFFFF  }
0xbf: {  	[dreg:$0x0] =	wrdreg $0xFFFFFFFF;
	(pc) =	sbr.abs _section_cstart, $3  }
0xc0: {  	[dreg:$0x1] =	wrdreg $0xFFFFFFFF  }
0xc1: {  	_ =	task.clear_ibuf [dreg:s7], $0x2FFFF;
	_ =	strace $0x9FFFFFFF  }
0xc2: {  	(tm) =	ssettm $0x7FFFFFFF  }
0xc3: {  	_ =	shalt  }
tec
execute0_lowered:
.L_overlay_start_1:
0x0: {  	(tag) =	ssettag $0x1  }
0x1: {  	s0 =	srdreg.scid;
	s3 =	rddreg [dreg:$0x0]  }
0x2: {  	s1 =	stileid.u32;
	s4 =	rddreg [dreg:$0x1]  }
0x3: {  	s2 =	simm.s32 $0x0;
	s12 =	simm.s32 $0x140;
	s11 =	simm.s32 $0x280  }
0x4: {  	s13 =	simm.s32 $0x1;
	s10 =	simm.s32 $0x50;
	s26 =	simm.s32 $0x2C00  }
0x5: {  	s17 =	simm.s32 $0x5400;
	s18 =	simm.s32 $0xF0;
	s19 =	simm.s32 $0x7C00  }
0x6: {  	s20 =	simm.s32 $0x190;
	s21 =	simm.s32 $0xCC00;
	s22 =	simm.s32 $0x1E0  }
0x7: {  	s28 =	simm.s32 $0x16C00;
	s29 =	simm.s32 $0x320;
	s30 =	simm.s32 $0x19400  }
0x8: {  	p0 =	por $0x0, $0x0;
	s31 =	simm.s32 $0x370;
	s16 =	simm.s32 $0x1BC00  }
0x9: {  	s14 =	simm.s32 $0x2;
	s0 =	sand.u32 $0x1, s0;
	s1 =	sshll.u32 s1, $0x1  }
0xa: {  	s9 =	simm.s32 $0x3;
	[smem:$0x7FF] =	sst s2;
	s1 =	sor.u32 s0, s1  }
0xb: {  	s8 =	sadd.s32 $0x5800, s3;
	s0 =	ssub.s32 $0x2, s0;
	s5 =	smul.u32 $0x28, s1  }
0xc: {  	_ =	strace $0x8000004D;
	s1 =	smul.u32 $0x1400, s1;
	s24 =	sshrl.u32 s0, $0x1  }
0xd: {  	[dreg:$0x9] =	wrdreg s26;
	s26 =	simm.s32 $0x2D0;
	s0 =	ssub.s32 s0, s24  }
0xe: {  	s24 =	simm.s32 $0x230;
	s6 =	sadd.s32 s5, s3;
	s1 =	sadd.s32 s1, s3  }
0xf: {  	s4 =	sadd.s32 s4, s5;
	s0 =	smax.u32 s0, $0x1;
	s5 =	simm.s32 $0xA400  }
0x10: {  	s3 =	simm.s32 $0x14400;
	s7 =	sadd.s32 $0x5200, s6;
	[dreg:$0x5] =	wrdreg s4  }
0x11: {  	s6 =	sadd.s32 $0x4C00, s6;
	p1 =	sne.s32 s0, $0x1;
	[dreg:$0x3] =	wrdreg s7  }
.Ltmp0:
0x12: {  	s23 =	sadd.s32 $0xA5800, s1;
	[dreg:$0x4] =	wrdreg s6;
	(pc) =	sbr.rel @!p1 .LBB2_1-.Ltmp0, $4  }
0x13: {  	s25 =	sadd.s32 $0xCD800, s1;
	s1 =	sadd.s32 $0xF5800, s1;
	[dreg:$0x6] =	wrdreg s23  }
0x14: {  	s15 =	sadd.s32 $0xFFFFFFFF, s0;
	s4 =	simm.s32 $0x5;
	[dreg:$0x7] =	wrdreg s25  }
0x15: {  	[dreg:$0x8] =	wrdreg s1;
	s7 =	simm.s32 $0x400;
	s23 =	simm.s32 $0xF400  }
0x16: {  	s25 =	simm.s32 $0x11C00;
	s6 =	simm.s32 $0x4;
	s0 =	rddreg [dreg:$0x3]  }
0x17: {  	[tilespmem:s2], [sflag:$0x1] =	stream.linear.gather [hbm4b:s0+s2], $0x140, $0x38;
	[tilespmem:$0x1E400] =	vst v63  }
0x18: {  	s1 =	rddreg [dreg:$0x4]  }
0x19: {  	[tilespmem:s12], [sflag:$0x1] =	stream.linear.gather [hbm4b:s1+s2], $0x140, $0x38;
	[tilespmem:$0x1E400] =	vst v63  }
0x1a: {  	s0 =	rddreg [dreg:$0x5]  }
0x1b: {  	[tilespmem:s11], [sflag:$0x1] =	stream.linear.gather [hbm4b:s0+s2], $0x140, $0x38;
	[tilespmem:$0x1E400] =	vst v63  }
0x1c: {  	_ =	swait.ge [sflag:s13], $0x140  }
0x1d: {  	[sflag:s13] =	ssyncset.done $0x0  }
0x1e: {  	[sflag:s13] =	ssyncadd.s32 $0xFFFFFEC0  }
0x1f: {  	_ =	swait.ge [sflag:s13], $0x140  }
0x20: {  	[sflag:s13] =	ssyncset.done $0x0  }
0x21: {  	[sflag:s13] =	ssyncadd.s32 $0xFFFFFEC0  }
0x22: {  	_ =	swait.ge [sflag:s13], $0x140  }
0x23: {  	[sflag:s13] =	ssyncset.done $0x0  }
0x24: {  	[sflag:s13] =	ssyncadd.s32 $0xFFFFFEC0  }
0x25: {  	[tilespmem:s7], [sflag:$0x2] =	stream.indirect.gather [hbm4b:s8+s10], $0x80, s2, s10, $0xb8;
	[tilespmem:$0x1E400] =	vst v63  }
0x26: {  	s1 =	rddreg [dreg:$0x9]  }
0x27: {  	[tilespmem:s1], [sflag:$0x2] =	stream.indirect.gather [hbm4b:s8+s10], $0x80, s10, s10, $0xb8;
	[tilespmem:$0x1E400] =	vst v63  }
0x28: {  	s1 =	simm.s32 $0xA0  }
0x29: {  	[tilespmem:s17], [sflag:$0x2] =	stream.indirect.gather [hbm4b:s8+s10], $0x80, s1, s10, $0xb8;
	[tilespmem:$0x1E400] =	vst v63  }
0x2a: {  	_ = 	snop  }
0x2b: {  	[tilespmem:s19], [sflag:$0x2] =	stream.indirect.gather [hbm4b:s8+s10], $0x80, s18, s10, $0xb8;
	[tilespmem:$0x1E400] =	vst v63  }
0x2c: {  	_ = 	snop  }
0x2d: {  	[tilespmem:s5], [sflag:$0x3] =	stream.indirect.gather [hbm4b:s8+s10], $0x80, s12, s10, $0xb8;
	[tilespmem:$0x1E400] =	vst v63  }
0x2e: {  	_ = 	snop  }
0x2f: {  	[tilespmem:s21], [sflag:$0x3] =	stream.indirect.gather [hbm4b:s8+s10], $0x80, s20, s10, $0xb8;
	[tilespmem:$0x1E400] =	vst v63  }
0x30: {  	_ = 	snop  }
0x31: {  	[tilespmem:s23], [sflag:$0x3] =	stream.indirect.gather [hbm4b:s8+s10], $0x80, s22, s10, $0xb8;
	[tilespmem:$0x1E400] =	vst v63  }
0x32: {  	_ = 	snop  }
0x33: {  	[tilespmem:s25], [sflag:$0x3] =	stream.indirect.gather [hbm4b:s8+s10], $0x80, s24, s10, $0xb8;
	[tilespmem:$0x1E400] =	vst v63  }
0x34: {  	_ = 	snop  }
0x35: {  	[tilespmem:s3], [sflag:$0x4] =	stream.indirect.gather [hbm4b:s8+s10], $0x80, s11, s10, $0xb8;
	[tilespmem:$0x1E400] =	vst v63  }
0x36: {  	_ = 	snop  }
0x37: {  	[tilespmem:s28], [sflag:$0x4] =	stream.indirect.gather [hbm4b:s8+s10], $0x80, s26, s10, $0xb8;
	[tilespmem:$0x1E400] =	vst v63  }
0x38: {  	_ = 	snop  }
0x39: {  	[tilespmem:s30], [sflag:$0x4] =	stream.indirect.gather [hbm4b:s8+s10], $0x80, s29, s10, $0xb8;
	[tilespmem:$0x1E400] =	vst v63  }
0x3a: {  	_ = 	snop  }
0x3b: {  	[tilespmem:s16], [sflag:$0x4] =	stream.indirect.gather [hbm4b:s8+s10], $0x80, s31, s10, $0xb8;
	[tilespmem:$0x1E400] =	vst v63  }
0x3c: {  	_ =	swait.ge [sflag:s14], $0x2800  }
0x3d: {  	[sflag:s14] =	ssyncset.done $0x0  }
0x3e: {  	[sflag:s14] =	ssyncadd.s32 $0xFFFFD800  }
0x3f: {  	_ =	swait.ge [sflag:s14], $0x2800  }
0x40: {  	[sflag:s14] =	ssyncset.done $0x0  }
0x41: {  	[sflag:s14] =	ssyncadd.s32 $0xFFFFD800  }
0x42: {  	_ =	swait.ge [sflag:s14], $0x2800  }
0x43: {  	[sflag:s14] =	ssyncset.done $0x0  }
0x44: {  	[sflag:s14] =	ssyncadd.s32 $0xFFFFD800  }
0x45: {  	_ =	swait.ge [sflag:s14], $0x2800  }
0x46: {  	[sflag:s14] =	ssyncset.done $0x0  }
0x47: {  	s1 =	rddreg [dreg:$0x6];
	[sflag:s14] =	ssyncadd.s32 $0xFFFFD800  }
0x48: {  	[hbm4b:s1+s2] =	stream.linear.scatter [tilespmem:s7], [sflag:$0x5], $0xA000, $0x38;
	[tilespmem:$0x1E400] =	vst v63  }
0x49: {  	_ =	swait.ge [sflag:s4], $0xA000  }
0x4a: {  	[sflag:s4] =	ssyncset.done $0x0  }
0x4b: {  	[sflag:s4] =	ssyncadd.s32 $0xFFFF6000  }
0x4c: {  	_ =	swait.ge [sflag:s9], $0x2800  }
0x4d: {  	[sflag:s9] =	ssyncset.done $0x0  }
0x4e: {  	[sflag:s9] =	ssyncadd.s32 $0xFFFFD800  }
0x4f: {  	_ =	swait.ge [sflag:s9], $0x2800  }
0x50: {  	[sflag:s9] =	ssyncset.done $0x0  }
0x51: {  	[sflag:s9] =	ssyncadd.s32 $0xFFFFD800  }
0x52: {  	_ =	swait.ge [sflag:s9], $0x2800  }
0x53: {  	[sflag:s9] =	ssyncset.done $0x0  }
0x54: {  	[sflag:s9] =	ssyncadd.s32 $0xFFFFD800  }
0x55: {  	_ =	swait.ge [sflag:s9], $0x2800  }
0x56: {  	[sflag:s9] =	ssyncset.done $0x0  }
0x57: {  	s1 =	rddreg [dreg:$0x7];
	[sflag:s9] =	ssyncadd.s32 $0xFFFFD800  }
0x58: {  	[hbm4b:s1+s2] =	stream.linear.scatter [tilespmem:s5], [sflag:$0x5], $0xA000, $0x38;
	[tilespmem:$0x1E400] =	vst v63  }
0x59: {  	_ =	swait.ge [sflag:s4], $0xA000  }
0x5a: {  	[sflag:s4] =	ssyncset.done $0x0  }
0x5b: {  	[sflag:s4] =	ssyncadd.s32 $0xFFFF6000  }
0x5c: {  	_ =	swait.ge [sflag:s6], $0x2800  }
0x5d: {  	[sflag:s6] =	ssyncset.done $0x0  }
0x5e: {  	[sflag:s6] =	ssyncadd.s32 $0xFFFFD800  }
0x5f: {  	_ =	swait.ge [sflag:s6], $0x2800  }
0x60: {  	[sflag:s6] =	ssyncset.done $0x0  }
0x61: {  	[sflag:s6] =	ssyncadd.s32 $0xFFFFD800  }
0x62: {  	_ =	swait.ge [sflag:s6], $0x2800  }
0x63: {  	[sflag:s6] =	ssyncset.done $0x0  }
0x64: {  	[sflag:s6] =	ssyncadd.s32 $0xFFFFD800  }
0x65: {  	p1 =	sne.s32 s15, $0x1;
	_ =	swait.ge [sflag:s6], $0x2800  }
.Ltmp1:
0x66: {  	[sflag:s6] =	ssyncset.done $0x0;
	(pc) =	sbr.rel @!p1 .LBB2_3-.Ltmp1, $4  }
0x67: {  	s1 =	rddreg [dreg:$0x8];
	[sflag:s6] =	ssyncadd.s32 $0xFFFFD800  }
0x68: {  	[hbm4b:s1+s2] =	stream.linear.scatter [tilespmem:s3], [sflag:$0x5], $0xA000, $0x38;
	[tilespmem:$0x1E400] =	vst v63  }
0x69: {  	p0 =	por $0x1, $0x1;
	_ =	swait.ge [sflag:s4], $0xA000  }
0x6a: {  	s1 =	sadd.s32 $0xFFFFFFFF, s15;
	s0 =	rddreg [dreg:$0x3];
	[sflag:s4] =	ssyncset.done $0x0  }
.LBB2_4:
0x6b: {  	[sflag:s4] =	ssyncadd.s32 $0xFFFF6000  }
0x6c: {  	[tilespmem:s2], [sflag:$0x1] =	stream.linear.gather [hbm4b:s0+s2], $0x140, $0x38;
	[tilespmem:$0x1E400] =	vst v63  }
0x6d: {  	s15 =	rddreg [dreg:$0x4]  }
0x6e: {  	[tilespmem:s12], [sflag:$0x1] =	stream.linear.gather [hbm4b:s15+s2], $0x140, $0x38;
	[tilespmem:$0x1E400] =	vst v63  }
0x6f: {  	s0 =	rddreg [dreg:$0x5]  }
0x70: {  	[tilespmem:s11], [sflag:$0x1] =	stream.linear.gather [hbm4b:s0+s2], $0x140, $0x38;
	[tilespmem:$0x1E400] =	vst v63  }
0x71: {  	_ =	swait.ge [sflag:s13], $0x140  }
0x72: {  	[sflag:s13] =	ssyncset.done $0x0  }
0x73: {  	[sflag:s13] =	ssyncadd.s32 $0xFFFFFEC0  }
0x74: {  	_ =	swait.ge [sflag:s13], $0x140  }
0x75: {  	[sflag:s13] =	ssyncset.done $0x0  }
0x76: {  	[sflag:s13] =	ssyncadd.s32 $0xFFFFFEC0  }
0x77: {  	_ =	swait.ge [sflag:s13], $0x140  }
0x78: {  	[sflag:s13] =	ssyncset.done $0x0  }
0x79: {  	[sflag:s13] =	ssyncadd.s32 $0xFFFFFEC0  }
0x7a: {  	[tilespmem:s7], [sflag:$0x2] =	stream.indirect.gather [hbm4b:s8+s10], $0x80, s2, s10, $0xb8;
	[tilespmem:$0x1E400] =	vst v63  }
0x7b: {  	s15 =	rddreg [dreg:$0x9]  }
0x7c: {  	[tilespmem:s15], [sflag:$0x2] =	stream.indirect.gather [hbm4b:s8+s10], $0x80, s10, s10, $0xb8;
	[tilespmem:$0x1E400] =	vst v63  }
0x7d: {  	s15 =	simm.s32 $0xA0  }
0x7e: {  	[tilespmem:s17], [sflag:$0x2] =	stream.indirect.gather [hbm4b:s8+s10], $0x80, s15, s10, $0xb8;
	[tilespmem:$0x1E400] =	vst v63  }
0x7f: {  	_ = 	snop  }
0x80: {  	[tilespmem:s19], [sflag:$0x2] =	stream.indirect.gather [hbm4b:s8+s10], $0x80, s18, s10, $0xb8;
	[tilespmem:$0x1E400] =	vst v63  }
0x81: {  	_ = 	snop  }
0x82: {  	[tilespmem:s5], [sflag:$0x3] =	stream.indirect.gather [hbm4b:s8+s10], $0x80, s12, s10, $0xb8;
	[tilespmem:$0x1E400] =	vst v63  }
0x83: {  	_ = 	snop  }
0x84: {  	[tilespmem:s21], [sflag:$0x3] =	stream.indirect.gather [hbm4b:s8+s10], $0x80, s20, s10, $0xb8;
	[tilespmem:$0x1E400] =	vst v63  }
0x85: {  	_ = 	snop  }
0x86: {  	[tilespmem:s23], [sflag:$0x3] =	stream.indirect.gather [hbm4b:s8+s10], $0x80, s22, s10, $0xb8;
	[tilespmem:$0x1E400] =	vst v63  }
0x87: {  	_ = 	snop  }
0x88: {  	[tilespmem:s25], [sflag:$0x3] =	stream.indirect.gather [hbm4b:s8+s10], $0x80, s24, s10, $0xb8;
	[tilespmem:$0x1E400] =	vst v63  }
0x89: {  	_ = 	snop  }
0x8a: {  	[tilespmem:s3], [sflag:$0x4] =	stream.indirect.gather [hbm4b:s8+s10], $0x80, s11, s10, $0xb8;
	[tilespmem:$0x1E400] =	vst v63  }
0x8b: {  	_ = 	snop  }
0x8c: {  	[tilespmem:s28], [sflag:$0x4] =	stream.indirect.gather [hbm4b:s8+s10], $0x80, s26, s10, $0xb8;
	[tilespmem:$0x1E400] =	vst v63  }
0x8d: {  	_ = 	snop  }
0x8e: {  	[tilespmem:s30], [sflag:$0x4] =	stream.indirect.gather [hbm4b:s8+s10], $0x80, s29, s10, $0xb8;
	[tilespmem:$0x1E400] =	vst v63  }
0x8f: {  	_ = 	snop  }
0x90: {  	[tilespmem:s16], [sflag:$0x4] =	stream.indirect.gather [hbm4b:s8+s10], $0x80, s31, s10, $0xb8;
	[tilespmem:$0x1E400] =	vst v63  }
0x91: {  	_ =	swait.ge [sflag:s14], $0x2800  }
0x92: {  	[sflag:s14] =	ssyncset.done $0x0  }
0x93: {  	[sflag:s14] =	ssyncadd.s32 $0xFFFFD800  }
0x94: {  	_ =	swait.ge [sflag:s14], $0x2800  }
0x95: {  	[sflag:s14] =	ssyncset.done $0x0  }
0x96: {  	[sflag:s14] =	ssyncadd.s32 $0xFFFFD800  }
0x97: {  	_ =	swait.ge [sflag:s14], $0x2800  }
0x98: {  	[sflag:s14] =	ssyncset.done $0x0  }
0x99: {  	[sflag:s14] =	ssyncadd.s32 $0xFFFFD800  }
0x9a: {  	_ =	swait.ge [sflag:s14], $0x2800  }
0x9b: {  	[sflag:s14] =	ssyncset.done $0x0  }
0x9c: {  	s15 =	rddreg [dreg:$0x6];
	[sflag:s14] =	ssyncadd.s32 $0xFFFFD800  }
0x9d: {  	[hbm4b:s15+s2] =	stream.linear.scatter [tilespmem:s7], [sflag:$0x5], $0xA000, $0x38;
	[tilespmem:$0x1E400] =	vst v63  }
0x9e: {  	_ =	swait.ge [sflag:s4], $0xA000  }
0x9f: {  	[sflag:s4] =	ssyncset.done $0x0  }
0xa0: {  	[sflag:s4] =	ssyncadd.s32 $0xFFFF6000  }
0xa1: {  	_ =	swait.ge [sflag:s9], $0x2800  }
0xa2: {  	[sflag:s9] =	ssyncset.done $0x0  }
0xa3: {  	[sflag:s9] =	ssyncadd.s32 $0xFFFFD800  }
0xa4: {  	_ =	swait.ge [sflag:s9], $0x2800  }
0xa5: {  	[sflag:s9] =	ssyncset.done $0x0  }
0xa6: {  	[sflag:s9] =	ssyncadd.s32 $0xFFFFD800  }
0xa7: {  	_ =	swait.ge [sflag:s9], $0x2800  }
0xa8: {  	[sflag:s9] =	ssyncset.done $0x0  }
0xa9: {  	[sflag:s9] =	ssyncadd.s32 $0xFFFFD800  }
0xaa: {  	_ =	swait.ge [sflag:s9], $0x2800  }
0xab: {  	[sflag:s9] =	ssyncset.done $0x0  }
0xac: {  	s15 =	rddreg [dreg:$0x7];
	[sflag:s9] =	ssyncadd.s32 $0xFFFFD800  }
0xad: {  	[hbm4b:s15+s2] =	stream.linear.scatter [tilespmem:s5], [sflag:$0x5], $0xA000, $0x38;
	[tilespmem:$0x1E400] =	vst v63  }
0xae: {  	_ =	swait.ge [sflag:s4], $0xA000  }
0xaf: {  	[sflag:s4] =	ssyncset.done $0x0  }
0xb0: {  	[sflag:s4] =	ssyncadd.s32 $0xFFFF6000  }
0xb1: {  	_ =	swait.ge [sflag:s6], $0x2800  }
0xb2: {  	[sflag:s6] =	ssyncset.done $0x0  }
0xb3: {  	[sflag:s6] =	ssyncadd.s32 $0xFFFFD800  }
0xb4: {  	_ =	swait.ge [sflag:s6], $0x2800  }
0xb5: {  	[sflag:s6] =	ssyncset.done $0x0  }
0xb6: {  	[sflag:s6] =	ssyncadd.s32 $0xFFFFD800  }
0xb7: {  	_ =	swait.ge [sflag:s6], $0x2800  }
0xb8: {  	[sflag:s6] =	ssyncset.done $0x0  }
0xb9: {  	[sflag:s6] =	ssyncadd.s32 $0xFFFFD800  }
0xba: {  	p1 =	sne.s32 s1, $0x1;
	_ =	swait.ge [sflag:s6], $0x2800  }
.Ltmp2:
0xbb: {  	[sflag:s6] =	ssyncset.done $0x0;
	(pc) =	sbr.rel @p1 .LBB2_4-.Ltmp2, $4  }
0xbc: {  	s15 =	rddreg [dreg:$0x8];
	[sflag:s6] =	ssyncadd.s32 $0xFFFFD800  }
0xbd: {  	[hbm4b:s15+s2] =	stream.linear.scatter [tilespmem:s3], [sflag:$0x5], $0xA000, $0x38;
	[tilespmem:$0x1E400] =	vst v63  }
0xbe: {  	_ =	swait.ge [sflag:s4], $0xA000  }
0xbf: {  	s1 =	sadd.s32 $0xFFFFFFFF, s1;
	s0 =	rddreg [dreg:$0x3];
	[sflag:s4] =	ssyncset.done $0x0  }
0xc0: {  	s15 =	simm.s32 $0x1BC00  }
0xc1: {  	s31 =	simm.s32 $0x370;
	s30 =	simm.s32 $0x19400;
	s29 =	simm.s32 $0x320  }
0xc2: {  	s28 =	simm.s32 $0x16C00;
	s26 =	simm.s32 $0x2D0;
	s25 =	simm.s32 $0x11C00  }
0xc3: {  	s24 =	simm.s32 $0x230;
	s23 =	simm.s32 $0xF400;
	s22 =	simm.s32 $0x1E0  }
0xc4: {  	s21 =	simm.s32 $0xCC00;
	s20 =	simm.s32 $0x190;
	s19 =	simm.s32 $0x7C00  }
0xc5: {  	s18 =	simm.s32 $0xF0;
	s17 =	simm.s32 $0x5400;
	s16 =	simm.s32 $0xA0  }
.LBB2_6:
0xc6: {  	[sflag:s4] =	ssyncadd.s32 @p0 $0xFFFF6000  }
0xc7: {  	[tilespmem:s2], [sflag:$0x1] =	stream.linear.gather [hbm4b:s0+s2], $0x140, $0x38;
	[tilespmem:$0x1E400] =	vst v63  }
0xc8: {  	s1 =	rddreg [dreg:$0x4]  }
0xc9: {  	[tilespmem:s12], [sflag:$0x1] =	stream.linear.gather [hbm4b:s1+s2], $0x140, $0x38;
	[tilespmem:$0x1E400] =	vst v63  }
0xca: {  	s0 =	rddreg [dreg:$0x5]  }
0xcb: {  	[tilespmem:s11], [sflag:$0x1] =	stream.linear.gather [hbm4b:s0+s2], $0x140, $0x38;
	[tilespmem:$0x1E400] =	vst v63  }
0xcc: {  	_ =	swait.ge [sflag:s13], $0x140  }
0xcd: {  	[sflag:s13] =	ssyncset.done $0x0  }
0xce: {  	[sflag:s13] =	ssyncadd.s32 $0xFFFFFEC0  }
0xcf: {  	_ =	swait.ge [sflag:s13], $0x140  }
0xd0: {  	[sflag:s13] =	ssyncset.done $0x0  }
0xd1: {  	[sflag:s13] =	ssyncadd.s32 $0xFFFFFEC0  }
0xd2: {  	_ =	swait.ge [sflag:s13], $0x140  }
0xd3: {  	[sflag:s13] =	ssyncset.done $0x0  }
0xd4: {  	[sflag:s13] =	ssyncadd.s32 $0xFFFFFEC0  }
0xd5: {  	[tilespmem:s7], [sflag:$0x2] =	stream.indirect.gather [hbm4b:s8+s10], $0x80, s2, s10, $0xb8;
	[tilespmem:$0x1E400] =	vst v63  }
0xd6: {  	s13 =	rddreg [dreg:$0x9]  }
0xd7: {  	[tilespmem:s13], [sflag:$0x2] =	stream.indirect.gather [hbm4b:s8+s10], $0x80, s10, s10, $0xb8;
	[tilespmem:$0x1E400] =	vst v63  }
0xd8: {  	_ = 	snop  }
0xd9: {  	[tilespmem:s17], [sflag:$0x2] =	stream.indirect.gather [hbm4b:s8+s10], $0x80, s16, s10, $0xb8;
	[tilespmem:$0x1E400] =	vst v63  }
0xda: {  	_ = 	snop  }
0xdb: {  	[tilespmem:s19], [sflag:$0x2] =	stream.indirect.gather [hbm4b:s8+s10], $0x80, s18, s10, $0xb8;
	[tilespmem:$0x1E400] =	vst v63  }
0xdc: {  	_ = 	snop  }
0xdd: {  	[tilespmem:s5], [sflag:$0x3] =	stream.indirect.gather [hbm4b:s8+s10], $0x80, s12, s10, $0xb8;
	[tilespmem:$0x1E400] =	vst v63  }
0xde: {  	_ = 	snop  }
0xdf: {  	[tilespmem:s21], [sflag:$0x3] =	stream.indirect.gather [hbm4b:s8+s10], $0x80, s20, s10, $0xb8;
	[tilespmem:$0x1E400] =	vst v63  }
0xe0: {  	_ = 	snop  }
0xe1: {  	[tilespmem:s23], [sflag:$0x3] =	stream.indirect.gather [hbm4b:s8+s10], $0x80, s22, s10, $0xb8;
	[tilespmem:$0x1E400] =	vst v63  }
0xe2: {  	_ = 	snop  }
0xe3: {  	[tilespmem:s25], [sflag:$0x3] =	stream.indirect.gather [hbm4b:s8+s10], $0x80, s24, s10, $0xb8;
	[tilespmem:$0x1E400] =	vst v63  }
0xe4: {  	_ = 	snop  }
0xe5: {  	[tilespmem:s3], [sflag:$0x4] =	stream.indirect.gather [hbm4b:s8+s10], $0x80, s11, s10, $0xb8;
	[tilespmem:$0x1E400] =	vst v63  }
0xe6: {  	_ = 	snop  }
0xe7: {  	[tilespmem:s28], [sflag:$0x4] =	stream.indirect.gather [hbm4b:s8+s10], $0x80, s26, s10, $0xb8;
	[tilespmem:$0x1E400] =	vst v63  }
0xe8: {  	_ = 	snop  }
0xe9: {  	[tilespmem:s30], [sflag:$0x4] =	stream.indirect.gather [hbm4b:s8+s10], $0x80, s29, s10, $0xb8;
	[tilespmem:$0x1E400] =	vst v63  }
0xea: {  	_ = 	snop  }
0xeb: {  	[tilespmem:s15], [sflag:$0x4] =	stream.indirect.gather [hbm4b:s8+s10], $0x80, s31, s10, $0xb8;
	[tilespmem:$0x1E400] =	vst v63  }
0xec: {  	_ =	swait.ge [sflag:s14], $0x2800  }
0xed: {  	[sflag:s14] =	ssyncset.done $0x0  }
0xee: {  	[sflag:s14] =	ssyncadd.s32 $0xFFFFD800  }
0xef: {  	_ =	swait.ge [sflag:s14], $0x2800  }
0xf0: {  	[sflag:s14] =	ssyncset.done $0x0  }
0xf1: {  	[sflag:s14] =	ssyncadd.s32 $0xFFFFD800  }
0xf2: {  	_ =	swait.ge [sflag:s14], $0x2800  }
0xf3: {  	[sflag:s14] =	ssyncset.done $0x0  }
0xf4: {  	[sflag:s14] =	ssyncadd.s32 $0xFFFFD800  }
0xf5: {  	_ =	swait.ge [sflag:s14], $0x2800  }
0xf6: {  	[sflag:s14] =	ssyncset.done $0x0  }
0xf7: {  	s28 =	rddreg [dreg:$0x6];
	[sflag:s14] =	ssyncadd.s32 $0xFFFFD800  }
0xf8: {  	[hbm4b:s28+s2] =	stream.linear.scatter [tilespmem:s7], [sflag:$0x5], $0xA000, $0x38;
	[tilespmem:$0x1E400] =	vst v63  }
0xf9: {  	_ =	swait.ge [sflag:s4], $0xA000  }
0xfa: {  	[sflag:s4] =	ssyncset.done $0x0  }
0xfb: {  	[sflag:s4] =	ssyncadd.s32 $0xFFFF6000  }
0xfc: {  	_ =	swait.ge [sflag:s9], $0x2800  }
0xfd: {  	[sflag:s9] =	ssyncset.done $0x0  }
0xfe: {  	[sflag:s9] =	ssyncadd.s32 $0xFFFFD800  }
0xff: {  	_ =	swait.ge [sflag:s9], $0x2800  }
0x100: {  	[sflag:s9] =	ssyncset.done $0x0  }
0x101: {  	[sflag:s9] =	ssyncadd.s32 $0xFFFFD800  }
0x102: {  	_ =	swait.ge [sflag:s9], $0x2800  }
0x103: {  	[sflag:s9] =	ssyncset.done $0x0  }
0x104: {  	[sflag:s9] =	ssyncadd.s32 $0xFFFFD800  }
0x105: {  	_ =	swait.ge [sflag:s9], $0x2800  }
0x106: {  	[sflag:s9] =	ssyncset.done $0x0  }
0x107: {  	s29 =	rddreg [dreg:$0x7];
	[sflag:s9] =	ssyncadd.s32 $0xFFFFD800  }
0x108: {  	[hbm4b:s29+s2] =	stream.linear.scatter [tilespmem:s5], [sflag:$0x5], $0xA000, $0x38;
	[tilespmem:$0x1E400] =	vst v63  }
0x109: {  	_ =	swait.ge [sflag:s4], $0xA000  }
0x10a: {  	[sflag:s4] =	ssyncset.done $0x0  }
0x10b: {  	[sflag:s4] =	ssyncadd.s32 $0xFFFF6000  }
0x10c: {  	_ =	swait.ge [sflag:s6], $0x2800  }
0x10d: {  	[sflag:s6] =	ssyncset.done $0x0  }
0x10e: {  	[sflag:s6] =	ssyncadd.s32 $0xFFFFD800  }
0x10f: {  	_ =	swait.ge [sflag:s6], $0x2800  }
0x110: {  	[sflag:s6] =	ssyncset.done $0x0  }
0x111: {  	[sflag:s6] =	ssyncadd.s32 $0xFFFFD800  }
0x112: {  	_ =	swait.ge [sflag:s6], $0x2800  }
0x113: {  	[sflag:s6] =	ssyncset.done $0x0  }
0x114: {  	[sflag:s6] =	ssyncadd.s32 $0xFFFFD800  }
0x115: {  	_ =	swait.ge [sflag:s6], $0x2800  }
0x116: {  	[sflag:s6] =	ssyncset.done $0x0  }
0x117: {  	s30 =	rddreg [dreg:$0x8];
	[sflag:s6] =	ssyncadd.s32 $0xFFFFD800  }
0x118: {  	[hbm4b:s30+s2] =	stream.linear.scatter [tilespmem:s3], [sflag:$0x5], $0xA000, $0x38;
	[tilespmem:$0x1E400] =	vst v63  }
0x119: {  	_ =	swait.ge [sflag:s4], $0xA000  }
0x11a: {  	[sflag:s4] =	ssyncset.done $0x0  }
0x11b: {  	[sflag:s4] =	ssyncadd.s32 $0xFFFF6000  }
0x11c: {  	_ =	sfence.sel $0x180000  }
0x11d: {  	[bflag:$0x0] =	sbarrier.arrive $0xFFFF  }
0x11e: {  	_ =	strace $0x9000004D  }
0x11f: {  	s31 =	stileid.u32;
	[bflag:$0x2] =	sbarrier.arrive $0xFFFF  }
0x120: {  	p0 =	sne.s32 s31, $0x0;
	s0 =	rddreg [dreg:$0x2]  }
0x121: {  	s0 =	sadd.s32 @!p0 $0x100000, s0  }
0x122: {  	[sflag:s0] =	ssyncadd.tile.s32 @!p0 $0x1;
	_ =	shalt  }
.LBB2_1:
0x123: {  	s15 =	simm.s32 $0x1BC00;
	s31 =	simm.s32 $0x370  }
.Ltmp3:
0x124: {  	s30 =	simm.s32 $0x19400;
	s29 =	simm.s32 $0x320;
	(pc) =	sbr.rel .LBB2_6-.Ltmp3, $4  }
0x125: {  	s28 =	simm.s32 $0x16C00;
	s26 =	simm.s32 $0x2D0;
	s25 =	simm.s32 $0x11C00  }
0x126: {  	s24 =	simm.s32 $0x230;
	s23 =	simm.s32 $0xF400;
	s22 =	simm.s32 $0x1E0  }
0x127: {  	s21 =	simm.s32 $0xCC00;
	s20 =	simm.s32 $0x190;
	s19 =	simm.s32 $0x7C00  }
0x128: {  	s18 =	simm.s32 $0xF0;
	s17 =	simm.s32 $0x5400;
	s16 =	simm.s32 $0xA0  }
.LBB2_3:
0x129: {  	s15 =	simm.s32 $0x1BC00;
	s31 =	simm.s32 $0x370  }
.Ltmp4:
0x12a: {  	s30 =	simm.s32 $0x19400;
	s29 =	simm.s32 $0x320;
	(pc) =	sbr.rel .LBB2_6-.Ltmp4, $4  }
0x12b: {  	s28 =	simm.s32 $0x16C00;
	s26 =	simm.s32 $0x2D0;
	s25 =	simm.s32 $0x11C00  }
0x12c: {  	s24 =	simm.s32 $0x230;
	s23 =	simm.s32 $0xF400;
	s22 =	simm.s32 $0x1E0  }
0x12d: {  	s21 =	simm.s32 $0xCC00;
	s20 =	simm.s32 $0x190;
	s19 =	simm.s32 $0x7C00  }
0x12e: {  	s18 =	simm.s32 $0xF0;
	s17 =	simm.s32 $0x5400;
	s16 =	simm.s32 $0xA0  }
.Lfunc_end2:
_tile_overlayer_lowered:
.L_overlay_start_2:
0x12f: {  	(tag) =	ssettag $0x2  }
0x130: {  	s0 =	rddreg [dreg:$0x0];
	s2 =	stileid.u32  }
0x131: {  	s1 =	rddreg [dreg:$0x1];
	p0 =	sne.s32 s2, $0x0  }
0x132: {  	s3 =	rddreg [dreg:$0x2];
	[bflag:$0x3] =	sbarrier.arrive $0xFFFF;
	s2 =	simm.s32 @!p0 $0x1C05  }
0x133: {  	[timem:s3], [sflag:s2] =	dma.local @!p0 [hbm:s0], s1  }
0x134: {  	s0 =	simm.s32 @!p0 $0x5  }
0x135: {  	_ =	swait.ge @!p0 [sflag:s0], s1  }
0x136: {  	s1 =	ssub.s32 @!p0 $0x0, s1;
	[sflag:s0] =	ssyncset.done @!p0 $0x0  }
0x137: {  	[sflag:s0] =	ssyncadd.s32 @!p0 s1  }
0x138: {  	[bflag:$0x3] =	sbarrier.arrive $0xFFFF  }
0x139: {  	_ =	shalt  }

// kernel: kernel.9.cloned.1.call-start
scs
__scs_entry_jumppad:
0x0: {  	(pc) =	sbr.rel $0x88, $3  }
0x1: {  	(tag) =	ssettag $0x0;
	lr =	simm.s32 $0x1  }
0x2: {  	[smem:$0x3F84] =	sst lr;
	_ =	strace $0xD0000000  }
0x3: {  	_ = 	snop  }
0x4: {  	_ = 	snop  }
0x5: {  	_ = 	snop  }
0x6: {  	_ = 	snop  }
0x7: {  	_ = 	snop  }
__scs_overlays_trampoline_lowered:
0x8: {  	[smem:$0x3F93] =	sst s0  }
0x9: {  	[smem:$0x3F94] =	sst s1  }
0xa: {  	[smem:$0x3F95] =	sst s2  }
0xb: {  	[smem:$0x3F96] =	sst s3  }
0xc: {  	[smem:$0x3F97] =	sst s4  }
0xd: {  	[smem:$0x3F98] =	sst s5  }
0xe: {  	[smem:$0x3F99] =	sst s6  }
0xf: {  	[smem:$0x3F9A] =	sst s7  }
0x10: {  	[smem:$0x3F9B] =	sst s8  }
0x11: {  	[smem:$0x3F9C] =	sst s9;
	s0 =	simm.s32 @!p0 $0x0  }
0x12: {  	s1 =	sld [smem:$0x3F82];
	s0 =	simm.s32 @p0 $0x1  }
0x13: {  	[smem:$0x3F9D] =	sst s0;
	s0 =	simm.s32 @!p1 $0x0  }
0x14: {  	s2 =	sld [smem:$0x3F81];
	s0 =	simm.s32 @p1 $0x1  }
0x15: {  	[smem:$0x3F9E] =	sst s0;
	s0 =	simm.s32 @!p2 $0x0  }
0x16: {  	s3 =	sld [smem:$0x3FDB];
	s0 =	simm.s32 @p2 $0x1  }
0x17: {  	s4 =	simm.s32 $0x1BF5;
	[smem:$0x3FA0] =	sst s0  }
0x18: {  	s0 =	sld [smem:$0x3F83];
	_ =	swait.ge [sflag:s4], $0x0  }
0x19: {  	s7 =	sld [smem:$0x3F84]  }
0x1a: {  	s8 =	sadd.s32 $0xFFFFE003, lr  }
0x1b: {  	s9 =	sadd.s32 $0xFFFFFEF7, lr;
	s5 =	simm.s32 $0xFFFFFFFF;
	p2 =	slt.u32 s8, $0xFFFFF086  }
0x1c: {  	p1 =	slt.u32 s9, $0xF7A;
	s5 =	simm.s32 @!p2 $0x0  }
0x1d: {  	s5 =	simm.s32 @p1 $0x1;
	p0 =	seq.s32 s7, s2  }
0x1e: {  	s7 =	smul.u32 @!p0 $0xF7A, s2;
	p2 =	seq.s32 @!p0 s5, $0x0  }
0x1f: {  	s9 =	smul.u32 $0xF7A, s1;
	s8 =	simm.s32 @!p0 $0x1BF5;
	p2 =	por !p2, p0  }
0x20: {  	[sflag:s8] =	ssyncset.s32 @!p0 $0xFFFFF086;
	s6 =	sadd.s32 @!p0 s3, s7;
	s7 =	simm.s32 @!p0 $0x108  }
0x21: {  	s3 =	sadd.s32 s3, s9;
	s6 =	sadd.s32 @!p0 $0x88, s6;
	s7 =	simm.s32 @p2 $0x1082  }
0x22: {  	[simem:s7], [sflag:s8] =	dma.local @!p0 [hbm:s6], $0xF7A  }
0x23: {  	s9 =	sor.u32 $0xD0000000, s2;
	s6 =	simm.s32 $0x108;
	_ =	swait.ge @!p0 [sflag:s8], $0x0  }
0x24: {  	s3 =	sadd.s32 $0x88, s3;
	s6 =	simm.s32 @!p1 $0x1082;
	[sflag:s4] =	ssyncset.s32 $0xFFFFF086  }
0x25: {  	[simem:s6], [sflag:s4] =	dma.local [hbm:s3], $0xF7A  }
0x26: {  	[smem:$0x3F84] =	sst s1;
	(tag) =	ssettag s2;
	_ =	strace s9  }
0x27: {  	s1 =	sld [smem:$0x3F94]  }
0x28: {  	s2 =	sld [smem:$0x3F95]  }
0x29: {  	s4 =	sld [smem:$0x3F97]  }
0x2a: {  	p0 =	seq.s32 s5, $0x0;
	s5 =	sld [smem:$0x3F98]  }
0x2b: {  	s6 =	sld [smem:$0x3F99]  }
0x2c: {  	s7 =	sld [smem:$0x3F9A]  }
0x2d: {  	s3 =	simm.s32 $0x108;
	s8 =	sld [smem:$0x3F9B]  }
0x2e: {  	s3 =	simm.s32 @!p0 $0x1082;
	s9 =	sld [smem:$0x3F9C]  }
0x2f: {  	lr =	sadd.s32 s0, s3;
	s0 =	sld [smem:$0x3F93]  }
0x30: {  	s3 =	sld [smem:$0x3F96]  }
0x31: {  	[smem:$0x3F9F] =	sst s10  }
0x32: {  	s10 =	sld [smem:$0x3F9D];
	_ =	sdelay $0x3  }
0x33: {  	p0 =	seq.s32 s10, $0x1;
	s10 =	sld [smem:$0x3F9F];
	_ =	sdelay $0x3  }
0x34: {  	[smem:$0x3F9F] =	sst s10  }
0x35: {  	s10 =	sld [smem:$0x3F9E];
	_ =	sdelay $0x3  }
0x36: {  	p1 =	seq.s32 s10, $0x1;
	s10 =	sld [smem:$0x3F9F];
	_ =	sdelay $0x3  }
0x37: {  	[smem:$0x3F9F] =	sst s10  }
0x38: {  	s10 =	sld [smem:$0x3FA0]  }
0x39: {  	_ = 	snop;
	(pc) =	sbr.ind lr, $3  }
0x3a: {  	_ = 	snop  }
0x3b: {  	_ = 	snop  }
0x3c: {  	p2 =	seq.s32 s10, $0x1;
	s10 =	sld [smem:$0x3F9F]  }
0x3d: {  	_ =	shalt  }
0x3e: {  	_ =	shalt  }
0x3f: {  	_ =	shalt  }
0x40: {  	_ =	shalt  }
0x41: {  	_ =	shalt  }
0x42: {  	_ =	shalt  }
0x43: {  	_ =	shalt  }
0x44: {  	_ =	shalt  }
0x45: {  	_ =	shalt  }
0x46: {  	_ =	shalt  }
0x47: {  	_ =	shalt  }
0x48: {  	_ =	shalt  }
0x49: {  	_ =	shalt  }
0x4a: {  	_ =	shalt  }
0x4b: {  	_ =	shalt  }
0x4c: {  	_ =	shalt  }
0x4d: {  	_ =	shalt  }
0x4e: {  	_ =	shalt  }
0x4f: {  	_ =	shalt  }
0x50: {  	_ =	shalt  }
0x51: {  	_ =	shalt  }
0x52: {  	_ =	shalt  }
0x53: {  	_ =	shalt  }
0x54: {  	_ =	shalt  }
0x55: {  	_ =	shalt  }
0x56: {  	_ =	shalt  }
0x57: {  	_ =	shalt  }
0x58: {  	_ =	shalt  }
0x59: {  	_ =	shalt  }
0x5a: {  	_ =	shalt  }
0x5b: {  	_ =	shalt  }
0x5c: {  	_ =	shalt  }
0x5d: {  	_ =	shalt  }
0x5e: {  	_ =	shalt  }
0x5f: {  	_ =	shalt  }
0x60: {  	_ =	shalt  }
0x61: {  	_ =	shalt  }
0x62: {  	_ =	shalt  }
0x63: {  	_ =	shalt  }
0x64: {  	_ =	shalt  }
0x65: {  	_ =	shalt  }
0x66: {  	_ =	shalt  }
0x67: {  	_ =	shalt  }
0x68: {  	_ =	shalt  }
0x69: {  	_ =	shalt  }
0x6a: {  	_ =	shalt  }
0x6b: {  	_ =	shalt  }
0x6c: {  	_ =	shalt  }
0x6d: {  	_ =	shalt  }
0x6e: {  	_ =	shalt  }
0x6f: {  	_ =	shalt  }
0x70: {  	_ =	shalt  }
0x71: {  	_ =	shalt  }
0x72: {  	_ =	shalt  }
0x73: {  	_ =	shalt  }
0x74: {  	_ =	shalt  }
0x75: {  	_ =	shalt  }
0x76: {  	_ =	shalt  }
0x77: {  	_ =	shalt  }
0x78: {  	_ =	shalt  }
0x79: {  	_ =	shalt  }
0x7a: {  	_ =	shalt  }
0x7b: {  	_ =	shalt  }
0x7c: {  	_ =	shalt  }
0x7d: {  	_ =	shalt  }
0x7e: {  	_ =	shalt  }
0x7f: {  	_ =	shalt  }
0x80: {  	_ =	shalt  }
0x81: {  	_ =	shalt  }
0x82: {  	_ =	shalt  }
0x83: {  	_ =	shalt  }
0x84: {  	_ =	shalt  }
0x85: {  	_ =	shalt  }
0x86: {  	_ =	shalt  }
0x87: {  	_ =	shalt  }
.Lfunc_end0:
.L_simem_size_0:
called_computation_lowered:
.L_overlay_start_0:
0x88: {  	s2 =	sld [smem:$0x3FD9]  }
0x89: {  	s3 =	sld [smem:$0x3FFE];
	_ =	sdelay $0x1  }
0x8a: {  	s1 =	srdreg.scid  }
0x8b: {  	s0 =	sand.u32 $0x1, s1  }
0x8c: {  	s17 =	sshll.u32 s0, $0xA;
	s2 =	sadd.s32 s3, s2  }
0x8d: {  	s2 =	sadd.s32 s2, s17  }
0x8e: {  	[smem:$0x3FAB] =	sst s2  }
0x8f: {  	_ = 	snop  }
0x90: {  	s2 =	sld [smem:$0x3FC9]  }
0x91: {  	s18 =	sld [smem:$0x3FD0];
	(tm) =	ssettm $0x1  }
0x92: {  	s4 =	sld [smem:$0x3FFB];
	_ =	sdelay $0x3  }
0x93: {  	_ =	strace s4  }
0x94: {  	s4 =	sld [smem:$0x3FFC];
	_ =	sdelay $0x3  }
0x95: {  	_ =	strace s4  }
0x96: {  	s4 =	sld [smem:$0x3FFD];
	_ =	sdelay $0x3  }
0x97: {  	_ =	strace s4  }
0x98: {  	_ =	strace $0x8FFFFFFF  }
0x99: {  	s19 =	sld [smem:$0x3FDB];
	_ =	sdelay $0x1  }
0x9a: {  	s5 =	simm.s32 $_scs_section_size  }
0x9b: {  	s6 =	simm.s32 $_size__tile_overlayer_lowered;
	s7 =	simm.s32 $_tile_overlayer_lowered  }
0x9c: {  	s22 =	simm.s32 $0x1BFF;
	s21 =	sshll.u32 s7, $0x1;
	s4 =	sadd.s32 s5, s19  }
0x9d: {  	s8 =	simm.s32 $0x0;
	s20 =	sshll.u32 s6, $0x1;
	s6 =	sadd.s32 s21, s4  }
0x9e: {  	[timem:s8], [sflag:s22] =	dma.local [hbm:s6], s20  }
0x9f: {  	_ =	swait.ge [sflag:s22], s20  }
0xa0: {  	s5 =	ssub.s32 $0x0, s20;
	[sflag:s22] =	ssyncset.done $0x0  }
0xa1: {  	[sflag:s22] =	ssyncadd.s32 s5;
	_ =	sdelay $0x1  }
0xa2: {  	s23 =	simm.s32 $0x1B8B  }
0xa3: {  	_ =	swait.ge [sflag:s23], $0x1  }
0xa4: {  	[sflag:s23] =	ssyncset.done $0x0  }
0xa5: {  	s25 =	simm.s32 $0x1B8E;
	s24 =	sld [smem:$0x3FFE];
	[sflag:s23] =	ssyncadd.s32 $0xFFFFFFFF  }
0xa6: {  	s26 =	simm.s32 $execute0_lowered;
	[smem:$0x3FD2] =	sst s25  }
0xa7: {  	s6 =	sshll.u32 s26, $0x1;
	_ =	strace $0x80000046;
	[dreg:$0x1] =	wrdreg $0xFFFFFFFF  }
0xa8: {  	s28 =	simm.s32 $_size_execute0_lowered;
	s4 =	sadd.s32 s4, s6;
	[dreg:$0x0] =	wrdreg $0x0  }
0xa9: {  	s6 =	sshll.u32 s28, $0x1;
	[dreg:$0x2] =	wrdreg s4  }
0xaa: {  	[dreg:$0x3] =	wrdreg s6  }
0xab: {  	[dreg:$0x4] =	wrdreg $0xC0  }
0xac: {  	_ =	task [dreg:s8], $0x5FFFF  }
0xad: {  	[dreg:$0x1] =	wrdreg $0xFFFFFFFF  }
0xae: {  	[dreg:$0x0] =	wrdreg $0x60  }
0xaf: {  	[dreg:$0x2] =	wrdreg s2  }
0xb0: {  	[dreg:$0x3] =	wrdreg s24  }
0xb1: {  	[dreg:$0x4] =	wrdreg s18  }
0xb2: {  	[dreg:$0x5] =	wrdreg $0x9  }
0xb3: {  	_ =	task.clear_ibuf [dreg:s8], $0x6FFFF;
	_ =	strace $0x90000046  }
0xb4: {  	s29 =	simm.s32 $0x9;
	_ =	strace $0x80000048  }
0xb5: {  	_ =	swait.ge [sflag:s29], $0x1  }
0xb6: {  	[sflag:s29] =	ssyncadd.s32 $0xFFFFFFFF  }
0xb7: {  	_ =	strace $0x90000048  }
0xb8: {  	_ =	sfence  }
0xb9: {  	s30 =	sld [smem:$0x0];
	_ =	sdelay $0x2  }
0xba: {  	s31 =	sshll.u32 s1, $0xD;
	s1 =	sshrl.u32 s1, $0x2  }
0xbb: {  	s3 =	sand.u32 $0x4000, s31;
	s1 =	sadd.s32 s1, s30  }
0xbc: {  	s0 =	sor.u32 s3, s0;
	s1 =	sshll.u32 s1, $0x11  }
0xbd: {  	s0 =	sor.u32 s1, s0  }
0xbe: {  	s0 =	sadd.s32 $0x8F2B, s0  }
0xbf: {  	[sflag:s0] =	ssyncadd.remote.s32 $0x1  }
0xc0: {  	_ =	sfence.sel $0xFFFF  }
0xc1: {  	[dreg:$0x0] =	wrdreg $0xFFFFFFFF;
	(pc) =	sbr.abs _section_cstart, $3  }
0xc2: {  	[dreg:$0x1] =	wrdreg $0xFFFFFFFF  }
0xc3: {  	_ =	task.clear_ibuf [dreg:s8], $0x2FFFF;
	_ =	strace $0x9FFFFFFF  }
0xc4: {  	(tm) =	ssettm $0x7FFFFFFF  }
0xc5: {  	_ =	shalt  }
tec
execute0_lowered:
.L_overlay_start_1:
0x0: {  	(tag) =	ssettag $0x1  }
0x1: {  	s0 =	srdreg.scid;
	s3 =	rddreg [dreg:$0x0]  }
0x2: {  	s1 =	stileid.u32;
	s4 =	rddreg [dreg:$0x1]  }
0x3: {  	s5 =	rddreg [dreg:$0x2];
	s2 =	simm.s32 $0x0;
	s12 =	simm.s32 $0x140  }
0x4: {  	s11 =	simm.s32 $0x280;
	s13 =	simm.s32 $0x1;
	s10 =	simm.s32 $0x50  }
0x5: {  	s26 =	simm.s32 $0x2C00;
	s17 =	simm.s32 $0x5400;
	s18 =	simm.s32 $0xF0  }
0x6: {  	s19 =	simm.s32 $0x7C00;
	s20 =	simm.s32 $0x190;
	s21 =	simm.s32 $0xCC00  }
0x7: {  	s28 =	simm.s32 $0x16C00;
	s29 =	simm.s32 $0x320;
	s30 =	simm.s32 $0x19400  }
0x8: {  	p0 =	por $0x0, $0x0;
	s31 =	simm.s32 $0x370;
	s16 =	simm.s32 $0x1BC00  }
0x9: {  	s14 =	simm.s32 $0x2;
	s0 =	sand.u32 $0x1, s0;
	s1 =	sshll.u32 s1, $0x1  }
0xa: {  	s9 =	simm.s32 $0x3;
	[smem:$0x7FF] =	sst s2;
	s1 =	sor.u32 s0, s1  }
0xb: {  	_ =	strace $0x80000047;
	s0 =	ssub.s32 $0x2, s0;
	s6 =	smul.u32 $0x28, s1  }
0xc: {  	[dreg:$0xa] =	wrdreg s26;
	s1 =	smul.u32 $0x1400, s1;
	s24 =	sshrl.u32 s0, $0x1  }
0xd: {  	s26 =	simm.s32 $0x2D0;
	s0 =	ssub.s32 s0, s24;
	s24 =	simm.s32 $0x230  }
0xe: {  	s7 =	sadd.s32 s6, s4;
	s1 =	sadd.s32 s1, s4;
	s22 =	sadd.s32 s5, s6  }
0xf: {  	s0 =	smax.u32 s0, $0x1;
	s6 =	simm.s32 $0xA400;
	s4 =	simm.s32 $0x14400  }
0x10: {  	s5 =	simm.s32 $0x5;
	s8 =	sadd.s32 $0x5200, s7;
	[dreg:$0x6] =	wrdreg s22  }
0x11: {  	s7 =	sadd.s32 $0x4C00, s7;
	p1 =	sne.s32 s0, $0x1;
	[dreg:$0x4] =	wrdreg s8  }
.Ltmp0:
0x12: {  	s23 =	sadd.s32 $0x5800, s1;
	[dreg:$0x5] =	wrdreg s7;
	(pc) =	sbr.rel @!p1 .LBB2_1-.Ltmp0, $4  }
0x13: {  	s25 =	sadd.s32 $0x2D800, s1;
	s1 =	sadd.s32 $0x55800, s1;
	[dreg:$0x7] =	wrdreg s23  }
0x14: {  	s22 =	simm.s32 $0x1E0;
	s15 =	sadd.s32 $0xFFFFFFFF, s0;
	[dreg:$0x8] =	wrdreg s25  }
0x15: {  	[dreg:$0x9] =	wrdreg s1;
	s8 =	simm.s32 $0x400;
	s23 =	simm.s32 $0xF400  }
0x16: {  	s25 =	simm.s32 $0x11C00;
	s7 =	simm.s32 $0x4;
	s0 =	rddreg [dreg:$0x4]  }
0x17: {  	[tilespmem:s2], [sflag:$0x1] =	stream.linear.gather [hbm4b:s0+s2], $0x140, $0x38;
	[tilespmem:$0x1E400] =	vst v63  }
0x18: {  	s1 =	rddreg [dreg:$0x5]  }
0x19: {  	[tilespmem:s12], [sflag:$0x1] =	stream.linear.gather [hbm4b:s1+s2], $0x140, $0x38;
	[tilespmem:$0x1E400] =	vst v63  }
0x1a: {  	s0 =	rddreg [dreg:$0x6]  }
0x1b: {  	[tilespmem:s11], [sflag:$0x1] =	stream.linear.gather [hbm4b:s0+s2], $0x140, $0x38;
	[tilespmem:$0x1E400] =	vst v63  }
0x1c: {  	_ =	swait.ge [sflag:s13], $0x140  }
0x1d: {  	[sflag:s13] =	ssyncset.done $0x0  }
0x1e: {  	[sflag:s13] =	ssyncadd.s32 $0xFFFFFEC0  }
0x1f: {  	_ =	swait.ge [sflag:s13], $0x140  }
0x20: {  	[sflag:s13] =	ssyncset.done $0x0  }
0x21: {  	[sflag:s13] =	ssyncadd.s32 $0xFFFFFEC0  }
0x22: {  	_ =	swait.ge [sflag:s13], $0x140  }
0x23: {  	[sflag:s13] =	ssyncset.done $0x0  }
0x24: {  	[sflag:s13] =	ssyncadd.s32 $0xFFFFFEC0  }
0x25: {  	[tilespmem:s8], [sflag:$0x2] =	stream.indirect.gather [hbm4b:s3+s10], $0x80, s2, s10, $0xb8;
	[tilespmem:$0x1E400] =	vst v63  }
0x26: {  	s1 =	rddreg [dreg:$0xa]  }
0x27: {  	[tilespmem:s1], [sflag:$0x2] =	stream.indirect.gather [hbm4b:s3+s10], $0x80, s10, s10, $0xb8;
	[tilespmem:$0x1E400] =	vst v63  }
0x28: {  	s1 =	simm.s32 $0xA0  }
0x29: {  	[tilespmem:s17], [sflag:$0x2] =	stream.indirect.gather [hbm4b:s3+s10], $0x80, s1, s10, $0xb8;
	[tilespmem:$0x1E400] =	vst v63  }
0x2a: {  	_ = 	snop  }
0x2b: {  	[tilespmem:s19], [sflag:$0x2] =	stream.indirect.gather [hbm4b:s3+s10], $0x80, s18, s10, $0xb8;
	[tilespmem:$0x1E400] =	vst v63  }
0x2c: {  	_ = 	snop  }
0x2d: {  	[tilespmem:s6], [sflag:$0x3] =	stream.indirect.gather [hbm4b:s3+s10], $0x80, s12, s10, $0xb8;
	[tilespmem:$0x1E400] =	vst v63  }
0x2e: {  	_ = 	snop  }
0x2f: {  	[tilespmem:s21], [sflag:$0x3] =	stream.indirect.gather [hbm4b:s3+s10], $0x80, s20, s10, $0xb8;
	[tilespmem:$0x1E400] =	vst v63  }
0x30: {  	_ = 	snop  }
0x31: {  	[tilespmem:s23], [sflag:$0x3] =	stream.indirect.gather [hbm4b:s3+s10], $0x80, s22, s10, $0xb8;
	[tilespmem:$0x1E400] =	vst v63  }
0x32: {  	_ = 	snop  }
0x33: {  	[tilespmem:s25], [sflag:$0x3] =	stream.indirect.gather [hbm4b:s3+s10], $0x80, s24, s10, $0xb8;
	[tilespmem:$0x1E400] =	vst v63  }
0x34: {  	_ = 	snop  }
0x35: {  	[tilespmem:s4], [sflag:$0x4] =	stream.indirect.gather [hbm4b:s3+s10], $0x80, s11, s10, $0xb8;
	[tilespmem:$0x1E400] =	vst v63  }
0x36: {  	_ = 	snop  }
0x37: {  	[tilespmem:s28], [sflag:$0x4] =	stream.indirect.gather [hbm4b:s3+s10], $0x80, s26, s10, $0xb8;
	[tilespmem:$0x1E400] =	vst v63  }
0x38: {  	_ = 	snop  }
0x39: {  	[tilespmem:s30], [sflag:$0x4] =	stream.indirect.gather [hbm4b:s3+s10], $0x80, s29, s10, $0xb8;
	[tilespmem:$0x1E400] =	vst v63  }
0x3a: {  	_ = 	snop  }
0x3b: {  	[tilespmem:s16], [sflag:$0x4] =	stream.indirect.gather [hbm4b:s3+s10], $0x80, s31, s10, $0xb8;
	[tilespmem:$0x1E400] =	vst v63  }
0x3c: {  	_ =	swait.ge [sflag:s14], $0x2800  }
0x3d: {  	[sflag:s14] =	ssyncset.done $0x0  }
0x3e: {  	[sflag:s14] =	ssyncadd.s32 $0xFFFFD800  }
0x3f: {  	_ =	swait.ge [sflag:s14], $0x2800  }
0x40: {  	[sflag:s14] =	ssyncset.done $0x0  }
0x41: {  	[sflag:s14] =	ssyncadd.s32 $0xFFFFD800  }
0x42: {  	_ =	swait.ge [sflag:s14], $0x2800  }
0x43: {  	[sflag:s14] =	ssyncset.done $0x0  }
0x44: {  	[sflag:s14] =	ssyncadd.s32 $0xFFFFD800  }
0x45: {  	_ =	swait.ge [sflag:s14], $0x2800  }
0x46: {  	[sflag:s14] =	ssyncset.done $0x0  }
0x47: {  	s1 =	rddreg [dreg:$0x7];
	[sflag:s14] =	ssyncadd.s32 $0xFFFFD800  }
0x48: {  	[hbm4b:s1+s2] =	stream.linear.scatter [tilespmem:s8], [sflag:$0x5], $0xA000, $0x38;
	[tilespmem:$0x1E400] =	vst v63  }
0x49: {  	_ =	swait.ge [sflag:s5], $0xA000  }
0x4a: {  	[sflag:s5] =	ssyncset.done $0x0  }
0x4b: {  	[sflag:s5] =	ssyncadd.s32 $0xFFFF6000  }
0x4c: {  	_ =	swait.ge [sflag:s9], $0x2800  }
0x4d: {  	[sflag:s9] =	ssyncset.done $0x0  }
0x4e: {  	[sflag:s9] =	ssyncadd.s32 $0xFFFFD800  }
0x4f: {  	_ =	swait.ge [sflag:s9], $0x2800  }
0x50: {  	[sflag:s9] =	ssyncset.done $0x0  }
0x51: {  	[sflag:s9] =	ssyncadd.s32 $0xFFFFD800  }
0x52: {  	_ =	swait.ge [sflag:s9], $0x2800  }
0x53: {  	[sflag:s9] =	ssyncset.done $0x0  }
0x54: {  	[sflag:s9] =	ssyncadd.s32 $0xFFFFD800  }
0x55: {  	_ =	swait.ge [sflag:s9], $0x2800  }
0x56: {  	[sflag:s9] =	ssyncset.done $0x0  }
0x57: {  	s1 =	rddreg [dreg:$0x8];
	[sflag:s9] =	ssyncadd.s32 $0xFFFFD800  }
0x58: {  	[hbm4b:s1+s2] =	stream.linear.scatter [tilespmem:s6], [sflag:$0x5], $0xA000, $0x38;
	[tilespmem:$0x1E400] =	vst v63  }
0x59: {  	_ =	swait.ge [sflag:s5], $0xA000  }
0x5a: {  	[sflag:s5] =	ssyncset.done $0x0  }
0x5b: {  	[sflag:s5] =	ssyncadd.s32 $0xFFFF6000  }
0x5c: {  	_ =	swait.ge [sflag:s7], $0x2800  }
0x5d: {  	[sflag:s7] =	ssyncset.done $0x0  }
0x5e: {  	[sflag:s7] =	ssyncadd.s32 $0xFFFFD800  }
0x5f: {  	_ =	swait.ge [sflag:s7], $0x2800  }
0x60: {  	[sflag:s7] =	ssyncset.done $0x0  }
0x61: {  	[sflag:s7] =	ssyncadd.s32 $0xFFFFD800  }
0x62: {  	_ =	swait.ge [sflag:s7], $0x2800  }
0x63: {  	[sflag:s7] =	ssyncset.done $0x0  }
0x64: {  	[sflag:s7] =	ssyncadd.s32 $0xFFFFD800  }
0x65: {  	p1 =	sne.s32 s15, $0x1;
	_ =	swait.ge [sflag:s7], $0x2800  }
.Ltmp1:
0x66: {  	[sflag:s7] =	ssyncset.done $0x0;
	(pc) =	sbr.rel @!p1 .LBB2_3-.Ltmp1, $4  }
0x67: {  	s1 =	rddreg [dreg:$0x9];
	[sflag:s7] =	ssyncadd.s32 $0xFFFFD800  }
0x68: {  	[hbm4b:s1+s2] =	stream.linear.scatter [tilespmem:s4], [sflag:$0x5], $0xA000, $0x38;
	[tilespmem:$0x1E400] =	vst v63  }
0x69: {  	p0 =	por $0x1, $0x1;
	_ =	swait.ge [sflag:s5], $0xA000  }
0x6a: {  	s1 =	sadd.s32 $0xFFFFFFFF, s15;
	s0 =	rddreg [dreg:$0x4];
	[sflag:s5] =	ssyncset.done $0x0  }
.LBB2_4:
0x6b: {  	[sflag:s5] =	ssyncadd.s32 $0xFFFF6000  }
0x6c: {  	[tilespmem:s2], [sflag:$0x1] =	stream.linear.gather [hbm4b:s0+s2], $0x140, $0x38;
	[tilespmem:$0x1E400] =	vst v63  }
0x6d: {  	s15 =	rddreg [dreg:$0x5]  }
0x6e: {  	[tilespmem:s12], [sflag:$0x1] =	stream.linear.gather [hbm4b:s15+s2], $0x140, $0x38;
	[tilespmem:$0x1E400] =	vst v63  }
0x6f: {  	s0 =	rddreg [dreg:$0x6]  }
0x70: {  	[tilespmem:s11], [sflag:$0x1] =	stream.linear.gather [hbm4b:s0+s2], $0x140, $0x38;
	[tilespmem:$0x1E400] =	vst v63  }
0x71: {  	_ =	swait.ge [sflag:s13], $0x140  }
0x72: {  	[sflag:s13] =	ssyncset.done $0x0  }
0x73: {  	[sflag:s13] =	ssyncadd.s32 $0xFFFFFEC0  }
0x74: {  	_ =	swait.ge [sflag:s13], $0x140  }
0x75: {  	[sflag:s13] =	ssyncset.done $0x0  }
0x76: {  	[sflag:s13] =	ssyncadd.s32 $0xFFFFFEC0  }
0x77: {  	_ =	swait.ge [sflag:s13], $0x140  }
0x78: {  	[sflag:s13] =	ssyncset.done $0x0  }
0x79: {  	[sflag:s13] =	ssyncadd.s32 $0xFFFFFEC0  }
0x7a: {  	[tilespmem:s8], [sflag:$0x2] =	stream.indirect.gather [hbm4b:s3+s10], $0x80, s2, s10, $0xb8;
	[tilespmem:$0x1E400] =	vst v63  }
0x7b: {  	s15 =	rddreg [dreg:$0xa]  }
0x7c: {  	[tilespmem:s15], [sflag:$0x2] =	stream.indirect.gather [hbm4b:s3+s10], $0x80, s10, s10, $0xb8;
	[tilespmem:$0x1E400] =	vst v63  }
0x7d: {  	s15 =	simm.s32 $0xA0  }
0x7e: {  	[tilespmem:s17], [sflag:$0x2] =	stream.indirect.gather [hbm4b:s3+s10], $0x80, s15, s10, $0xb8;
	[tilespmem:$0x1E400] =	vst v63  }
0x7f: {  	_ = 	snop  }
0x80: {  	[tilespmem:s19], [sflag:$0x2] =	stream.indirect.gather [hbm4b:s3+s10], $0x80, s18, s10, $0xb8;
	[tilespmem:$0x1E400] =	vst v63  }
0x81: {  	_ = 	snop  }
0x82: {  	[tilespmem:s6], [sflag:$0x3] =	stream.indirect.gather [hbm4b:s3+s10], $0x80, s12, s10, $0xb8;
	[tilespmem:$0x1E400] =	vst v63  }
0x83: {  	_ = 	snop  }
0x84: {  	[tilespmem:s21], [sflag:$0x3] =	stream.indirect.gather [hbm4b:s3+s10], $0x80, s20, s10, $0xb8;
	[tilespmem:$0x1E400] =	vst v63  }
0x85: {  	_ = 	snop  }
0x86: {  	[tilespmem:s23], [sflag:$0x3] =	stream.indirect.gather [hbm4b:s3+s10], $0x80, s22, s10, $0xb8;
	[tilespmem:$0x1E400] =	vst v63  }
0x87: {  	_ = 	snop  }
0x88: {  	[tilespmem:s25], [sflag:$0x3] =	stream.indirect.gather [hbm4b:s3+s10], $0x80, s24, s10, $0xb8;
	[tilespmem:$0x1E400] =	vst v63  }
0x89: {  	_ = 	snop  }
0x8a: {  	[tilespmem:s4], [sflag:$0x4] =	stream.indirect.gather [hbm4b:s3+s10], $0x80, s11, s10, $0xb8;
	[tilespmem:$0x1E400] =	vst v63  }
0x8b: {  	_ = 	snop  }
0x8c: {  	[tilespmem:s28], [sflag:$0x4] =	stream.indirect.gather [hbm4b:s3+s10], $0x80, s26, s10, $0xb8;
	[tilespmem:$0x1E400] =	vst v63  }
0x8d: {  	_ = 	snop  }
0x8e: {  	[tilespmem:s30], [sflag:$0x4] =	stream.indirect.gather [hbm4b:s3+s10], $0x80, s29, s10, $0xb8;
	[tilespmem:$0x1E400] =	vst v63  }
0x8f: {  	_ = 	snop  }
0x90: {  	[tilespmem:s16], [sflag:$0x4] =	stream.indirect.gather [hbm4b:s3+s10], $0x80, s31, s10, $0xb8;
	[tilespmem:$0x1E400] =	vst v63  }
0x91: {  	_ =	swait.ge [sflag:s14], $0x2800  }
0x92: {  	[sflag:s14] =	ssyncset.done $0x0  }
0x93: {  	[sflag:s14] =	ssyncadd.s32 $0xFFFFD800  }
0x94: {  	_ =	swait.ge [sflag:s14], $0x2800  }
0x95: {  	[sflag:s14] =	ssyncset.done $0x0  }
0x96: {  	[sflag:s14] =	ssyncadd.s32 $0xFFFFD800  }
0x97: {  	_ =	swait.ge [sflag:s14], $0x2800  }
0x98: {  	[sflag:s14] =	ssyncset.done $0x0  }
0x99: {  	[sflag:s14] =	ssyncadd.s32 $0xFFFFD800  }
0x9a: {  	_ =	swait.ge [sflag:s14], $0x2800  }
0x9b: {  	[sflag:s14] =	ssyncset.done $0x0  }
0x9c: {  	s15 =	rddreg [dreg:$0x7];
	[sflag:s14] =	ssyncadd.s32 $0xFFFFD800  }
0x9d: {  	[hbm4b:s15+s2] =	stream.linear.scatter [tilespmem:s8], [sflag:$0x5], $0xA000, $0x38;
	[tilespmem:$0x1E400] =	vst v63  }
0x9e: {  	_ =	swait.ge [sflag:s5], $0xA000  }
0x9f: {  	[sflag:s5] =	ssyncset.done $0x0  }
0xa0: {  	[sflag:s5] =	ssyncadd.s32 $0xFFFF6000  }
0xa1: {  	_ =	swait.ge [sflag:s9], $0x2800  }
0xa2: {  	[sflag:s9] =	ssyncset.done $0x0  }
0xa3: {  	[sflag:s9] =	ssyncadd.s32 $0xFFFFD800  }
0xa4: {  	_ =	swait.ge [sflag:s9], $0x2800  }
0xa5: {  	[sflag:s9] =	ssyncset.done $0x0  }
0xa6: {  	[sflag:s9] =	ssyncadd.s32 $0xFFFFD800  }
0xa7: {  	_ =	swait.ge [sflag:s9], $0x2800  }
0xa8: {  	[sflag:s9] =	ssyncset.done $0x0  }
0xa9: {  	[sflag:s9] =	ssyncadd.s32 $0xFFFFD800  }
0xaa: {  	_ =	swait.ge [sflag:s9], $0x2800  }
0xab: {  	[sflag:s9] =	ssyncset.done $0x0  }
0xac: {  	s15 =	rddreg [dreg:$0x8];
	[sflag:s9] =	ssyncadd.s32 $0xFFFFD800  }
0xad: {  	[hbm4b:s15+s2] =	stream.linear.scatter [tilespmem:s6], [sflag:$0x5], $0xA000, $0x38;
	[tilespmem:$0x1E400] =	vst v63  }
0xae: {  	_ =	swait.ge [sflag:s5], $0xA000  }
0xaf: {  	[sflag:s5] =	ssyncset.done $0x0  }
0xb0: {  	[sflag:s5] =	ssyncadd.s32 $0xFFFF6000  }
0xb1: {  	_ =	swait.ge [sflag:s7], $0x2800  }
0xb2: {  	[sflag:s7] =	ssyncset.done $0x0  }
0xb3: {  	[sflag:s7] =	ssyncadd.s32 $0xFFFFD800  }
0xb4: {  	_ =	swait.ge [sflag:s7], $0x2800  }
0xb5: {  	[sflag:s7] =	ssyncset.done $0x0  }
0xb6: {  	[sflag:s7] =	ssyncadd.s32 $0xFFFFD800  }
0xb7: {  	_ =	swait.ge [sflag:s7], $0x2800  }
0xb8: {  	[sflag:s7] =	ssyncset.done $0x0  }
0xb9: {  	[sflag:s7] =	ssyncadd.s32 $0xFFFFD800  }
0xba: {  	p1 =	sne.s32 s1, $0x1;
	_ =	swait.ge [sflag:s7], $0x2800  }
.Ltmp2:
0xbb: {  	[sflag:s7] =	ssyncset.done $0x0;
	(pc) =	sbr.rel @p1 .LBB2_4-.Ltmp2, $4  }
0xbc: {  	s15 =	rddreg [dreg:$0x9];
	[sflag:s7] =	ssyncadd.s32 $0xFFFFD800  }
0xbd: {  	[hbm4b:s15+s2] =	stream.linear.scatter [tilespmem:s4], [sflag:$0x5], $0xA000, $0x38;
	[tilespmem:$0x1E400] =	vst v63  }
0xbe: {  	_ =	swait.ge [sflag:s5], $0xA000  }
0xbf: {  	s1 =	sadd.s32 $0xFFFFFFFF, s1;
	s0 =	rddreg [dreg:$0x4];
	[sflag:s5] =	ssyncset.done $0x0  }
0xc0: {  	s15 =	simm.s32 $0x1BC00  }
0xc1: {  	s31 =	simm.s32 $0x370;
	s30 =	simm.s32 $0x19400;
	s29 =	simm.s32 $0x320  }
0xc2: {  	s28 =	simm.s32 $0x16C00;
	s26 =	simm.s32 $0x2D0;
	s25 =	simm.s32 $0x11C00  }
0xc3: {  	s24 =	simm.s32 $0x230;
	s23 =	simm.s32 $0xF400;
	s22 =	simm.s32 $0x1E0  }
0xc4: {  	s21 =	simm.s32 $0xCC00;
	s20 =	simm.s32 $0x190;
	s19 =	simm.s32 $0x7C00  }
0xc5: {  	s18 =	simm.s32 $0xF0;
	s17 =	simm.s32 $0x5400;
	s16 =	simm.s32 $0xA0  }
.LBB2_6:
0xc6: {  	[sflag:s5] =	ssyncadd.s32 @p0 $0xFFFF6000  }
0xc7: {  	[tilespmem:s2], [sflag:$0x1] =	stream.linear.gather [hbm4b:s0+s2], $0x140, $0x38;
	[tilespmem:$0x1E400] =	vst v63  }
0xc8: {  	s1 =	rddreg [dreg:$0x5]  }
0xc9: {  	[tilespmem:s12], [sflag:$0x1] =	stream.linear.gather [hbm4b:s1+s2], $0x140, $0x38;
	[tilespmem:$0x1E400] =	vst v63  }
0xca: {  	s0 =	rddreg [dreg:$0x6]  }
0xcb: {  	[tilespmem:s11], [sflag:$0x1] =	stream.linear.gather [hbm4b:s0+s2], $0x140, $0x38;
	[tilespmem:$0x1E400] =	vst v63  }
0xcc: {  	_ =	swait.ge [sflag:s13], $0x140  }
0xcd: {  	[sflag:s13] =	ssyncset.done $0x0  }
0xce: {  	[sflag:s13] =	ssyncadd.s32 $0xFFFFFEC0  }
0xcf: {  	_ =	swait.ge [sflag:s13], $0x140  }
0xd0: {  	[sflag:s13] =	ssyncset.done $0x0  }
0xd1: {  	[sflag:s13] =	ssyncadd.s32 $0xFFFFFEC0  }
0xd2: {  	_ =	swait.ge [sflag:s13], $0x140  }
0xd3: {  	[sflag:s13] =	ssyncset.done $0x0  }
0xd4: {  	[sflag:s13] =	ssyncadd.s32 $0xFFFFFEC0  }
0xd5: {  	[tilespmem:s8], [sflag:$0x2] =	stream.indirect.gather [hbm4b:s3+s10], $0x80, s2, s10, $0xb8;
	[tilespmem:$0x1E400] =	vst v63  }
0xd6: {  	s13 =	rddreg [dreg:$0xa]  }
0xd7: {  	[tilespmem:s13], [sflag:$0x2] =	stream.indirect.gather [hbm4b:s3+s10], $0x80, s10, s10, $0xb8;
	[tilespmem:$0x1E400] =	vst v63  }
0xd8: {  	_ = 	snop  }
0xd9: {  	[tilespmem:s17], [sflag:$0x2] =	stream.indirect.gather [hbm4b:s3+s10], $0x80, s16, s10, $0xb8;
	[tilespmem:$0x1E400] =	vst v63  }
0xda: {  	_ = 	snop  }
0xdb: {  	[tilespmem:s19], [sflag:$0x2] =	stream.indirect.gather [hbm4b:s3+s10], $0x80, s18, s10, $0xb8;
	[tilespmem:$0x1E400] =	vst v63  }
0xdc: {  	_ = 	snop  }
0xdd: {  	[tilespmem:s6], [sflag:$0x3] =	stream.indirect.gather [hbm4b:s3+s10], $0x80, s12, s10, $0xb8;
	[tilespmem:$0x1E400] =	vst v63  }
0xde: {  	_ = 	snop  }
0xdf: {  	[tilespmem:s21], [sflag:$0x3] =	stream.indirect.gather [hbm4b:s3+s10], $0x80, s20, s10, $0xb8;
	[tilespmem:$0x1E400] =	vst v63  }
0xe0: {  	_ = 	snop  }
0xe1: {  	[tilespmem:s23], [sflag:$0x3] =	stream.indirect.gather [hbm4b:s3+s10], $0x80, s22, s10, $0xb8;
	[tilespmem:$0x1E400] =	vst v63  }
0xe2: {  	_ = 	snop  }
0xe3: {  	[tilespmem:s25], [sflag:$0x3] =	stream.indirect.gather [hbm4b:s3+s10], $0x80, s24, s10, $0xb8;
	[tilespmem:$0x1E400] =	vst v63  }
0xe4: {  	_ = 	snop  }
0xe5: {  	[tilespmem:s4], [sflag:$0x4] =	stream.indirect.gather [hbm4b:s3+s10], $0x80, s11, s10, $0xb8;
	[tilespmem:$0x1E400] =	vst v63  }
0xe6: {  	_ = 	snop  }
0xe7: {  	[tilespmem:s28], [sflag:$0x4] =	stream.indirect.gather [hbm4b:s3+s10], $0x80, s26, s10, $0xb8;
	[tilespmem:$0x1E400] =	vst v63  }
0xe8: {  	_ = 	snop  }
0xe9: {  	[tilespmem:s30], [sflag:$0x4] =	stream.indirect.gather [hbm4b:s3+s10], $0x80, s29, s10, $0xb8;
	[tilespmem:$0x1E400] =	vst v63  }
0xea: {  	_ = 	snop  }
0xeb: {  	[tilespmem:s15], [sflag:$0x4] =	stream.indirect.gather [hbm4b:s3+s10], $0x80, s31, s10, $0xb8;
	[tilespmem:$0x1E400] =	vst v63  }
0xec: {  	_ =	swait.ge [sflag:s14], $0x2800  }
0xed: {  	[sflag:s14] =	ssyncset.done $0x0  }
0xee: {  	[sflag:s14] =	ssyncadd.s32 $0xFFFFD800  }
0xef: {  	_ =	swait.ge [sflag:s14], $0x2800  }
0xf0: {  	[sflag:s14] =	ssyncset.done $0x0  }
0xf1: {  	[sflag:s14] =	ssyncadd.s32 $0xFFFFD800  }
0xf2: {  	_ =	swait.ge [sflag:s14], $0x2800  }
0xf3: {  	[sflag:s14] =	ssyncset.done $0x0  }
0xf4: {  	[sflag:s14] =	ssyncadd.s32 $0xFFFFD800  }
0xf5: {  	_ =	swait.ge [sflag:s14], $0x2800  }
0xf6: {  	[sflag:s14] =	ssyncset.done $0x0  }
0xf7: {  	s28 =	rddreg [dreg:$0x7];
	[sflag:s14] =	ssyncadd.s32 $0xFFFFD800  }
0xf8: {  	[hbm4b:s28+s2] =	stream.linear.scatter [tilespmem:s8], [sflag:$0x5], $0xA000, $0x38;
	[tilespmem:$0x1E400] =	vst v63  }
0xf9: {  	_ =	swait.ge [sflag:s5], $0xA000  }
0xfa: {  	[sflag:s5] =	ssyncset.done $0x0  }
0xfb: {  	[sflag:s5] =	ssyncadd.s32 $0xFFFF6000  }
0xfc: {  	_ =	swait.ge [sflag:s9], $0x2800  }
0xfd: {  	[sflag:s9] =	ssyncset.done $0x0  }
0xfe: {  	[sflag:s9] =	ssyncadd.s32 $0xFFFFD800  }
0xff: {  	_ =	swait.ge [sflag:s9], $0x2800  }
0x100: {  	[sflag:s9] =	ssyncset.done $0x0  }
0x101: {  	[sflag:s9] =	ssyncadd.s32 $0xFFFFD800  }
0x102: {  	_ =	swait.ge [sflag:s9], $0x2800  }
0x103: {  	[sflag:s9] =	ssyncset.done $0x0  }
0x104: {  	[sflag:s9] =	ssyncadd.s32 $0xFFFFD800  }
0x105: {  	_ =	swait.ge [sflag:s9], $0x2800  }
0x106: {  	[sflag:s9] =	ssyncset.done $0x0  }
0x107: {  	s29 =	rddreg [dreg:$0x8];
	[sflag:s9] =	ssyncadd.s32 $0xFFFFD800  }
0x108: {  	[hbm4b:s29+s2] =	stream.linear.scatter [tilespmem:s6], [sflag:$0x5], $0xA000, $0x38;
	[tilespmem:$0x1E400] =	vst v63  }
0x109: {  	_ =	swait.ge [sflag:s5], $0xA000  }
0x10a: {  	[sflag:s5] =	ssyncset.done $0x0  }
0x10b: {  	[sflag:s5] =	ssyncadd.s32 $0xFFFF6000  }
0x10c: {  	_ =	swait.ge [sflag:s7], $0x2800  }
0x10d: {  	[sflag:s7] =	ssyncset.done $0x0  }
0x10e: {  	[sflag:s7] =	ssyncadd.s32 $0xFFFFD800  }
0x10f: {  	_ =	swait.ge [sflag:s7], $0x2800  }
0x110: {  	[sflag:s7] =	ssyncset.done $0x0  }
0x111: {  	[sflag:s7] =	ssyncadd.s32 $0xFFFFD800  }
0x112: {  	_ =	swait.ge [sflag:s7], $0x2800  }
0x113: {  	[sflag:s7] =	ssyncset.done $0x0  }
0x114: {  	[sflag:s7] =	ssyncadd.s32 $0xFFFFD800  }
0x115: {  	_ =	swait.ge [sflag:s7], $0x2800  }
0x116: {  	[sflag:s7] =	ssyncset.done $0x0  }
0x117: {  	s30 =	rddreg [dreg:$0x9];
	[sflag:s7] =	ssyncadd.s32 $0xFFFFD800  }
0x118: {  	[hbm4b:s30+s2] =	stream.linear.scatter [tilespmem:s4], [sflag:$0x5], $0xA000, $0x38;
	[tilespmem:$0x1E400] =	vst v63  }
0x119: {  	_ =	swait.ge [sflag:s5], $0xA000  }
0x11a: {  	[sflag:s5] =	ssyncset.done $0x0  }
0x11b: {  	[sflag:s5] =	ssyncadd.s32 $0xFFFF6000  }
0x11c: {  	_ =	sfence.sel $0x180000  }
0x11d: {  	[bflag:$0x0] =	sbarrier.arrive $0xFFFF  }
0x11e: {  	_ =	strace $0x90000047  }
0x11f: {  	s31 =	stileid.u32;
	[bflag:$0x2] =	sbarrier.arrive $0xFFFF  }
0x120: {  	p0 =	sne.s32 s31, $0x0;
	s0 =	rddreg [dreg:$0x3]  }
0x121: {  	s0 =	sadd.s32 @!p0 $0x100000, s0  }
0x122: {  	[sflag:s0] =	ssyncadd.tile.s32 @!p0 $0x1;
	_ =	shalt  }
.LBB2_1:
0x123: {  	s15 =	simm.s32 $0x1BC00;
	s31 =	simm.s32 $0x370  }
.Ltmp3:
0x124: {  	s30 =	simm.s32 $0x19400;
	s29 =	simm.s32 $0x320;
	(pc) =	sbr.rel .LBB2_6-.Ltmp3, $4  }
0x125: {  	s28 =	simm.s32 $0x16C00;
	s26 =	simm.s32 $0x2D0;
	s25 =	simm.s32 $0x11C00  }
0x126: {  	s24 =	simm.s32 $0x230;
	s23 =	simm.s32 $0xF400;
	s22 =	simm.s32 $0x1E0  }
0x127: {  	s21 =	simm.s32 $0xCC00;
	s20 =	simm.s32 $0x190;
	s19 =	simm.s32 $0x7C00  }
0x128: {  	s18 =	simm.s32 $0xF0;
	s17 =	simm.s32 $0x5400;
	s16 =	simm.s32 $0xA0  }
.LBB2_3:
0x129: {  	s15 =	simm.s32 $0x1BC00;
	s31 =	simm.s32 $0x370  }
.Ltmp4:
0x12a: {  	s30 =	simm.s32 $0x19400;
	s29 =	simm.s32 $0x320;
	(pc) =	sbr.rel .LBB2_6-.Ltmp4, $4  }
0x12b: {  	s28 =	simm.s32 $0x16C00;
	s26 =	simm.s32 $0x2D0;
	s25 =	simm.s32 $0x11C00  }
0x12c: {  	s24 =	simm.s32 $0x230;
	s23 =	simm.s32 $0xF400;
	s22 =	simm.s32 $0x1E0  }
0x12d: {  	s21 =	simm.s32 $0xCC00;
	s20 =	simm.s32 $0x190;
	s19 =	simm.s32 $0x7C00  }
0x12e: {  	s18 =	simm.s32 $0xF0;
	s17 =	simm.s32 $0x5400;
	s16 =	simm.s32 $0xA0  }
.Lfunc_end2:
_tile_overlayer_lowered:
.L_overlay_start_2:
0x12f: {  	(tag) =	ssettag $0x2  }
0x130: {  	s0 =	rddreg [dreg:$0x0];
	s2 =	stileid.u32  }
0x131: {  	s1 =	rddreg [dreg:$0x1];
	p0 =	sne.s32 s2, $0x0  }
0x132: {  	s3 =	rddreg [dreg:$0x2];
	[bflag:$0x3] =	sbarrier.arrive $0xFFFF;
	s2 =	simm.s32 @!p0 $0x1C05  }
0x133: {  	[timem:s3], [sflag:s2] =	dma.local @!p0 [hbm:s0], s1  }
0x134: {  	s0 =	simm.s32 @!p0 $0x5  }
0x135: {  	_ =	swait.ge @!p0 [sflag:s0], s1  }
0x136: {  	s1 =	ssub.s32 @!p0 $0x0, s1;
	[sflag:s0] =	ssyncset.done @!p0 $0x0  }
0x137: {  	[sflag:s0] =	ssyncadd.s32 @!p0 s1  }
0x138: {  	[bflag:$0x3] =	sbarrier.arrive $0xFFFF  }
0x139: {  	_ =	shalt  }

</sc_bundles>
